<compile_context>
chip_gen: v7x
topology: tpu7x:2x2x1
jax: 0.10.2.dev20260603
libtpu: 0.0.44.dev20260713+nightly
codegen_flags: <defaults>
</compile_context>

<pallas_src>
import functools
import jax
import jax.numpy as jnp
from jax import lax
from jax.experimental import pallas as pl
from jax.experimental.pallas import tpu as pltpu
from jax.experimental.pallas import tpu_sc as plsc

N = 10000
NPAD = 10240
D = 128
E = 320000
G = 64
T = 8
NC = 2
NS = 16
NW = NC * NS
KE = 125
NCH_E = E // (NW * KE)
NCH_E1 = E // (NS * KE)
KN = 80
NCH_N = NPAD // (NW * KN)
NHALF = NPAD // 2
DEG_ROWS = 5248
DEG_PER_TILE = DEG_ROWS // NS
DW = 64
THR = 1.0

_f32 = jnp.float32
_mesh = plsc.VectorSubcoreMesh(core_axis_name="c", subcore_axis_name="s")
_mesh1 = plsc.VectorSubcoreMesh(core_axis_name="c", subcore_axis_name="s",
                                num_cores=1)


NCH_N1 = NPAD // (NS * KN)


def _sc_deg_body(dstd, batchd, ones_h, zeros_h, out,
                 ones_v, idx_e, idx_n, zb, acc, dsem, dsem1):
    c = lax.axis_index("c")
    s = lax.axis_index("s")
    pltpu.sync_copy(zeros_h, zb)
    pltpu.sync_copy(zb, acc.at[pl.ds(s * DEG_PER_TILE, DEG_PER_TILE)])
    pltpu.sync_copy(ones_h, ones_v)
    pltpu.sync_copy(dstd.at[c].at[s], idx_e)
    pltpu.sync_copy(batchd.at[c].at[s], idx_n)
    plsc.subcore_barrier()

    dsems = (dsem, dsem1)
    pltpu.async_copy(ones_v, acc.at[idx_e.at[0]], dsems[0], add=True)

    def outer_e(jj, carry):
        for b in range(2):
            j = jj * 2 + b
            pltpu.async_copy(ones_v, acc.at[idx_e.at[j + 1]],
                             dsems[1 - b], add=True)
            pltpu.make_async_copy(ones_v, acc.at[idx_e.at[j]],
                                  dsems[b]).wait()
        return carry

    lax.fori_loop(0, NCH_E1 // 2, outer_e, 0)
    pltpu.make_async_copy(ones_v, acc.at[idx_e.at[NCH_E1]], dsems[0]).wait()

    def step_n(j, carry):
        pltpu.sync_copy(ones_v.at[pl.ds(0, KN)], acc.at[idx_n.at[j]],
                        add=True)
        return carry

    lax.fori_loop(0, NCH_N1, step_n, 0)
    plsc.subcore_barrier()
    pltpu.sync_copy(acc.at[pl.ds(s * DEG_PER_TILE, DEG_PER_TILE)], zb)
    pltpu.sync_copy(zb, out.at[pl.ds(c * DEG_ROWS + s * DEG_PER_TILE,
                                     DEG_PER_TILE)])


_sc_deg = pl.kernel(
    _sc_deg_body,
    out_type=jax.ShapeDtypeStruct((NC * DEG_ROWS, DW), _f32),
    mesh=_mesh,
    scratch_types=[
        pltpu.VMEM((KE, DW), _f32),
        pltpu.VMEM((NCH_E1 + 1, KE), jnp.int32),
        pltpu.VMEM((NCH_N1, KN), jnp.int32),
        pltpu.VMEM((DEG_PER_TILE, DW), _f32),
        pltpu.VMEM_SHARED((DEG_ROWS, DW), _f32),
        pltpu.SemaphoreType.DMA,
        pltpu.SemaphoreType.DMA,
    ],
    compiler_params=pltpu.CompilerParams(use_tc_tiling_on_sc=False),
)


DH = D // 2


def _sc_rowsum_body(tab, src3, dst3, zeros_h, out,
                    src_v, dst_v, rows0, rows1, acc, sem0, sem1):
    c = lax.axis_index("c")
    s = lax.axis_index("s")
    stage = rows0.at[pl.ds(0, 64)]
    pltpu.sync_copy(zeros_h, stage)

    def zstep(k, carry):
        pltpu.sync_copy(stage, acc.at[pl.ds(s * 640 + k * 64, 64)])
        return carry

    lax.fori_loop(0, 10, zstep, 0)
    pltpu.sync_copy(src3.at[s], src_v)
    pltpu.sync_copy(dst3.at[s], dst_v)
    plsc.subcore_barrier()
    tabc = tab.at[c]
    rows = (rows0, rows1)
    sems = (sem0, sem1)
    pltpu.async_copy(tabc.at[src_v.at[0]], rows0, sem0)

    def outer(jj, carry):
        for b in range(2):
            j = jj * 2 + b
            pltpu.async_copy(tabc.at[src_v.at[j + 1]], rows[1 - b],
                             sems[1 - b])
            pltpu.make_async_copy(tabc.at[src_v.at[j]], rows[b],
                                  sems[b]).wait()
            pltpu.sync_copy(rows[b], acc.at[dst_v.at[j]], add=True)
        return carry

    lax.fori_loop(0, NCH_E1 // 2, outer, 0)
    pltpu.make_async_copy(tabc.at[src_v.at[NCH_E1]], rows0, sem0).wait()
    plsc.subcore_barrier()

    def wstep(k, carry):
        pltpu.sync_copy(acc.at[pl.ds(s * 640 + k * 64, 64)], stage)
        pltpu.sync_copy(stage, out.at[pl.ds(c * NPAD + s * 640 + k * 64,
                                            64)])
        return carry

    lax.fori_loop(0, 10, wstep, 0)


_sc_rowsum = pl.kernel(
    _sc_rowsum_body,
    out_type=jax.ShapeDtypeStruct((NC * NPAD, DH), _f32),
    mesh=_mesh,
    scratch_types=[
        pltpu.VMEM((NCH_E1 + 1, KE), jnp.int32),
        pltpu.VMEM((NCH_E1, KE), jnp.int32),
        pltpu.VMEM((KE, DH), _f32),
        pltpu.VMEM((KE, DH), _f32),
        pltpu.VMEM_SHARED((NPAD, DH), _f32),
        pltpu.SemaphoreType.DMA,
        pltpu.SemaphoreType.DMA,
    ],
    compiler_params=pltpu.CompilerParams(use_tc_tiling_on_sc=False),
)


def _sc_blur_body(hw, h2, q3, g3, zeros_h, out,
                  q_v, g_v, rows, zb, acc, gsem):
    c = lax.axis_index("c")
    s = lax.axis_index("s")
    wid = c * NS + s
    pltpu.sync_copy(zeros_h, zb)
    pltpu.sync_copy(zb, acc.at[pl.ds(s * 40, 40)])
    pltpu.sync_copy(q3.at[wid], q_v)
    pltpu.sync_copy(g3.at[wid], g_v)
    plsc.subcore_barrier()

    def step(j, carry):
        base = wid * (KN * NCH_N) + j * KN
        pltpu.sync_copy(hw.at[pl.ds(base, KN)], rows)
        pltpu.sync_copy(rows, acc.at[q_v.at[j]], add=True)
        pltpu.sync_copy(h2.at[pl.ds(base, KN)], rows)
        pltpu.sync_copy(rows, acc.at[g_v.at[j]], add=True)
        return carry

    lax.fori_loop(0, NCH_N, step, 0)
    plsc.subcore_barrier()
    pltpu.sync_copy(acc.at[pl.ds(s * 40, 40)], zb)
    pltpu.sync_copy(zb, out.at[c, pl.ds(s * 40, 40)])


_sc_blur = pl.kernel(
    _sc_blur_body,
    out_type=jax.ShapeDtypeStruct((NC, 640, D), _f32),
    mesh=_mesh,
    scratch_types=[
        pltpu.VMEM((NCH_N, KN), jnp.int32),
        pltpu.VMEM((NCH_N, KN), jnp.int32),
        pltpu.VMEM((KN, D), _f32),
        pltpu.VMEM((40, D), _f32),
        pltpu.VMEM_SHARED((640, D), _f32),
        pltpu.SemaphoreType.DMA,
    ],
)


_BLK = 1024
_GRID = NPAD // _BLK


def _dinv_body(degp_ref, out_ref):
    out_ref[...] = lax.rsqrt(degp_ref[...][:, 0:1] + 1.0)


def _dinv_call(degp):
    return pl.pallas_call(
        _dinv_body,
        grid=(_GRID,),
        in_specs=[pl.BlockSpec((_BLK, DW), lambda i: (i, 0))],
        out_specs=pl.BlockSpec((_BLK, 1), lambda i: (i, 0)),
        out_shape=jax.ShapeDtypeStruct((NPAD, 1), _f32),
    )(degp)


def _gmeta_body(cnt_ref, starts_ref, delta_ref, small_ref):
    cnt_col = cnt_ref[...][:, 0:1]
    gi = lax.broadcasted_iota(jnp.int32, (G, G), 0)
    gj = lax.broadcasted_iota(jnp.int32, (G, G), 1)
    cnt_b = jnp.broadcast_to(cnt_col, (G, G))
    counts_row = jnp.sum(jnp.where(gi == gj, cnt_b, 0.0), axis=0,
                         keepdims=True)
    starts_ref[...] = jnp.sum(jnp.where(gi < gj, cnt_b, 0.0), axis=0,
                              keepdims=True)
    r_row = jnp.floor((counts_row + 7.0) / 8.0)
    delta_ref[...] = (0.0 - THR) / jnp.maximum(r_row - 1.0, 1.0)
    small_ref[...] = (cnt_col < 8.0).astype(_f32)


def _gmeta_call(cnt):
    return pl.pallas_call(
        _gmeta_body,
        in_specs=[pl.BlockSpec((G, DW), lambda: (0, 0))],
        out_specs=[
            pl.BlockSpec((1, G), lambda: (0, 0)),
            pl.BlockSpec((1, G), lambda: (0, 0)),
            pl.BlockSpec((G, 1), lambda: (0, 0)),
        ],
        out_shape=[
            jax.ShapeDtypeStruct((1, G), _f32),
            jax.ShapeDtypeStruct((1, G), _f32),
            jax.ShapeDtypeStruct((G, 1), _f32),
        ],
    )(cnt)


def _mm1_body(x_ref, w_ref, dinv_ref, h1_ref, hs1_ref):
    h = jnp.dot(x_ref[...], w_ref[...], preferred_element_type=_f32)
    h1_ref[...] = h
    hs = h * dinv_ref[...]
    hs1_ref[0] = hs[:, :DH]
    hs1_ref[1] = hs[:, DH:]


def _mm1_call(xp, W1, dinv):
    return pl.pallas_call(
        _mm1_body,
        grid=(_GRID,),
        in_specs=[
            pl.BlockSpec((_BLK, D), lambda i: (i, 0)),
            pl.BlockSpec((D, D), lambda i: (0, 0)),
            pl.BlockSpec((_BLK, 1), lambda i: (i, 0)),
        ],
        out_specs=[
            pl.BlockSpec((_BLK, D), lambda i: (i, 0)),
            pl.BlockSpec((NC, _BLK, DH), lambda i: (0, i, 0)),
        ],
        out_shape=[
            jax.ShapeDtypeStruct((NPAD, D), _f32),
            jax.ShapeDtypeStruct((NC, NPAD, DH), _f32),
        ],
    )(xp, W1, dinv)


def _comb1_body(accp_ref, h1_ref, dinv_ref, b1_ref, w2_ref,
                pre_ref, hs2_ref):
    dinv = dinv_ref[...]
    a = jnp.concatenate([accp_ref[0], accp_ref[1]], axis=1)
    h2in = jnp.maximum(a * dinv + dinv * dinv * h1_ref[...] + b1_ref[...],
                       0.0)
    pre = jnp.dot(h2in, w2_ref[...], preferred_element_type=_f32)
    pre_ref[...] = pre
    hs = pre * dinv
    hs2_ref[0] = hs[:, :DH]
    hs2_ref[1] = hs[:, DH:]


def _comb1_call(accp, h1, dinv, b1, W2):
    return pl.pallas_call(
        _comb1_body,
        grid=(_GRID,),
        in_specs=[
            pl.BlockSpec((NC, _BLK, DH), lambda i: (0, i, 0)),
            pl.BlockSpec((_BLK, D), lambda i: (i, 0)),
            pl.BlockSpec((_BLK, 1), lambda i: (i, 0)),
            pl.BlockSpec((1, D), lambda i: (0, 0)),
            pl.BlockSpec((D, D), lambda i: (0, 0)),
        ],
        out_specs=[
            pl.BlockSpec((_BLK, D), lambda i: (i, 0)),
            pl.BlockSpec((NC, _BLK, DH), lambda i: (0, i, 0)),
        ],
        out_shape=[
            jax.ShapeDtypeStruct((NPAD, D), _f32),
            jax.ShapeDtypeStruct((NC, NPAD, DH), _f32),
        ],
    )(accp, h1, dinv, b1, W2)


def _comb2_body(accp_ref, pre_ref, dinv_ref, b2_ref, batch_ref,
                starts_ref, delta_ref,
                h2_ref, hw_ref, q_ref, g_ref):
    i = pl.program_id(0)
    dinv = dinv_ref[...]
    a = jnp.concatenate([accp_ref[0], accp_ref[1]], axis=1)
    h2 = a * dinv + dinv * dinv * pre_ref[...] + b2_ref[...]
    h2_ref[...] = h2
    b = batch_ref[...]
    lane = lax.broadcasted_iota(jnp.int32, (_BLK, G), 1)
    m = (b == lane).astype(_f32)
    starts_i = jnp.sum(m * starts_ref[...], axis=1, keepdims=True)
    delta_i = jnp.sum(m * delta_ref[...], axis=1, keepdims=True)
    i_glob = i * _BLK + lax.broadcasted_iota(jnp.int32, (_BLK, 1), 0)
    p = i_glob.astype(_f32) - starts_i
    cc = jnp.floor(p * 0.125)
    tt = p - 8.0 * cc
    w = THR + cc * delta_i
    hw_ref[...] = w * h2
    ti = tt.astype(jnp.int32)
    q_ref[...] = jnp.where(b >= G, 639, ti * G + b)
    g_ref[...] = jnp.where(b >= G, 639, 512 + b)


def _comb2_call(accp, pre, dinv, b2, batchp, starts, delta):
    return pl.pallas_call(
        _comb2_body,
        grid=(_GRID,),
        in_specs=[
            pl.BlockSpec((NC, _BLK, DH), lambda i: (0, i, 0)),
            pl.BlockSpec((_BLK, D), lambda i: (i, 0)),
            pl.BlockSpec((_BLK, 1), lambda i: (i, 0)),
            pl.BlockSpec((1, D), lambda i: (0, 0)),
            pl.BlockSpec((_BLK, 1), lambda i: (i, 0)),
            pl.BlockSpec((1, G), lambda i: (0, 0)),
            pl.BlockSpec((1, G), lambda i: (0, 0)),
        ],
        out_specs=[
            pl.BlockSpec((_BLK, D), lambda i: (i, 0)),
            pl.BlockSpec((_BLK, D), lambda i: (i, 0)),
            pl.BlockSpec((_BLK, 1), lambda i: (i, 0)),
            pl.BlockSpec((_BLK, 1), lambda i: (i, 0)),
        ],
        out_shape=[
            jax.ShapeDtypeStruct((NPAD, D), _f32),
            jax.ShapeDtypeStruct((NPAD, D), _f32),
            jax.ShapeDtypeStruct((NPAD, 1), jnp.int32),
            jax.ShapeDtypeStruct((NPAD, 1), jnp.int32),
        ],
    )(accp, pre, dinv, b2, batchp, starts, delta)


def _lif(z):
    mem = jnp.zeros_like(z)
    acc = jnp.zeros_like(z)
    for _ in range(4):
        reset = (mem > 1.0).astype(_f32)
        mem = 0.9 * mem + z - reset * 1.0
        acc = acc + (mem > 1.0).astype(_f32)
    return acc * 0.25


def _clf_body(bp_ref, small_ref, wc1_ref, bc1_ref, wc2_ref, bc2_ref,
              wc3_ref, bc3_ref, out_ref):
    big = bp_ref[0] + bp_ref[1]
    gsum = big[512:576]
    small = small_ref[...]
    z1 = jnp.broadcast_to(bc1_ref[...], (G, D)).astype(_f32)
    for t in range(T):
        bt = big[t * G:(t + 1) * G]
        st = (1.0 - t / 7.0) * gsum
        sel = jnp.where(small > 0.0, st, bt)
        z1 = z1 + jnp.dot(sel, wc1_ref[t * D:(t + 1) * D, :],
                          preferred_element_type=_f32)
    z1 = _lif(z1)
    z2 = _lif(jnp.dot(z1, wc2_ref[...], preferred_element_type=_f32)
              + bc2_ref[...])
    out_ref[...] = (jnp.dot(z2, wc3_ref[...], preferred_element_type=_f32)
                    + bc3_ref[...])


def _clf_call(bp, small, Wc1, bc1, Wc2, bc2, Wc3p, bc3p):
    return pl.pallas_call(
        _clf_body,
        in_specs=[
            pl.BlockSpec((NC, 640, D), lambda: (0, 0, 0)),
            pl.BlockSpec((G, 1), lambda: (0, 0)),
            pl.BlockSpec((T * D, D), lambda: (0, 0)),
            pl.BlockSpec((1, D), lambda: (0, 0)),
            pl.BlockSpec((D, D), lambda: (0, 0)),
            pl.BlockSpec((1, D), lambda: (0, 0)),
            pl.BlockSpec((D, D), lambda: (0, 0)),
            pl.BlockSpec((1, D), lambda: (0, 0)),
        ],
        out_specs=pl.BlockSpec((G, D), lambda: (0, 0)),
        out_shape=jax.ShapeDtypeStruct((G, D), _f32),
    )(bp, small, Wc1, bc1, Wc2, bc2, Wc3p, bc3p)


@jax.jit
def _run(x, edge_index, batch, W1, b1, W2, b2, Wc1, bc1, Wc2, bc2, Wc3, bc3):
    src = edge_index[0]
    dst = edge_index[1]

    xp = jnp.pad(x, ((0, NPAD - N), (0, 0)))
    src2 = src.reshape(NS, NCH_E1, KE)
    src3 = jnp.concatenate([src2, src2[:, :1]], axis=1)
    dst3 = dst.reshape(NS, NCH_E1, KE)
    batchp = jnp.pad(batch, (0, NPAD - N), constant_values=G).reshape(NPAD, 1)
    n_trash = DEG_ROWS - NHALF - G
    tr_e = NHALF + G + (jnp.arange(E, dtype=jnp.int32) % n_trash)
    d0 = jnp.where(dst < NHALF, dst, tr_e)
    d1 = jnp.where(dst >= NHALF, dst - NHALF, tr_e)
    extra = jnp.broadcast_to(
        NHALF + G + (jnp.arange(KE, dtype=jnp.int32) % n_trash),
        (NC, NS, 1, KE)).astype(jnp.int32)
    dstd = jnp.concatenate(
        [jnp.stack([d0, d1]).reshape(NC, NS, NCH_E1, KE), extra], axis=2)
    tr_n = NHALF + G + (jnp.arange(NPAD, dtype=jnp.int32) % n_trash)
    bp_flat = jnp.pad(batch, (0, NPAD - N), constant_values=G)
    bh0 = jnp.where(bp_flat < G, bp_flat + NHALF, tr_n)
    batchd = jnp.stack([bh0, tr_n]).reshape(NC, NS, NCH_N1, KN)
    ones_h = jnp.ones((KE, DW), _f32)
    zeros_deg = jnp.zeros((DEG_PER_TILE, DW), _f32)
    zeros_rows = jnp.zeros((64, DH), _f32)
    zeros_blur = jnp.zeros((40, D), _f32)
    b1r = b1.reshape(1, D)
    b2r = b2.reshape(1, D)
    bc1r = bc1.reshape(1, D)
    bc2r = bc2.reshape(1, D)
    Wc3p = jnp.pad(Wc3, ((0, 0), (0, D - Wc3.shape[1])))
    bc3p = jnp.pad(bc3, (0, D - bc3.shape[0])).reshape(1, D)

    degout = _sc_deg(dstd, batchd, ones_h, zeros_deg)
    degp = jnp.concatenate([degout[:NHALF],
                            degout[DEG_ROWS:DEG_ROWS + NHALF]], axis=0)
    dinv = _dinv_call(degp)
    starts, delta, small = _gmeta_call(degout[NHALF:NHALF + G])
    h1, hs1 = _mm1_call(xp, W1, dinv)
    acc1 = _sc_rowsum(hs1, src3, dst3, zeros_rows).reshape(NC, NPAD, DH)
    pre2, hs2 = _comb1_call(acc1, h1, dinv, b1r, W2)
    acc2 = _sc_rowsum(hs2, src3, dst3, zeros_rows).reshape(NC, NPAD, DH)
    h2, hw, q, gidx = _comb2_call(acc2, pre2, dinv, b2r, batchp,
                                  starts, delta)
    q3 = q.reshape(NW, NCH_N, KN)
    g3 = gidx.reshape(NW, NCH_N, KN)
    blur = _sc_blur(hw, h2, q3, g3, zeros_blur)
    zfull = _clf_call(blur, small, Wc1, bc1r, Wc2, bc2r, Wc3p, bc3p)
    return zfull[:, :Wc3.shape[1]]


def kernel(x, edge_index, batch, W1, b1, W2, b2, Wc1, bc1, Wc2, bc2, Wc3, bc3):
    return _run(x, edge_index, batch, W1, b1, W2, b2,
                Wc1, bc1, Wc2, bc2, Wc3, bc3)

# --- scband reference (transcript-rebuilt; emitter-appended) ---
"""Pipeline reference for scband-basic-sgnnclassifier-6571299963162 (READ-ONLY COPY).

The authoritative reference and input builder live on the scoring server;
editing this copy changes nothing except your own understanding.
"""

import jax, jax.numpy as jnp
import numpy as np

N_NODES = 10000
N_EDGES = 320000
D_IN = 128
D_H = 128
N_CLASSES = 10
NUM_GRAPHS = 64
T = 8
NUM_STEPS = 4
BETA = 0.9
THR = 1.0
LIF_THR = 1.0
H_CLF = 128
SLOPE = 25.0

@jax.custom_vjp
def spike(u):
    return (u > 0).astype(jnp.float32)

def _spike_fwd(u):
    return (u > 0).astype(jnp.float32), u

def _spike_bwd(u, g):
    # snnTorch surrogate.fast_sigmoid (slope=25) backward
    return (g / (SLOPE * jnp.abs(u) + 1.0) ** 2,)

spike.defvjp(_spike_fwd, _spike_bwd)

def gcn_conv(x, W, b, src, dst, n):
    # PyG GCNConv with add_self_loops=True, symmetric gcn_norm
    h = x @ W
    deg = jnp.zeros((n,), jnp.float32).at[dst].add(1.0) + 1.0  # +1 for self loop
    dinv = 1.0 / jnp.sqrt(deg)
    norm = dinv[src] * dinv[dst]
    out = jnp.zeros_like(h).at[dst].add(norm[:, None] * h[src])
    out = out + (dinv * dinv)[:, None] * h  # self-loop message
    return out + b

def lif_rate(x):
    # snn.Leaky, reset_mechanism='subtract', reset is detached (stop_gradient)
    mem = jnp.zeros_like(x)
    acc = jnp.zeros_like(x)
    for _ in range(NUM_STEPS):
        reset = jax.lax.stop_gradient(spike(mem - LIF_THR))
        mem = BETA * mem + x - reset * LIF_THR
        acc = acc + spike(mem - LIF_THR)
    return acc / float(NUM_STEPS)

def node_blur(x, batch):
    f = x.shape[1]
    n_nodes = x.shape[0]
    r_max = (n_nodes + T - 1) // T
    counts = jnp.zeros((NUM_GRAPHS,), jnp.int32).at[batch].add(1)
    starts = jnp.concatenate(
        [jnp.zeros((1,), jnp.int32), jnp.cumsum(counts)[:-1].astype(jnp.int32)]
    )
    p = jnp.arange(n_nodes, dtype=jnp.int32) - starts[batch]
    big = jnp.zeros((NUM_GRAPHS, r_max * T, f), x.dtype).at[batch, p].add(x)
    big = big.reshape(NUM_GRAPHS, r_max, T, f)
    r = (counts + T - 1) // T
    c = jnp.arange(r_max, dtype=jnp.int32)
    denom = jnp.maximum(r - 1, 1).astype(jnp.float32)
    delta = (0.0 - THR) / denom
    row_w = THR + c[None, :].astype(jnp.float32) * delta[:, None]
    row_w = jnp.where(
        r[:, None] == 1,
        jnp.where(c[None, :] == 0, jnp.float32(THR), jnp.float32(0.0)),
        row_w,
    )
    row_w = jnp.where(c[None, :] < r[:, None], row_w, jnp.float32(0.0))
    out_big = (row_w[:, :, None, None] * big).sum(1)
    gsum = jnp.zeros((NUM_GRAPHS, f), x.dtype).at[batch].add(x)
    row_w_small = jnp.linspace(THR, 0.0, T)
    out_small = row_w_small[None, :, None] * gsum[:, None, :]
    return jnp.where((counts < T)[:, None, None], out_small, out_big)

def setup_inputs(seed: int = 0):
    key = jax.random.key(seed)
    ks = jax.random.split(key, 16)
    x = jax.random.normal(ks[0], (N_NODES, D_IN), jnp.float32)
    edge_index = jax.random.randint(ks[1], (2, N_EDGES), 0, N_NODES, jnp.int32)
    batch = jnp.sort(jax.random.randint(ks[2], (N_NODES,), 0, NUM_GRAPHS, jnp.int32))
    s = 0.05
    W1 = jax.random.normal(ks[3], (D_IN, D_H), jnp.float32) * s
    b1 = jnp.zeros((D_H,), jnp.float32)
    W2 = jax.random.normal(ks[4], (D_H, D_H), jnp.float32) * s
    b2 = jnp.zeros((D_H,), jnp.float32)
    Wc1 = jax.random.normal(ks[5], (D_H * T, H_CLF), jnp.float32) * s
    bc1 = jnp.zeros((H_CLF,), jnp.float32)
    Wc2 = jax.random.normal(ks[6], (H_CLF, H_CLF), jnp.float32) * s
    bc2 = jnp.zeros((H_CLF,), jnp.float32)
    Wc3 = jax.random.normal(ks[7], (H_CLF, N_CLASSES), jnp.float32) * s
    bc3 = jnp.zeros((N_CLASSES,), jnp.float32)
    return {"x": x, "edge_index": edge_index, "batch": batch,
            "W1": W1, "b1": b1, "W2": W2, "b2": b2,
            "Wc1": Wc1, "bc1": bc1, "Wc2": Wc2, "bc2": bc2,
            "Wc3": Wc3, "bc3": bc3}

def reference(x, edge_index, batch, W1, b1, W2, b2, Wc1, bc1, Wc2, bc2, Wc3, bc3):
    src = edge_index[0]
    dst = edge_index[1]
    n = x.shape[0]
    h = gcn_conv(x, W1, b1, src, dst, n)
    h = jax.nn.relu(h)
    # dropout skipped (eval mode)
    h = gcn_conv(h, W2, b2, src, dst, n)
    # time_chunk_x(G): node reordering treated as identity (SrcDstGraph undefined)
    hb = node_blur(h, batch)
    flat = hb.reshape(hb.shape[0], -1)
    z = flat @ Wc1 + bc1
    z = lif_rate(z)
    z = z @ Wc2 + bc2
    z = lif_rate(z)
    return z @ Wc3 + bc3

if __name__ == "__main__":
    import jax
    _d = setup_inputs()
    print(jax.jit(kernel)(*tuple(_d.values())))

</pallas_src>

<mosaic_0001>
#map = affine_map<(d0, d1) -> (0, 0, 0, 0)>
#map1 = affine_map<(d0, d1) -> (0, 0)>
module attributes {stable_mosaic.version = 14 : i64} {
  func.func @_sc_deg_body(%arg0: i32, %arg1: i32, %arg2: memref<2x16x161x125xi32, #tpu.memory_space<hbm>>, %arg3: memref<2x16x8x80xi32, #tpu.memory_space<hbm>>, %arg4: memref<125x64xf32, #tpu.memory_space<hbm>>, %arg5: memref<328x64xf32, #tpu.memory_space<hbm>>, %arg6: memref<10496x64xf32, #tpu.memory_space<hbm>>, %arg7: memref<125x64xf32, #tpu.memory_space<vmem>>, %arg8: memref<161x125xi32, #tpu.memory_space<vmem>>, %arg9: memref<8x80xi32, #tpu.memory_space<vmem>>, %arg10: memref<328x64xf32, #tpu.memory_space<vmem>>, %arg11: memref<5248x64xf32, #tpu.memory_space<vmem_shared>>, %arg12: memref<!tpu.dma_semaphore, #tpu.memory_space<semaphore_mem>>, %arg13: memref<!tpu.dma_semaphore, #tpu.memory_space<semaphore_mem>>) attributes {dimension_semantics = [#tpu.dimension_semantics<core_parallel>, #tpu.dimension_semantics<subcore_parallel>], iteration_bounds = array<i64: 2, 16>, scalar_prefetch = 0 : i64, scratch_operands = 7 : i64, tpu.core_type = #tpu.core_type<sc_vector_subcore>, window_params = [{transform_indices = #map}, {transform_indices = #map}, {transform_indices = #map1}, {transform_indices = #map1}, {transform_indices = #map1}]} {
    "tpu.region"() ({
      %run_scoped3A = tpu.sem_alloc : memref<!tpu.dma_semaphore, #tpu.memory_space<semaphore_mem>>
      tpu.enqueue_dma source(%arg5 : memref<328x64xf32, #tpu.memory_space<hbm>>) target(%arg10 : memref<328x64xf32, #tpu.memory_space<vmem>>) target_semaphore(%run_scoped3A : memref<!tpu.dma_semaphore, #tpu.memory_space<semaphore_mem>>)
      tpu.wait_dma2 semaphore(%run_scoped3A : memref<!tpu.dma_semaphore, #tpu.memory_space<semaphore_mem>>) src(%arg5 : memref<328x64xf32, #tpu.memory_space<hbm>>) dst(%arg10 : memref<328x64xf32, #tpu.memory_space<vmem>>)
      tpu.yield
    }) : () -> ()
    %mul3A = arith.constant 328 : i32
    %mul3A_0 = arith.muli %arg1, %mul3A : i32
    "tpu.region"() ({
      %run_scoped3A = tpu.sem_alloc : memref<!tpu.dma_semaphore, #tpu.memory_space<semaphore_mem>>
      %dma_start3A_31 = arith.constant 0 : i32
      %dma_start3A_32 = tpu.memref_slice %arg11[%mul3A_0, %dma_start3A_31] : memref<5248x64xf32, #tpu.memory_space<vmem_shared>> -> memref<328x64xf32, #tpu.memory_space<vmem_shared>>
      %dma_start3A_33 = arith.constant 0 : i32
      %dma_start3A_34 = tpu.memref_slice %arg11[%mul3A_0, %dma_start3A_33] : memref<5248x64xf32, #tpu.memory_space<vmem_shared>> -> memref<328x64xf32, #tpu.memory_space<vmem_shared>>
      tpu.enqueue_dma source(%arg10 : memref<328x64xf32, #tpu.memory_space<vmem>>) target(%dma_start3A_34 : memref<328x64xf32, #tpu.memory_space<vmem_shared>>) target_semaphore(%run_scoped3A : memref<!tpu.dma_semaphore, #tpu.memory_space<semaphore_mem>>)
      %dma_wait3A_35 = arith.constant 0 : i32
      %dma_wait3A_36 = tpu.memref_slice %arg11[%mul3A_0, %dma_wait3A_35] : memref<5248x64xf32, #tpu.memory_space<vmem_shared>> -> memref<328x64xf32, #tpu.memory_space<vmem_shared>>
      %dma_wait3A_37 = arith.constant 0 : i32
      %dma_wait3A_38 = tpu.memref_slice %arg11[%mul3A_0, %dma_wait3A_37] : memref<5248x64xf32, #tpu.memory_space<vmem_shared>> -> memref<328x64xf32, #tpu.memory_space<vmem_shared>>
      tpu.wait_dma2 semaphore(%run_scoped3A : memref<!tpu.dma_semaphore, #tpu.memory_space<semaphore_mem>>) src(%arg10 : memref<328x64xf32, #tpu.memory_space<vmem>>) dst(%dma_wait3A_38 : memref<328x64xf32, #tpu.memory_space<vmem_shared>>)
      tpu.yield
    }) : () -> ()
    "tpu.region"() ({
      %run_scoped3A = tpu.sem_alloc : memref<!tpu.dma_semaphore, #tpu.memory_space<semaphore_mem>>
      tpu.enqueue_dma source(%arg4 : memref<125x64xf32, #tpu.memory_space<hbm>>) target(%arg7 : memref<125x64xf32, #tpu.memory_space<vmem>>) target_semaphore(%run_scoped3A : memref<!tpu.dma_semaphore, #tpu.memory_space<semaphore_mem>>)
      tpu.wait_dma2 semaphore(%run_scoped3A : memref<!tpu.dma_semaphore, #tpu.memory_space<semaphore_mem>>) src(%arg4 : memref<125x64xf32, #tpu.memory_space<hbm>>) dst(%arg7 : memref<125x64xf32, #tpu.memory_space<vmem>>)
      tpu.yield
    }) : () -> ()
    "tpu.region"() ({
      %run_scoped3A = tpu.sem_alloc : memref<!tpu.dma_semaphore, #tpu.memory_space<semaphore_mem>>
      %dma_start3A_31 = arith.constant 0 : i32
      %dma_start3A_32 = arith.constant 0 : i32
      %dma_start3A_33 = arith.constant 0 : i32
      %dma_start3A_34 = tpu.memref_slice %arg2[%arg0, %dma_start3A_31, %dma_start3A_32, %dma_start3A_33] : memref<2x16x161x125xi32, #tpu.memory_space<hbm>> -> memref<1x16x161x125xi32, #tpu.memory_space<hbm>>
      %dma_start3A_35 = tpu.memref_squeeze %dma_start3A_34 : memref<1x16x161x125xi32, #tpu.memory_space<hbm>> -> memref<16x161x125xi32, #tpu.memory_space<hbm>>
      %dma_start3A_36 = arith.constant 0 : i32
      %dma_start3A_37 = arith.constant 0 : i32
      %dma_start3A_38 = tpu.memref_slice %dma_start3A_35[%arg1, %dma_start3A_36, %dma_start3A_37] : memref<16x161x125xi32, #tpu.memory_space<hbm>> -> memref<1x161x125xi32, #tpu.memory_space<hbm>>
      %dma_start3A_39 = tpu.memref_squeeze %dma_start3A_38 : memref<1x161x125xi32, #tpu.memory_space<hbm>> -> memref<161x125xi32, #tpu.memory_space<hbm>>
      %dma_start3A_40 = arith.constant 0 : i32
      %dma_start3A_41 = arith.constant 0 : i32
      %dma_start3A_42 = arith.constant 0 : i32
      %dma_start3A_43 = tpu.memref_slice %arg2[%arg0, %dma_start3A_40, %dma_start3A_41, %dma_start3A_42] : memref<2x16x161x125xi32, #tpu.memory_space<hbm>> -> memref<1x16x161x125xi32, #tpu.memory_space<hbm>>
      %dma_start3A_44 = tpu.memref_squeeze %dma_start3A_43 : memref<1x16x161x125xi32, #tpu.memory_space<hbm>> -> memref<16x161x125xi32, #tpu.memory_space<hbm>>
      %dma_start3A_45 = arith.constant 0 : i32
      %dma_start3A_46 = arith.constant 0 : i32
      %dma_start3A_47 = tpu.memref_slice %dma_start3A_44[%arg1, %dma_start3A_45, %dma_start3A_46] : memref<16x161x125xi32, #tpu.memory_space<hbm>> -> memref<1x161x125xi32, #tpu.memory_space<hbm>>
      %dma_start3A_48 = tpu.memref_squeeze %dma_start3A_47 : memref<1x161x125xi32, #tpu.memory_space<hbm>> -> memref<161x125xi32, #tpu.memory_space<hbm>>
      tpu.enqueue_dma source(%dma_start3A_48 : memref<161x125xi32, #tpu.memory_space<hbm>>) target(%arg8 : memref<161x125xi32, #tpu.memory_space<vmem>>) target_semaphore(%run_scoped3A : memref<!tpu.dma_semaphore, #tpu.memory_space<semaphore_mem>>)
      %dma_wait3A_49 = arith.constant 0 : i32
      %dma_wait3A_50 = arith.constant 0 : i32
      %dma_wait3A_51 = arith.constant 0 : i32
      %dma_wait3A_52 = tpu.memref_slice %arg2[%arg0, %dma_wait3A_49, %dma_wait3A_50, %dma_wait3A_51] : memref<2x16x161x125xi32, #tpu.memory_space<hbm>> -> memref<1x16x161x125xi32, #tpu.memory_space<hbm>>
      %dma_wait3A_53 = tpu.memref_squeeze %dma_wait3A_52 : memref<1x16x161x125xi32, #tpu.memory_space<hbm>> -> memref<16x161x125xi32, #tpu.memory_space<hbm>>
      %dma_wait3A_54 = arith.constant 0 : i32
      %dma_wait3A_55 = arith.constant 0 : i32
      %dma_wait3A_56 = tpu.memref_slice %dma_wait3A_53[%arg1, %dma_wait3A_54, %dma_wait3A_55] : memref<16x161x125xi32, #tpu.memory_space<hbm>> -> memref<1x161x125xi32, #tpu.memory_space<hbm>>
      %dma_wait3A_57 = tpu.memref_squeeze %dma_wait3A_56 : memref<1x161x125xi32, #tpu.memory_space<hbm>> -> memref<161x125xi32, #tpu.memory_space<hbm>>
      %dma_wait3A_58 = arith.constant 0 : i32
      %dma_wait3A_59 = arith.constant 0 : i32
      %dma_wait3A_60 = arith.constant 0 : i32
      %dma_wait3A_61 = tpu.memref_slice %arg2[%arg0, %dma_wait3A_58, %dma_wait3A_59, %dma_wait3A_60] : memref<2x16x161x125xi32, #tpu.memory_space<hbm>> -> memref<1x16x161x125xi32, #tpu.memory_space<hbm>>
      %dma_wait3A_62 = tpu.memref_squeeze %dma_wait3A_61 : memref<1x16x161x125xi32, #tpu.memory_space<hbm>> -> memref<16x161x125xi32, #tpu.memory_space<hbm>>
      %dma_wait3A_63 = arith.constant 0 : i32
      %dma_wait3A_64 = arith.constant 0 : i32
      %dma_wait3A_65 = tpu.memref_slice %dma_wait3A_62[%arg1, %dma_wait3A_63, %dma_wait3A_64] : memref<16x161x125xi32, #tpu.memory_space<hbm>> -> memref<1x161x125xi32, #tpu.memory_space<hbm>>
      %dma_wait3A_66 = tpu.memref_squeeze %dma_wait3A_65 : memref<1x161x125xi32, #tpu.memory_space<hbm>> -> memref<161x125xi32, #tpu.memory_space<hbm>>
      tpu.wait_dma2 semaphore(%run_scoped3A : memref<!tpu.dma_semaphore, #tpu.memory_space<semaphore_mem>>) src(%dma_wait3A_66 : memref<161x125xi32, #tpu.memory_space<hbm>>) dst(%arg8 : memref<161x125xi32, #tpu.memory_space<vmem>>)
      tpu.yield
    }) : () -> ()
    "tpu.region"() ({
      %run_scoped3A = tpu.sem_alloc : memref<!tpu.dma_semaphore, #tpu.memory_space<semaphore_mem>>
      %dma_start3A_31 = arith.constant 0 : i32
      %dma_start3A_32 = arith.constant 0 : i32
      %dma_start3A_33 = arith.constant 0 : i32
      %dma_start3A_34 = tpu.memref_slice %arg3[%arg0, %dma_start3A_31, %dma_start3A_32, %dma_start3A_33] : memref<2x16x8x80xi32, #tpu.memory_space<hbm>> -> memref<1x16x8x80xi32, #tpu.memory_space<hbm>>
      %dma_start3A_35 = tpu.memref_squeeze %dma_start3A_34 : memref<1x16x8x80xi32, #tpu.memory_space<hbm>> -> memref<16x8x80xi32, #tpu.memory_space<hbm>>
      %dma_start3A_36 = arith.constant 0 : i32
      %dma_start3A_37 = arith.constant 0 : i32
      %dma_start3A_38 = tpu.memref_slice %dma_start3A_35[%arg1, %dma_start3A_36, %dma_start3A_37] : memref<16x8x80xi32, #tpu.memory_space<hbm>> -> memref<1x8x80xi32, #tpu.memory_space<hbm>>
      %dma_start3A_39 = tpu.memref_squeeze %dma_start3A_38 : memref<1x8x80xi32, #tpu.memory_space<hbm>> -> memref<8x80xi32, #tpu.memory_space<hbm>>
      %dma_start3A_40 = arith.constant 0 : i32
      %dma_start3A_41 = arith.constant 0 : i32
      %dma_start3A_42 = arith.constant 0 : i32
      %dma_start3A_43 = tpu.memref_slice %arg3[%arg0, %dma_start3A_40, %dma_start3A_41, %dma_start3A_42] : memref<2x16x8x80xi32, #tpu.memory_space<hbm>> -> memref<1x16x8x80xi32, #tpu.memory_space<hbm>>
      %dma_start3A_44 = tpu.memref_squeeze %dma_start3A_43 : memref<1x16x8x80xi32, #tpu.memory_space<hbm>> -> memref<16x8x80xi32, #tpu.memory_space<hbm>>
      %dma_start3A_45 = arith.constant 0 : i32
      %dma_start3A_46 = arith.constant 0 : i32
      %dma_start3A_47 = tpu.memref_slice %dma_start3A_44[%arg1, %dma_start3A_45, %dma_start3A_46] : memref<16x8x80xi32, #tpu.memory_space<hbm>> -> memref<1x8x80xi32, #tpu.memory_space<hbm>>
      %dma_start3A_48 = tpu.memref_squeeze %dma_start3A_47 : memref<1x8x80xi32, #tpu.memory_space<hbm>> -> memref<8x80xi32, #tpu.memory_space<hbm>>
      tpu.enqueue_dma source(%dma_start3A_48 : memref<8x80xi32, #tpu.memory_space<hbm>>) target(%arg9 : memref<8x80xi32, #tpu.memory_space<vmem>>) target_semaphore(%run_scoped3A : memref<!tpu.dma_semaphore, #tpu.memory_space<semaphore_mem>>)
      %dma_wait3A_49 = arith.constant 0 : i32
      %dma_wait3A_50 = arith.constant 0 : i32
      %dma_wait3A_51 = arith.constant 0 : i32
      %dma_wait3A_52 = tpu.memref_slice %arg3[%arg0, %dma_wait3A_49, %dma_wait3A_50, %dma_wait3A_51] : memref<2x16x8x80xi32, #tpu.memory_space<hbm>> -> memref<1x16x8x80xi32, #tpu.memory_space<hbm>>
      %dma_wait3A_53 = tpu.memref_squeeze %dma_wait3A_52 : memref<1x16x8x80xi32, #tpu.memory_space<hbm>> -> memref<16x8x80xi32, #tpu.memory_space<hbm>>
      %dma_wait3A_54 = arith.constant 0 : i32
      %dma_wait3A_55 = arith.constant 0 : i32
      %dma_wait3A_56 = tpu.memref_slice %dma_wait3A_53[%arg1, %dma_wait3A_54, %dma_wait3A_55] : memref<16x8x80xi32, #tpu.memory_space<hbm>> -> memref<1x8x80xi32, #tpu.memory_space<hbm>>
      %dma_wait3A_57 = tpu.memref_squeeze %dma_wait3A_56 : memref<1x8x80xi32, #tpu.memory_space<hbm>> -> memref<8x80xi32, #tpu.memory_space<hbm>>
      %dma_wait3A_58 = arith.constant 0 : i32
      %dma_wait3A_59 = arith.constant 0 : i32
      %dma_wait3A_60 = arith.constant 0 : i32
      %dma_wait3A_61 = tpu.memref_slice %arg3[%arg0, %dma_wait3A_58, %dma_wait3A_59, %dma_wait3A_60] : memref<2x16x8x80xi32, #tpu.memory_space<hbm>> -> memref<1x16x8x80xi32, #tpu.memory_space<hbm>>
      %dma_wait3A_62 = tpu.memref_squeeze %dma_wait3A_61 : memref<1x16x8x80xi32, #tpu.memory_space<hbm>> -> memref<16x8x80xi32, #tpu.memory_space<hbm>>
      %dma_wait3A_63 = arith.constant 0 : i32
      %dma_wait3A_64 = arith.constant 0 : i32
      %dma_wait3A_65 = tpu.memref_slice %dma_wait3A_62[%arg1, %dma_wait3A_63, %dma_wait3A_64] : memref<16x8x80xi32, #tpu.memory_space<hbm>> -> memref<1x8x80xi32, #tpu.memory_space<hbm>>
      %dma_wait3A_66 = tpu.memref_squeeze %dma_wait3A_65 : memref<1x8x80xi32, #tpu.memory_space<hbm>> -> memref<8x80xi32, #tpu.memory_space<hbm>>
      tpu.wait_dma2 semaphore(%run_scoped3A : memref<!tpu.dma_semaphore, #tpu.memory_space<semaphore_mem>>) src(%dma_wait3A_66 : memref<8x80xi32, #tpu.memory_space<hbm>>) dst(%arg9 : memref<8x80xi32, #tpu.memory_space<vmem>>)
      tpu.yield
    }) : () -> ()
    %barrier3A = arith.constant 0 : index
    tpu.barrier barrier_id(%barrier3A)
    %dma_start3A = arith.constant 0 : i32
    %dma_start3A_1 = arith.constant 0 : i32
    %dma_start3A_2 = tpu.memref_slice %arg8[%dma_start3A, %dma_start3A_1] : memref<161x125xi32, #tpu.memory_space<vmem>> -> memref<1x125xi32, #tpu.memory_space<vmem>>
    %dma_start3A_3 = tpu.memref_squeeze %dma_start3A_2 : memref<1x125xi32, #tpu.memory_space<vmem>> -> memref<125xi32, #tpu.memory_space<vmem>>
    %dma_start3A_4 = arith.constant 0 : i32
    %dma_start3A_5 = arith.constant 0 : i32
    %dma_start3A_6 = tpu.memref_slice %arg11[%dma_start3A_4, %dma_start3A_5] : memref<5248x64xf32, #tpu.memory_space<vmem_shared>> -> memref<5248x64xf32, #tpu.memory_space<vmem_shared>>
    tpu.enqueue_indirect_dma source(%arg7 : memref<125x64xf32, #tpu.memory_space<vmem>>) target(%dma_start3A_6 : memref<5248x64xf32, #tpu.memory_space<vmem_shared>>) offsets(%dma_start3A_3 : memref<125xi32, #tpu.memory_space<vmem>>) semaphore(%arg12 : memref<!tpu.dma_semaphore, #tpu.memory_space<semaphore_mem>>) {add = true}
    %scan3A = arith.constant 0 : i32
    %scan3A_7 = arith.constant 0 : i32
    %scan3A_8 = arith.constant 80 : i32
    %scan3A_9 = arith.addi %scan3A_7, %scan3A_8 : i32
    %scan3A_10 = arith.constant 1 : i32
    scf.for %scan3A_31 = %scan3A_7 to %scan3A_9 step %scan3A_10  : i32 {
      %mul3A_32 = arith.constant 2 : i32
      %mul3A_33 = arith.muli %scan3A_31, %mul3A_32 : i32
      %add3A_34 = arith.constant 0 : i32
      %add3A_35 = arith.addi %mul3A_33, %add3A_34 : i32
      %add3A_36 = arith.constant 1 : i32
      %add3A_37 = arith.addi %add3A_35, %add3A_36 : i32
      %dma_start3A_38 = arith.constant 0 : i32
      %dma_start3A_39 = tpu.memref_slice %arg8[%add3A_37, %dma_start3A_38] : memref<161x125xi32, #tpu.memory_space<vmem>> -> memref<1x125xi32, #tpu.memory_space<vmem>>
      %dma_start3A_40 = tpu.memref_squeeze %dma_start3A_39 : memref<1x125xi32, #tpu.memory_space<vmem>> -> memref<125xi32, #tpu.memory_space<vmem>>
      %dma_start3A_41 = arith.constant 0 : i32
      %dma_start3A_42 = arith.constant 0 : i32
      %dma_start3A_43 = tpu.memref_slice %arg11[%dma_start3A_41, %dma_start3A_42] : memref<5248x64xf32, #tpu.memory_space<vmem_shared>> -> memref<5248x64xf32, #tpu.memory_space<vmem_shared>>
      tpu.enqueue_indirect_dma source(%arg7 : memref<125x64xf32, #tpu.memory_space<vmem>>) target(%dma_start3A_43 : memref<5248x64xf32, #tpu.memory_space<vmem_shared>>) offsets(%dma_start3A_40 : memref<125xi32, #tpu.memory_space<vmem>>) semaphore(%arg13 : memref<!tpu.dma_semaphore, #tpu.memory_space<semaphore_mem>>) {add = true}
      %dma_wait3A_44 = arith.constant 0 : i32
      %dma_wait3A_45 = tpu.memref_slice %arg8[%add3A_35, %dma_wait3A_44] : memref<161x125xi32, #tpu.memory_space<vmem>> -> memref<1x125xi32, #tpu.memory_space<vmem>>
      %dma_wait3A_46 = tpu.memref_squeeze %dma_wait3A_45 : memref<1x125xi32, #tpu.memory_space<vmem>> -> memref<125xi32, #tpu.memory_space<vmem>>
      %dma_wait3A_47 = arith.constant 0 : i32
      %dma_wait3A_48 = arith.constant 0 : i32
      %dma_wait3A_49 = tpu.memref_slice %arg11[%dma_wait3A_47, %dma_wait3A_48] : memref<5248x64xf32, #tpu.memory_space<vmem_shared>> -> memref<5248x64xf32, #tpu.memory_space<vmem_shared>>
      tpu.wait_indirect_dma semaphore(%arg12 : memref<!tpu.dma_semaphore, #tpu.memory_space<semaphore_mem>>) src(%arg7 : memref<125x64xf32, #tpu.memory_space<vmem>>) dst(%dma_wait3A_49 : memref<5248x64xf32, #tpu.memory_space<vmem_shared>>)
      %mul3A_50 = arith.constant 2 : i32
      %mul3A_51 = arith.muli %scan3A_31, %mul3A_50 : i32
      %add3A_52 = arith.constant 1 : i32
      %add3A_53 = arith.addi %mul3A_51, %add3A_52 : i32
      %add3A_54 = arith.constant 1 : i32
      %add3A_55 = arith.addi %add3A_53, %add3A_54 : i32
      %dma_start3A_56 = arith.constant 0 : i32
      %dma_start3A_57 = tpu.memref_slice %arg8[%add3A_55, %dma_start3A_56] : memref<161x125xi32, #tpu.memory_space<vmem>> -> memref<1x125xi32, #tpu.memory_space<vmem>>
      %dma_start3A_58 = tpu.memref_squeeze %dma_start3A_57 : memref<1x125xi32, #tpu.memory_space<vmem>> -> memref<125xi32, #tpu.memory_space<vmem>>
      %dma_start3A_59 = arith.constant 0 : i32
      %dma_start3A_60 = arith.constant 0 : i32
      %dma_start3A_61 = tpu.memref_slice %arg11[%dma_start3A_59, %dma_start3A_60] : memref<5248x64xf32, #tpu.memory_space<vmem_shared>> -> memref<5248x64xf32, #tpu.memory_space<vmem_shared>>
      tpu.enqueue_indirect_dma source(%arg7 : memref<125x64xf32, #tpu.memory_space<vmem>>) target(%dma_start3A_61 : memref<5248x64xf32, #tpu.memory_space<vmem_shared>>) offsets(%dma_start3A_58 : memref<125xi32, #tpu.memory_space<vmem>>) semaphore(%arg12 : memref<!tpu.dma_semaphore, #tpu.memory_space<semaphore_mem>>) {add = true}
      %dma_wait3A_62 = arith.constant 0 : i32
      %dma_wait3A_63 = tpu.memref_slice %arg8[%add3A_53, %dma_wait3A_62] : memref<161x125xi32, #tpu.memory_space<vmem>> -> memref<1x125xi32, #tpu.memory_space<vmem>>
      %dma_wait3A_64 = tpu.memref_squeeze %dma_wait3A_63 : memref<1x125xi32, #tpu.memory_space<vmem>> -> memref<125xi32, #tpu.memory_space<vmem>>
      %dma_wait3A_65 = arith.constant 0 : i32
      %dma_wait3A_66 = arith.constant 0 : i32
      %dma_wait3A_67 = tpu.memref_slice %arg11[%dma_wait3A_65, %dma_wait3A_66] : memref<5248x64xf32, #tpu.memory_space<vmem_shared>> -> memref<5248x64xf32, #tpu.memory_space<vmem_shared>>
      tpu.wait_indirect_dma semaphore(%arg13 : memref<!tpu.dma_semaphore, #tpu.memory_space<semaphore_mem>>) src(%arg7 : memref<125x64xf32, #tpu.memory_space<vmem>>) dst(%dma_wait3A_67 : memref<5248x64xf32, #tpu.memory_space<vmem_shared>>)
    }
    %scan3A_11 = arith.constant 80 : i32
    %dma_wait3A = arith.constant 160 : i32
    %dma_wait3A_12 = arith.constant 0 : i32
    %dma_wait3A_13 = tpu.memref_slice %arg8[%dma_wait3A, %dma_wait3A_12] : memref<161x125xi32, #tpu.memory_space<vmem>> -> memref<1x125xi32, #tpu.memory_space<vmem>>
    %dma_wait3A_14 = tpu.memref_squeeze %dma_wait3A_13 : memref<1x125xi32, #tpu.memory_space<vmem>> -> memref<125xi32, #tpu.memory_space<vmem>>
    %dma_wait3A_15 = arith.constant 0 : i32
    %dma_wait3A_16 = arith.constant 0 : i32
    %dma_wait3A_17 = tpu.memref_slice %arg11[%dma_wait3A_15, %dma_wait3A_16] : memref<5248x64xf32, #tpu.memory_space<vmem_shared>> -> memref<5248x64xf32, #tpu.memory_space<vmem_shared>>
    tpu.wait_indirect_dma semaphore(%arg12 : memref<!tpu.dma_semaphore, #tpu.memory_space<semaphore_mem>>) src(%arg7 : memref<125x64xf32, #tpu.memory_space<vmem>>) dst(%dma_wait3A_17 : memref<5248x64xf32, #tpu.memory_space<vmem_shared>>)
    %scan3A_18 = arith.constant 0 : i32
    %scan3A_19 = arith.constant 0 : i32
    %scan3A_20 = arith.constant 8 : i32
    %scan3A_21 = arith.addi %scan3A_19, %scan3A_20 : i32
    %scan3A_22 = arith.constant 1 : i32
    scf.for %scan3A_31 = %scan3A_19 to %scan3A_21 step %scan3A_22  : i32 {
      "tpu.region"() ({
        %run_scoped3A = tpu.sem_alloc : memref<!tpu.dma_semaphore, #tpu.memory_space<semaphore_mem>>
        %dma_start3A_32 = arith.constant 0 : i32
        %dma_start3A_33 = arith.constant 0 : i32
        %dma_start3A_34 = tpu.memref_slice %arg7[%dma_start3A_32, %dma_start3A_33] : memref<125x64xf32, #tpu.memory_space<vmem>> -> memref<80x64xf32, #tpu.memory_space<vmem>>
        %dma_start3A_35 = arith.constant 0 : i32
        %dma_start3A_36 = tpu.memref_slice %arg9[%scan3A_31, %dma_start3A_35] : memref<8x80xi32, #tpu.memory_space<vmem>> -> memref<1x80xi32, #tpu.memory_space<vmem>>
        %dma_start3A_37 = tpu.memref_squeeze %dma_start3A_36 : memref<1x80xi32, #tpu.memory_space<vmem>> -> memref<80xi32, #tpu.memory_space<vmem>>
        %dma_start3A_38 = arith.constant 0 : i32
        %dma_start3A_39 = arith.constant 0 : i32
        %dma_start3A_40 = tpu.memref_slice %arg11[%dma_start3A_38, %dma_start3A_39] : memref<5248x64xf32, #tpu.memory_space<vmem_shared>> -> memref<5248x64xf32, #tpu.memory_space<vmem_shared>>
        tpu.enqueue_indirect_dma source(%dma_start3A_34 : memref<80x64xf32, #tpu.memory_space<vmem>>) target(%dma_start3A_40 : memref<5248x64xf32, #tpu.memory_space<vmem_shared>>) offsets(%dma_start3A_37 : memref<80xi32, #tpu.memory_space<vmem>>) semaphore(%run_scoped3A : memref<!tpu.dma_semaphore, #tpu.memory_space<semaphore_mem>>) {add = true}
        %dma_wait3A_41 = arith.constant 0 : i32
        %dma_wait3A_42 = arith.constant 0 : i32
        %dma_wait3A_43 = tpu.memref_slice %arg7[%dma_wait3A_41, %dma_wait3A_42] : memref<125x64xf32, #tpu.memory_space<vmem>> -> memref<80x64xf32, #tpu.memory_space<vmem>>
        %dma_wait3A_44 = arith.constant 0 : i32
        %dma_wait3A_45 = tpu.memref_slice %arg9[%scan3A_31, %dma_wait3A_44] : memref<8x80xi32, #tpu.memory_space<vmem>> -> memref<1x80xi32, #tpu.memory_space<vmem>>
        %dma_wait3A_46 = tpu.memref_squeeze %dma_wait3A_45 : memref<1x80xi32, #tpu.memory_space<vmem>> -> memref<80xi32, #tpu.memory_space<vmem>>
        %dma_wait3A_47 = arith.constant 0 : i32
        %dma_wait3A_48 = arith.constant 0 : i32
        %dma_wait3A_49 = tpu.memref_slice %arg11[%dma_wait3A_47, %dma_wait3A_48] : memref<5248x64xf32, #tpu.memory_space<vmem_shared>> -> memref<5248x64xf32, #tpu.memory_space<vmem_shared>>
        tpu.wait_indirect_dma semaphore(%run_scoped3A : memref<!tpu.dma_semaphore, #tpu.memory_space<semaphore_mem>>) src(%dma_wait3A_43 : memref<80x64xf32, #tpu.memory_space<vmem>>) dst(%dma_wait3A_49 : memref<5248x64xf32, #tpu.memory_space<vmem_shared>>)
        tpu.yield
      }) : () -> ()
    }
    %scan3A_23 = arith.constant 8 : i32
    %barrier3A_24 = arith.constant 0 : index
    tpu.barrier barrier_id(%barrier3A_24)
    %mul3A_25 = arith.constant 328 : i32
    %mul3A_26 = arith.muli %arg1, %mul3A_25 : i32
    "tpu.region"() ({
      %run_scoped3A = tpu.sem_alloc : memref<!tpu.dma_semaphore, #tpu.memory_space<semaphore_mem>>
      %dma_start3A_31 = arith.constant 0 : i32
      %dma_start3A_32 = tpu.memref_slice %arg11[%mul3A_26, %dma_start3A_31] : memref<5248x64xf32, #tpu.memory_space<vmem_shared>> -> memref<328x64xf32, #tpu.memory_space<vmem_shared>>
      %dma_start3A_33 = arith.constant 0 : i32
      %dma_start3A_34 = tpu.memref_slice %arg11[%mul3A_26, %dma_start3A_33] : memref<5248x64xf32, #tpu.memory_space<vmem_shared>> -> memref<328x64xf32, #tpu.memory_space<vmem_shared>>
      tpu.enqueue_dma source(%dma_start3A_34 : memref<328x64xf32, #tpu.memory_space<vmem_shared>>) target(%arg10 : memref<328x64xf32, #tpu.memory_space<vmem>>) target_semaphore(%run_scoped3A : memref<!tpu.dma_semaphore, #tpu.memory_space<semaphore_mem>>)
      %dma_wait3A_35 = arith.constant 0 : i32
      %dma_wait3A_36 = tpu.memref_slice %arg11[%mul3A_26, %dma_wait3A_35] : memref<5248x64xf32, #tpu.memory_space<vmem_shared>> -> memref<328x64xf32, #tpu.memory_space<vmem_shared>>
      %dma_wait3A_37 = arith.constant 0 : i32
      %dma_wait3A_38 = tpu.memref_slice %arg11[%mul3A_26, %dma_wait3A_37] : memref<5248x64xf32, #tpu.memory_space<vmem_shared>> -> memref<328x64xf32, #tpu.memory_space<vmem_shared>>
      tpu.wait_dma2 semaphore(%run_scoped3A : memref<!tpu.dma_semaphore, #tpu.memory_space<semaphore_mem>>) src(%dma_wait3A_38 : memref<328x64xf32, #tpu.memory_space<vmem_shared>>) dst(%arg10 : memref<328x64xf32, #tpu.memory_space<vmem>>)
      tpu.yield
    }) : () -> ()
    %mul3A_27 = arith.constant 5248 : i32
    %mul3A_28 = arith.muli %arg0, %mul3A_27 : i32
    %mul3A_29 = arith.constant 328 : i32
    %mul3A_30 = arith.muli %arg1, %mul3A_29 : i32
    %add3A = arith.addi %mul3A_28, %mul3A_30 : i32
    "tpu.region"() ({
      %run_scoped3A = tpu.sem_alloc : memref<!tpu.dma_semaphore, #tpu.memory_space<semaphore_mem>>
      %dma_start3A_31 = arith.constant 0 : i32
      %dma_start3A_32 = tpu.memref_slice %arg6[%add3A, %dma_start3A_31] : memref<10496x64xf32, #tpu.memory_space<hbm>> -> memref<328x64xf32, #tpu.memory_space<hbm>>
      %dma_start3A_33 = arith.constant 0 : i32
      %dma_start3A_34 = tpu.memref_slice %arg6[%add3A, %dma_start3A_33] : memref<10496x64xf32, #tpu.memory_space<hbm>> -> memref<328x64xf32, #tpu.memory_space<hbm>>
      tpu.enqueue_dma source(%arg10 : memref<328x64xf32, #tpu.memory_space<vmem>>) target(%dma_start3A_34 : memref<328x64xf32, #tpu.memory_space<hbm>>) target_semaphore(%run_scoped3A : memref<!tpu.dma_semaphore, #tpu.memory_space<semaphore_mem>>)
      %dma_wait3A_35 = arith.constant 0 : i32
      %dma_wait3A_36 = tpu.memref_slice %arg6[%add3A, %dma_wait3A_35] : memref<10496x64xf32, #tpu.memory_space<hbm>> -> memref<328x64xf32, #tpu.memory_space<hbm>>
      %dma_wait3A_37 = arith.constant 0 : i32
      %dma_wait3A_38 = tpu.memref_slice %arg6[%add3A, %dma_wait3A_37] : memref<10496x64xf32, #tpu.memory_space<hbm>> -> memref<328x64xf32, #tpu.memory_space<hbm>>
      tpu.wait_dma2 semaphore(%run_scoped3A : memref<!tpu.dma_semaphore, #tpu.memory_space<semaphore_mem>>) src(%arg10 : memref<328x64xf32, #tpu.memory_space<vmem>>) dst(%dma_wait3A_38 : memref<328x64xf32, #tpu.memory_space<hbm>>)
      tpu.yield
    }) : () -> ()
    return
  }
}

#map = affine_map<(d0, d1) -> (0, 0)>
#map1 = affine_map<(d0, d1) -> (0, 0, 0)>
module attributes {stable_mosaic.version = 14 : i64} {
  func.func @_sc_blur_body(%arg0: i32, %arg1: i32, %arg2: memref<10240x128xf32, #tpu.memory_space<hbm>>, %arg3: memref<10240x128xf32, #tpu.memory_space<hbm>>, %arg4: memref<32x4x80xi32, #tpu.memory_space<hbm>>, %arg5: memref<32x4x80xi32, #tpu.memory_space<hbm>>, %arg6: memref<40x128xf32, #tpu.memory_space<hbm>>, %arg7: memref<2x640x128xf32, #tpu.memory_space<hbm>>, %arg8: memref<4x80xi32, #tpu.memory_space<vmem>>, %arg9: memref<4x80xi32, #tpu.memory_space<vmem>>, %arg10: memref<80x128xf32, #tpu.memory_space<vmem>>, %arg11: memref<40x128xf32, #tpu.memory_space<vmem>>, %arg12: memref<640x128xf32, #tpu.memory_space<vmem_shared>>, %arg13: memref<!tpu.dma_semaphore, #tpu.memory_space<semaphore_mem>>) attributes {dimension_semantics = [#tpu.dimension_semantics<core_parallel>, #tpu.dimension_semantics<subcore_parallel>], iteration_bounds = array<i64: 2, 16>, scalar_prefetch = 0 : i64, scratch_operands = 6 : i64, tpu.core_type = #tpu.core_type<sc_vector_subcore>, window_params = [{transform_indices = #map}, {transform_indices = #map}, {transform_indices = #map1}, {transform_indices = #map1}, {transform_indices = #map}, {transform_indices = #map1}]} {
    %mul3A = arith.constant 16 : i32
    %mul3A_0 = arith.muli %arg0, %mul3A : i32
    %add3A = arith.addi %mul3A_0, %arg1 : i32
    "tpu.region"() ({
      %run_scoped3A = tpu.sem_alloc : memref<!tpu.dma_semaphore, #tpu.memory_space<semaphore_mem>>
      tpu.enqueue_dma source(%arg6 : memref<40x128xf32, #tpu.memory_space<hbm>>) target(%arg11 : memref<40x128xf32, #tpu.memory_space<vmem>>) target_semaphore(%run_scoped3A : memref<!tpu.dma_semaphore, #tpu.memory_space<semaphore_mem>>)
      tpu.wait_dma2 semaphore(%run_scoped3A : memref<!tpu.dma_semaphore, #tpu.memory_space<semaphore_mem>>) src(%arg6 : memref<40x128xf32, #tpu.memory_space<hbm>>) dst(%arg11 : memref<40x128xf32, #tpu.memory_space<vmem>>)
      tpu.yield
    }) : () -> ()
    %mul3A_1 = arith.constant 40 : i32
    %mul3A_2 = arith.muli %arg1, %mul3A_1 : i32
    "tpu.region"() ({
      %run_scoped3A = tpu.sem_alloc : memref<!tpu.dma_semaphore, #tpu.memory_space<semaphore_mem>>
      %dma_start3A = arith.constant 0 : i32
      %dma_start3A_13 = tpu.memref_slice %arg12[%mul3A_2, %dma_start3A] : memref<640x128xf32, #tpu.memory_space<vmem_shared>> -> memref<40x128xf32, #tpu.memory_space<vmem_shared>>
      %dma_start3A_14 = arith.constant 0 : i32
      %dma_start3A_15 = tpu.memref_slice %arg12[%mul3A_2, %dma_start3A_14] : memref<640x128xf32, #tpu.memory_space<vmem_shared>> -> memref<40x128xf32, #tpu.memory_space<vmem_shared>>
      tpu.enqueue_dma source(%arg11 : memref<40x128xf32, #tpu.memory_space<vmem>>) target(%dma_start3A_15 : memref<40x128xf32, #tpu.memory_space<vmem_shared>>) target_semaphore(%run_scoped3A : memref<!tpu.dma_semaphore, #tpu.memory_space<semaphore_mem>>)
      %dma_wait3A = arith.constant 0 : i32
      %dma_wait3A_16 = tpu.memref_slice %arg12[%mul3A_2, %dma_wait3A] : memref<640x128xf32, #tpu.memory_space<vmem_shared>> -> memref<40x128xf32, #tpu.memory_space<vmem_shared>>
      %dma_wait3A_17 = arith.constant 0 : i32
      %dma_wait3A_18 = tpu.memref_slice %arg12[%mul3A_2, %dma_wait3A_17] : memref<640x128xf32, #tpu.memory_space<vmem_shared>> -> memref<40x128xf32, #tpu.memory_space<vmem_shared>>
      tpu.wait_dma2 semaphore(%run_scoped3A : memref<!tpu.dma_semaphore, #tpu.memory_space<semaphore_mem>>) src(%arg11 : memref<40x128xf32, #tpu.memory_space<vmem>>) dst(%dma_wait3A_18 : memref<40x128xf32, #tpu.memory_space<vmem_shared>>)
      tpu.yield
    }) : () -> ()
    "tpu.region"() ({
      %run_scoped3A = tpu.sem_alloc : memref<!tpu.dma_semaphore, #tpu.memory_space<semaphore_mem>>
      %dma_start3A = arith.constant 0 : i32
      %dma_start3A_13 = arith.constant 0 : i32
      %dma_start3A_14 = tpu.memref_slice %arg4[%add3A, %dma_start3A, %dma_start3A_13] : memref<32x4x80xi32, #tpu.memory_space<hbm>> -> memref<1x4x80xi32, #tpu.memory_space<hbm>>
      %dma_start3A_15 = tpu.memref_squeeze %dma_start3A_14 : memref<1x4x80xi32, #tpu.memory_space<hbm>> -> memref<4x80xi32, #tpu.memory_space<hbm>>
      %dma_start3A_16 = arith.constant 0 : i32
      %dma_start3A_17 = arith.constant 0 : i32
      %dma_start3A_18 = tpu.memref_slice %arg4[%add3A, %dma_start3A_16, %dma_start3A_17] : memref<32x4x80xi32, #tpu.memory_space<hbm>> -> memref<1x4x80xi32, #tpu.memory_space<hbm>>
      %dma_start3A_19 = tpu.memref_squeeze %dma_start3A_18 : memref<1x4x80xi32, #tpu.memory_space<hbm>> -> memref<4x80xi32, #tpu.memory_space<hbm>>
      tpu.enqueue_dma source(%dma_start3A_19 : memref<4x80xi32, #tpu.memory_space<hbm>>) target(%arg8 : memref<4x80xi32, #tpu.memory_space<vmem>>) target_semaphore(%run_scoped3A : memref<!tpu.dma_semaphore, #tpu.memory_space<semaphore_mem>>)
      %dma_wait3A = arith.constant 0 : i32
      %dma_wait3A_20 = arith.constant 0 : i32
      %dma_wait3A_21 = tpu.memref_slice %arg4[%add3A, %dma_wait3A, %dma_wait3A_20] : memref<32x4x80xi32, #tpu.memory_space<hbm>> -> memref<1x4x80xi32, #tpu.memory_space<hbm>>
      %dma_wait3A_22 = tpu.memref_squeeze %dma_wait3A_21 : memref<1x4x80xi32, #tpu.memory_space<hbm>> -> memref<4x80xi32, #tpu.memory_space<hbm>>
      %dma_wait3A_23 = arith.constant 0 : i32
      %dma_wait3A_24 = arith.constant 0 : i32
      %dma_wait3A_25 = tpu.memref_slice %arg4[%add3A, %dma_wait3A_23, %dma_wait3A_24] : memref<32x4x80xi32, #tpu.memory_space<hbm>> -> memref<1x4x80xi32, #tpu.memory_space<hbm>>
      %dma_wait3A_26 = tpu.memref_squeeze %dma_wait3A_25 : memref<1x4x80xi32, #tpu.memory_space<hbm>> -> memref<4x80xi32, #tpu.memory_space<hbm>>
      tpu.wait_dma2 semaphore(%run_scoped3A : memref<!tpu.dma_semaphore, #tpu.memory_space<semaphore_mem>>) src(%dma_wait3A_26 : memref<4x80xi32, #tpu.memory_space<hbm>>) dst(%arg8 : memref<4x80xi32, #tpu.memory_space<vmem>>)
      tpu.yield
    }) : () -> ()
    "tpu.region"() ({
      %run_scoped3A = tpu.sem_alloc : memref<!tpu.dma_semaphore, #tpu.memory_space<semaphore_mem>>
      %dma_start3A = arith.constant 0 : i32
      %dma_start3A_13 = arith.constant 0 : i32
      %dma_start3A_14 = tpu.memref_slice %arg5[%add3A, %dma_start3A, %dma_start3A_13] : memref<32x4x80xi32, #tpu.memory_space<hbm>> -> memref<1x4x80xi32, #tpu.memory_space<hbm>>
      %dma_start3A_15 = tpu.memref_squeeze %dma_start3A_14 : memref<1x4x80xi32, #tpu.memory_space<hbm>> -> memref<4x80xi32, #tpu.memory_space<hbm>>
      %dma_start3A_16 = arith.constant 0 : i32
      %dma_start3A_17 = arith.constant 0 : i32
      %dma_start3A_18 = tpu.memref_slice %arg5[%add3A, %dma_start3A_16, %dma_start3A_17] : memref<32x4x80xi32, #tpu.memory_space<hbm>> -> memref<1x4x80xi32, #tpu.memory_space<hbm>>
      %dma_start3A_19 = tpu.memref_squeeze %dma_start3A_18 : memref<1x4x80xi32, #tpu.memory_space<hbm>> -> memref<4x80xi32, #tpu.memory_space<hbm>>
      tpu.enqueue_dma source(%dma_start3A_19 : memref<4x80xi32, #tpu.memory_space<hbm>>) target(%arg9 : memref<4x80xi32, #tpu.memory_space<vmem>>) target_semaphore(%run_scoped3A : memref<!tpu.dma_semaphore, #tpu.memory_space<semaphore_mem>>)
      %dma_wait3A = arith.constant 0 : i32
      %dma_wait3A_20 = arith.constant 0 : i32
      %dma_wait3A_21 = tpu.memref_slice %arg5[%add3A, %dma_wait3A, %dma_wait3A_20] : memref<32x4x80xi32, #tpu.memory_space<hbm>> -> memref<1x4x80xi32, #tpu.memory_space<hbm>>
      %dma_wait3A_22 = tpu.memref_squeeze %dma_wait3A_21 : memref<1x4x80xi32, #tpu.memory_space<hbm>> -> memref<4x80xi32, #tpu.memory_space<hbm>>
      %dma_wait3A_23 = arith.constant 0 : i32
      %dma_wait3A_24 = arith.constant 0 : i32
      %dma_wait3A_25 = tpu.memref_slice %arg5[%add3A, %dma_wait3A_23, %dma_wait3A_24] : memref<32x4x80xi32, #tpu.memory_space<hbm>> -> memref<1x4x80xi32, #tpu.memory_space<hbm>>
      %dma_wait3A_26 = tpu.memref_squeeze %dma_wait3A_25 : memref<1x4x80xi32, #tpu.memory_space<hbm>> -> memref<4x80xi32, #tpu.memory_space<hbm>>
      tpu.wait_dma2 semaphore(%run_scoped3A : memref<!tpu.dma_semaphore, #tpu.memory_space<semaphore_mem>>) src(%dma_wait3A_26 : memref<4x80xi32, #tpu.memory_space<hbm>>) dst(%arg9 : memref<4x80xi32, #tpu.memory_space<vmem>>)
      tpu.yield
    }) : () -> ()
    %barrier3A = arith.constant 0 : index
    tpu.barrier barrier_id(%barrier3A)
    %scan3A = arith.constant 0 : i32
    %scan3A_3 = arith.constant 0 : i32
    %scan3A_4 = arith.constant 4 : i32
    %scan3A_5 = arith.addi %scan3A_3, %scan3A_4 : i32
    %scan3A_6 = arith.constant 1 : i32
    scf.for %scan3A_13 = %scan3A_3 to %scan3A_5 step %scan3A_6  : i32 {
      %mul3A_14 = arith.constant 320 : i32
      %mul3A_15 = arith.muli %add3A, %mul3A_14 : i32
      %mul3A_16 = arith.constant 80 : i32
      %mul3A_17 = arith.muli %scan3A_13, %mul3A_16 : i32
      %add3A_18 = arith.addi %mul3A_15, %mul3A_17 : i32
      "tpu.region"() ({
        %run_scoped3A = tpu.sem_alloc : memref<!tpu.dma_semaphore, #tpu.memory_space<semaphore_mem>>
        %dma_start3A = arith.constant 0 : i32
        %dma_start3A_19 = tpu.memref_slice %arg2[%add3A_18, %dma_start3A] : memref<10240x128xf32, #tpu.memory_space<hbm>> -> memref<80x128xf32, #tpu.memory_space<hbm>>
        %dma_start3A_20 = arith.constant 0 : i32
        %dma_start3A_21 = tpu.memref_slice %arg2[%add3A_18, %dma_start3A_20] : memref<10240x128xf32, #tpu.memory_space<hbm>> -> memref<80x128xf32, #tpu.memory_space<hbm>>
        tpu.enqueue_dma source(%dma_start3A_21 : memref<80x128xf32, #tpu.memory_space<hbm>>) target(%arg10 : memref<80x128xf32, #tpu.memory_space<vmem>>) target_semaphore(%run_scoped3A : memref<!tpu.dma_semaphore, #tpu.memory_space<semaphore_mem>>)
        %dma_wait3A = arith.constant 0 : i32
        %dma_wait3A_22 = tpu.memref_slice %arg2[%add3A_18, %dma_wait3A] : memref<10240x128xf32, #tpu.memory_space<hbm>> -> memref<80x128xf32, #tpu.memory_space<hbm>>
        %dma_wait3A_23 = arith.constant 0 : i32
        %dma_wait3A_24 = tpu.memref_slice %arg2[%add3A_18, %dma_wait3A_23] : memref<10240x128xf32, #tpu.memory_space<hbm>> -> memref<80x128xf32, #tpu.memory_space<hbm>>
        tpu.wait_dma2 semaphore(%run_scoped3A : memref<!tpu.dma_semaphore, #tpu.memory_space<semaphore_mem>>) src(%dma_wait3A_24 : memref<80x128xf32, #tpu.memory_space<hbm>>) dst(%arg10 : memref<80x128xf32, #tpu.memory_space<vmem>>)
        tpu.yield
      }) : () -> ()
      "tpu.region"() ({
        %run_scoped3A = tpu.sem_alloc : memref<!tpu.dma_semaphore, #tpu.memory_space<semaphore_mem>>
        %dma_start3A = arith.constant 0 : i32
        %dma_start3A_19 = tpu.memref_slice %arg8[%scan3A_13, %dma_start3A] : memref<4x80xi32, #tpu.memory_space<vmem>> -> memref<1x80xi32, #tpu.memory_space<vmem>>
        %dma_start3A_20 = tpu.memref_squeeze %dma_start3A_19 : memref<1x80xi32, #tpu.memory_space<vmem>> -> memref<80xi32, #tpu.memory_space<vmem>>
        %dma_start3A_21 = arith.constant 0 : i32
        %dma_start3A_22 = arith.constant 0 : i32
        %dma_start3A_23 = tpu.memref_slice %arg12[%dma_start3A_21, %dma_start3A_22] : memref<640x128xf32, #tpu.memory_space<vmem_shared>> -> memref<640x128xf32, #tpu.memory_space<vmem_shared>>
        tpu.enqueue_indirect_dma source(%arg10 : memref<80x128xf32, #tpu.memory_space<vmem>>) target(%dma_start3A_23 : memref<640x128xf32, #tpu.memory_space<vmem_shared>>) offsets(%dma_start3A_20 : memref<80xi32, #tpu.memory_space<vmem>>) semaphore(%run_scoped3A : memref<!tpu.dma_semaphore, #tpu.memory_space<semaphore_mem>>) {add = true}
        %dma_wait3A = arith.constant 0 : i32
        %dma_wait3A_24 = tpu.memref_slice %arg8[%scan3A_13, %dma_wait3A] : memref<4x80xi32, #tpu.memory_space<vmem>> -> memref<1x80xi32, #tpu.memory_space<vmem>>
        %dma_wait3A_25 = tpu.memref_squeeze %dma_wait3A_24 : memref<1x80xi32, #tpu.memory_space<vmem>> -> memref<80xi32, #tpu.memory_space<vmem>>
        %dma_wait3A_26 = arith.constant 0 : i32
        %dma_wait3A_27 = arith.constant 0 : i32
        %dma_wait3A_28 = tpu.memref_slice %arg12[%dma_wait3A_26, %dma_wait3A_27] : memref<640x128xf32, #tpu.memory_space<vmem_shared>> -> memref<640x128xf32, #tpu.memory_space<vmem_shared>>
        tpu.wait_indirect_dma semaphore(%run_scoped3A : memref<!tpu.dma_semaphore, #tpu.memory_space<semaphore_mem>>) src(%arg10 : memref<80x128xf32, #tpu.memory_space<vmem>>) dst(%dma_wait3A_28 : memref<640x128xf32, #tpu.memory_space<vmem_shared>>)
        tpu.yield
      }) : () -> ()
      "tpu.region"() ({
        %run_scoped3A = tpu.sem_alloc : memref<!tpu.dma_semaphore, #tpu.memory_space<semaphore_mem>>
        %dma_start3A = arith.constant 0 : i32
        %dma_start3A_19 = tpu.memref_slice %arg3[%add3A_18, %dma_start3A] : memref<10240x128xf32, #tpu.memory_space<hbm>> -> memref<80x128xf32, #tpu.memory_space<hbm>>
        %dma_start3A_20 = arith.constant 0 : i32
        %dma_start3A_21 = tpu.memref_slice %arg3[%add3A_18, %dma_start3A_20] : memref<10240x128xf32, #tpu.memory_space<hbm>> -> memref<80x128xf32, #tpu.memory_space<hbm>>
        tpu.enqueue_dma source(%dma_start3A_21 : memref<80x128xf32, #tpu.memory_space<hbm>>) target(%arg10 : memref<80x128xf32, #tpu.memory_space<vmem>>) target_semaphore(%run_scoped3A : memref<!tpu.dma_semaphore, #tpu.memory_space<semaphore_mem>>)
        %dma_wait3A = arith.constant 0 : i32
        %dma_wait3A_22 = tpu.memref_slice %arg3[%add3A_18, %dma_wait3A] : memref<10240x128xf32, #tpu.memory_space<hbm>> -> memref<80x128xf32, #tpu.memory_space<hbm>>
        %dma_wait3A_23 = arith.constant 0 : i32
        %dma_wait3A_24 = tpu.memref_slice %arg3[%add3A_18, %dma_wait3A_23] : memref<10240x128xf32, #tpu.memory_space<hbm>> -> memref<80x128xf32, #tpu.memory_space<hbm>>
        tpu.wait_dma2 semaphore(%run_scoped3A : memref<!tpu.dma_semaphore, #tpu.memory_space<semaphore_mem>>) src(%dma_wait3A_24 : memref<80x128xf32, #tpu.memory_space<hbm>>) dst(%arg10 : memref<80x128xf32, #tpu.memory_space<vmem>>)
        tpu.yield
      }) : () -> ()
      "tpu.region"() ({
        %run_scoped3A = tpu.sem_alloc : memref<!tpu.dma_semaphore, #tpu.memory_space<semaphore_mem>>
        %dma_start3A = arith.constant 0 : i32
        %dma_start3A_19 = tpu.memref_slice %arg9[%scan3A_13, %dma_start3A] : memref<4x80xi32, #tpu.memory_space<vmem>> -> memref<1x80xi32, #tpu.memory_space<vmem>>
        %dma_start3A_20 = tpu.memref_squeeze %dma_start3A_19 : memref<1x80xi32, #tpu.memory_space<vmem>> -> memref<80xi32, #tpu.memory_space<vmem>>
        %dma_start3A_21 = arith.constant 0 : i32
        %dma_start3A_22 = arith.constant 0 : i32
        %dma_start3A_23 = tpu.memref_slice %arg12[%dma_start3A_21, %dma_start3A_22] : memref<640x128xf32, #tpu.memory_space<vmem_shared>> -> memref<640x128xf32, #tpu.memory_space<vmem_shared>>
        tpu.enqueue_indirect_dma source(%arg10 : memref<80x128xf32, #tpu.memory_space<vmem>>) target(%dma_start3A_23 : memref<640x128xf32, #tpu.memory_space<vmem_shared>>) offsets(%dma_start3A_20 : memref<80xi32, #tpu.memory_space<vmem>>) semaphore(%run_scoped3A : memref<!tpu.dma_semaphore, #tpu.memory_space<semaphore_mem>>) {add = true}
        %dma_wait3A = arith.constant 0 : i32
        %dma_wait3A_24 = tpu.memref_slice %arg9[%scan3A_13, %dma_wait3A] : memref<4x80xi32, #tpu.memory_space<vmem>> -> memref<1x80xi32, #tpu.memory_space<vmem>>
        %dma_wait3A_25 = tpu.memref_squeeze %dma_wait3A_24 : memref<1x80xi32, #tpu.memory_space<vmem>> -> memref<80xi32, #tpu.memory_space<vmem>>
        %dma_wait3A_26 = arith.constant 0 : i32
        %dma_wait3A_27 = arith.constant 0 : i32
        %dma_wait3A_28 = tpu.memref_slice %arg12[%dma_wait3A_26, %dma_wait3A_27] : memref<640x128xf32, #tpu.memory_space<vmem_shared>> -> memref<640x128xf32, #tpu.memory_space<vmem_shared>>
        tpu.wait_indirect_dma semaphore(%run_scoped3A : memref<!tpu.dma_semaphore, #tpu.memory_space<semaphore_mem>>) src(%arg10 : memref<80x128xf32, #tpu.memory_space<vmem>>) dst(%dma_wait3A_28 : memref<640x128xf32, #tpu.memory_space<vmem_shared>>)
        tpu.yield
      }) : () -> ()
    }
    %scan3A_7 = arith.constant 4 : i32
    %barrier3A_8 = arith.constant 0 : index
    tpu.barrier barrier_id(%barrier3A_8)
    %mul3A_9 = arith.constant 40 : i32
    %mul3A_10 = arith.muli %arg1, %mul3A_9 : i32
    "tpu.region"() ({
      %run_scoped3A = tpu.sem_alloc : memref<!tpu.dma_semaphore, #tpu.memory_space<semaphore_mem>>
      %dma_start3A = arith.constant 0 : i32
      %dma_start3A_13 = tpu.memref_slice %arg12[%mul3A_10, %dma_start3A] : memref<640x128xf32, #tpu.memory_space<vmem_shared>> -> memref<40x128xf32, #tpu.memory_space<vmem_shared>>
      %dma_start3A_14 = arith.constant 0 : i32
      %dma_start3A_15 = tpu.memref_slice %arg12[%mul3A_10, %dma_start3A_14] : memref<640x128xf32, #tpu.memory_space<vmem_shared>> -> memref<40x128xf32, #tpu.memory_space<vmem_shared>>
      tpu.enqueue_dma source(%dma_start3A_15 : memref<40x128xf32, #tpu.memory_space<vmem_shared>>) target(%arg11 : memref<40x128xf32, #tpu.memory_space<vmem>>) target_semaphore(%run_scoped3A : memref<!tpu.dma_semaphore, #tpu.memory_space<semaphore_mem>>)
      %dma_wait3A = arith.constant 0 : i32
      %dma_wait3A_16 = tpu.memref_slice %arg12[%mul3A_10, %dma_wait3A] : memref<640x128xf32, #tpu.memory_space<vmem_shared>> -> memref<40x128xf32, #tpu.memory_space<vmem_shared>>
      %dma_wait3A_17 = arith.constant 0 : i32
      %dma_wait3A_18 = tpu.memref_slice %arg12[%mul3A_10, %dma_wait3A_17] : memref<640x128xf32, #tpu.memory_space<vmem_shared>> -> memref<40x128xf32, #tpu.memory_space<vmem_shared>>
      tpu.wait_dma2 semaphore(%run_scoped3A : memref<!tpu.dma_semaphore, #tpu.memory_space<semaphore_mem>>) src(%dma_wait3A_18 : memref<40x128xf32, #tpu.memory_space<vmem_shared>>) dst(%arg11 : memref<40x128xf32, #tpu.memory_space<vmem>>)
      tpu.yield
    }) : () -> ()
    %mul3A_11 = arith.constant 40 : i32
    %mul3A_12 = arith.muli %arg1, %mul3A_11 : i32
    "tpu.region"() ({
      %run_scoped3A = tpu.sem_alloc : memref<!tpu.dma_semaphore, #tpu.memory_space<semaphore_mem>>
      %dma_start3A = arith.constant 0 : i32
      %dma_start3A_13 = tpu.memref_slice %arg7[%arg0, %mul3A_12, %dma_start3A] : memref<2x640x128xf32, #tpu.memory_space<hbm>> -> memref<1x40x128xf32, #tpu.memory_space<hbm>>
      %dma_start3A_14 = tpu.memref_squeeze %dma_start3A_13 : memref<1x40x128xf32, #tpu.memory_space<hbm>> -> memref<40x128xf32, #tpu.memory_space<hbm>>
      %dma_start3A_15 = arith.constant 0 : i32
      %dma_start3A_16 = tpu.memref_slice %arg7[%arg0, %mul3A_12, %dma_start3A_15] : memref<2x640x128xf32, #tpu.memory_space<hbm>> -> memref<1x40x128xf32, #tpu.memory_space<hbm>>
      %dma_start3A_17 = tpu.memref_squeeze %dma_start3A_16 : memref<1x40x128xf32, #tpu.memory_space<hbm>> -> memref<40x128xf32, #tpu.memory_space<hbm>>
      tpu.enqueue_dma source(%arg11 : memref<40x128xf32, #tpu.memory_space<vmem>>) target(%dma_start3A_17 : memref<40x128xf32, #tpu.memory_space<hbm>>) target_semaphore(%run_scoped3A : memref<!tpu.dma_semaphore, #tpu.memory_space<semaphore_mem>>)
      %dma_wait3A = arith.constant 0 : i32
      %dma_wait3A_18 = tpu.memref_slice %arg7[%arg0, %mul3A_12, %dma_wait3A] : memref<2x640x128xf32, #tpu.memory_space<hbm>> -> memref<1x40x128xf32, #tpu.memory_space<hbm>>
      %dma_wait3A_19 = tpu.memref_squeeze %dma_wait3A_18 : memref<1x40x128xf32, #tpu.memory_space<hbm>> -> memref<40x128xf32, #tpu.memory_space<hbm>>
      %dma_wait3A_20 = arith.constant 0 : i32
      %dma_wait3A_21 = tpu.memref_slice %arg7[%arg0, %mul3A_12, %dma_wait3A_20] : memref<2x640x128xf32, #tpu.memory_space<hbm>> -> memref<1x40x128xf32, #tpu.memory_space<hbm>>
      %dma_wait3A_22 = tpu.memref_squeeze %dma_wait3A_21 : memref<1x40x128xf32, #tpu.memory_space<hbm>> -> memref<40x128xf32, #tpu.memory_space<hbm>>
      tpu.wait_dma2 semaphore(%run_scoped3A : memref<!tpu.dma_semaphore, #tpu.memory_space<semaphore_mem>>) src(%arg11 : memref<40x128xf32, #tpu.memory_space<vmem>>) dst(%dma_wait3A_22 : memref<40x128xf32, #tpu.memory_space<hbm>>)
      tpu.yield
    }) : () -> ()
    return
  }
}

#map = affine_map<(d0, d1) -> (0, 0, 0)>
#map1 = affine_map<(d0, d1) -> (0, 0)>
module attributes {stable_mosaic.version = 14 : i64} {
  func.func @_sc_rowsum_body(%arg0: i32, %arg1: i32, %arg2: memref<2x10240x64xf32, #tpu.memory_space<hbm>>, %arg3: memref<16x161x125xi32, #tpu.memory_space<hbm>>, %arg4: memref<16x160x125xi32, #tpu.memory_space<hbm>>, %arg5: memref<64x64xf32, #tpu.memory_space<hbm>>, %arg6: memref<20480x64xf32, #tpu.memory_space<hbm>>, %arg7: memref<161x125xi32, #tpu.memory_space<vmem>>, %arg8: memref<160x125xi32, #tpu.memory_space<vmem>>, %arg9: memref<125x64xf32, #tpu.memory_space<vmem>>, %arg10: memref<125x64xf32, #tpu.memory_space<vmem>>, %arg11: memref<10240x64xf32, #tpu.memory_space<vmem_shared>>, %arg12: memref<!tpu.dma_semaphore, #tpu.memory_space<semaphore_mem>>, %arg13: memref<!tpu.dma_semaphore, #tpu.memory_space<semaphore_mem>>) attributes {dimension_semantics = [#tpu.dimension_semantics<core_parallel>, #tpu.dimension_semantics<subcore_parallel>], iteration_bounds = array<i64: 2, 16>, scalar_prefetch = 0 : i64, scratch_operands = 7 : i64, tpu.core_type = #tpu.core_type<sc_vector_subcore>, window_params = [{transform_indices = #map}, {transform_indices = #map}, {transform_indices = #map}, {transform_indices = #map1}, {transform_indices = #map1}]} {
    "tpu.region"() ({
      %run_scoped3A = tpu.sem_alloc : memref<!tpu.dma_semaphore, #tpu.memory_space<semaphore_mem>>
      %dma_start3A_38 = arith.constant 0 : i32
      %dma_start3A_39 = arith.constant 0 : i32
      %dma_start3A_40 = tpu.memref_slice %arg9[%dma_start3A_38, %dma_start3A_39] : memref<125x64xf32, #tpu.memory_space<vmem>> -> memref<64x64xf32, #tpu.memory_space<vmem>>
      %dma_start3A_41 = arith.constant 0 : i32
      %dma_start3A_42 = arith.constant 0 : i32
      %dma_start3A_43 = tpu.memref_slice %arg9[%dma_start3A_41, %dma_start3A_42] : memref<125x64xf32, #tpu.memory_space<vmem>> -> memref<64x64xf32, #tpu.memory_space<vmem>>
      tpu.enqueue_dma source(%arg5 : memref<64x64xf32, #tpu.memory_space<hbm>>) target(%dma_start3A_43 : memref<64x64xf32, #tpu.memory_space<vmem>>) target_semaphore(%run_scoped3A : memref<!tpu.dma_semaphore, #tpu.memory_space<semaphore_mem>>)
      %dma_wait3A_44 = arith.constant 0 : i32
      %dma_wait3A_45 = arith.constant 0 : i32
      %dma_wait3A_46 = tpu.memref_slice %arg9[%dma_wait3A_44, %dma_wait3A_45] : memref<125x64xf32, #tpu.memory_space<vmem>> -> memref<64x64xf32, #tpu.memory_space<vmem>>
      %dma_wait3A_47 = arith.constant 0 : i32
      %dma_wait3A_48 = arith.constant 0 : i32
      %dma_wait3A_49 = tpu.memref_slice %arg9[%dma_wait3A_47, %dma_wait3A_48] : memref<125x64xf32, #tpu.memory_space<vmem>> -> memref<64x64xf32, #tpu.memory_space<vmem>>
      tpu.wait_dma2 semaphore(%run_scoped3A : memref<!tpu.dma_semaphore, #tpu.memory_space<semaphore_mem>>) src(%arg5 : memref<64x64xf32, #tpu.memory_space<hbm>>) dst(%dma_wait3A_49 : memref<64x64xf32, #tpu.memory_space<vmem>>)
      tpu.yield
    }) : () -> ()
    %scan3A = arith.constant 0 : i32
    %scan3A_0 = arith.constant 0 : i32
    %scan3A_1 = arith.constant 10 : i32
    %scan3A_2 = arith.addi %scan3A_0, %scan3A_1 : i32
    %scan3A_3 = arith.constant 1 : i32
    scf.for %scan3A_38 = %scan3A_0 to %scan3A_2 step %scan3A_3  : i32 {
      %mul3A = arith.constant 640 : i32
      %mul3A_39 = arith.muli %arg1, %mul3A : i32
      %mul3A_40 = arith.constant 64 : i32
      %mul3A_41 = arith.muli %scan3A_38, %mul3A_40 : i32
      %add3A = arith.addi %mul3A_39, %mul3A_41 : i32
      "tpu.region"() ({
        %run_scoped3A = tpu.sem_alloc : memref<!tpu.dma_semaphore, #tpu.memory_space<semaphore_mem>>
        %dma_start3A_42 = arith.constant 0 : i32
        %dma_start3A_43 = arith.constant 0 : i32
        %dma_start3A_44 = tpu.memref_slice %arg9[%dma_start3A_42, %dma_start3A_43] : memref<125x64xf32, #tpu.memory_space<vmem>> -> memref<64x64xf32, #tpu.memory_space<vmem>>
        %dma_start3A_45 = arith.constant 0 : i32
        %dma_start3A_46 = tpu.memref_slice %arg11[%add3A, %dma_start3A_45] : memref<10240x64xf32, #tpu.memory_space<vmem_shared>> -> memref<64x64xf32, #tpu.memory_space<vmem_shared>>
        %dma_start3A_47 = arith.constant 0 : i32
        %dma_start3A_48 = tpu.memref_slice %arg11[%add3A, %dma_start3A_47] : memref<10240x64xf32, #tpu.memory_space<vmem_shared>> -> memref<64x64xf32, #tpu.memory_space<vmem_shared>>
        %dma_start3A_49 = arith.constant 0 : i32
        %dma_start3A_50 = arith.constant 0 : i32
        %dma_start3A_51 = tpu.memref_slice %arg9[%dma_start3A_49, %dma_start3A_50] : memref<125x64xf32, #tpu.memory_space<vmem>> -> memref<64x64xf32, #tpu.memory_space<vmem>>
        tpu.enqueue_dma source(%dma_start3A_51 : memref<64x64xf32, #tpu.memory_space<vmem>>) target(%dma_start3A_48 : memref<64x64xf32, #tpu.memory_space<vmem_shared>>) target_semaphore(%run_scoped3A : memref<!tpu.dma_semaphore, #tpu.memory_space<semaphore_mem>>)
        %dma_wait3A_52 = arith.constant 0 : i32
        %dma_wait3A_53 = arith.constant 0 : i32
        %dma_wait3A_54 = tpu.memref_slice %arg9[%dma_wait3A_52, %dma_wait3A_53] : memref<125x64xf32, #tpu.memory_space<vmem>> -> memref<64x64xf32, #tpu.memory_space<vmem>>
        %dma_wait3A_55 = arith.constant 0 : i32
        %dma_wait3A_56 = tpu.memref_slice %arg11[%add3A, %dma_wait3A_55] : memref<10240x64xf32, #tpu.memory_space<vmem_shared>> -> memref<64x64xf32, #tpu.memory_space<vmem_shared>>
        %dma_wait3A_57 = arith.constant 0 : i32
        %dma_wait3A_58 = tpu.memref_slice %arg11[%add3A, %dma_wait3A_57] : memref<10240x64xf32, #tpu.memory_space<vmem_shared>> -> memref<64x64xf32, #tpu.memory_space<vmem_shared>>
        %dma_wait3A_59 = arith.constant 0 : i32
        %dma_wait3A_60 = arith.constant 0 : i32
        %dma_wait3A_61 = tpu.memref_slice %arg9[%dma_wait3A_59, %dma_wait3A_60] : memref<125x64xf32, #tpu.memory_space<vmem>> -> memref<64x64xf32, #tpu.memory_space<vmem>>
        tpu.wait_dma2 semaphore(%run_scoped3A : memref<!tpu.dma_semaphore, #tpu.memory_space<semaphore_mem>>) src(%dma_wait3A_61 : memref<64x64xf32, #tpu.memory_space<vmem>>) dst(%dma_wait3A_58 : memref<64x64xf32, #tpu.memory_space<vmem_shared>>)
        tpu.yield
      }) : () -> ()
    }
    %scan3A_4 = arith.constant 10 : i32
    "tpu.region"() ({
      %run_scoped3A = tpu.sem_alloc : memref<!tpu.dma_semaphore, #tpu.memory_space<semaphore_mem>>
      %dma_start3A_38 = arith.constant 0 : i32
      %dma_start3A_39 = arith.constant 0 : i32
      %dma_start3A_40 = tpu.memref_slice %arg3[%arg1, %dma_start3A_38, %dma_start3A_39] : memref<16x161x125xi32, #tpu.memory_space<hbm>> -> memref<1x161x125xi32, #tpu.memory_space<hbm>>
      %dma_start3A_41 = tpu.memref_squeeze %dma_start3A_40 : memref<1x161x125xi32, #tpu.memory_space<hbm>> -> memref<161x125xi32, #tpu.memory_space<hbm>>
      %dma_start3A_42 = arith.constant 0 : i32
      %dma_start3A_43 = arith.constant 0 : i32
      %dma_start3A_44 = tpu.memref_slice %arg3[%arg1, %dma_start3A_42, %dma_start3A_43] : memref<16x161x125xi32, #tpu.memory_space<hbm>> -> memref<1x161x125xi32, #tpu.memory_space<hbm>>
      %dma_start3A_45 = tpu.memref_squeeze %dma_start3A_44 : memref<1x161x125xi32, #tpu.memory_space<hbm>> -> memref<161x125xi32, #tpu.memory_space<hbm>>
      tpu.enqueue_dma source(%dma_start3A_45 : memref<161x125xi32, #tpu.memory_space<hbm>>) target(%arg7 : memref<161x125xi32, #tpu.memory_space<vmem>>) target_semaphore(%run_scoped3A : memref<!tpu.dma_semaphore, #tpu.memory_space<semaphore_mem>>)
      %dma_wait3A_46 = arith.constant 0 : i32
      %dma_wait3A_47 = arith.constant 0 : i32
      %dma_wait3A_48 = tpu.memref_slice %arg3[%arg1, %dma_wait3A_46, %dma_wait3A_47] : memref<16x161x125xi32, #tpu.memory_space<hbm>> -> memref<1x161x125xi32, #tpu.memory_space<hbm>>
      %dma_wait3A_49 = tpu.memref_squeeze %dma_wait3A_48 : memref<1x161x125xi32, #tpu.memory_space<hbm>> -> memref<161x125xi32, #tpu.memory_space<hbm>>
      %dma_wait3A_50 = arith.constant 0 : i32
      %dma_wait3A_51 = arith.constant 0 : i32
      %dma_wait3A_52 = tpu.memref_slice %arg3[%arg1, %dma_wait3A_50, %dma_wait3A_51] : memref<16x161x125xi32, #tpu.memory_space<hbm>> -> memref<1x161x125xi32, #tpu.memory_space<hbm>>
      %dma_wait3A_53 = tpu.memref_squeeze %dma_wait3A_52 : memref<1x161x125xi32, #tpu.memory_space<hbm>> -> memref<161x125xi32, #tpu.memory_space<hbm>>
      tpu.wait_dma2 semaphore(%run_scoped3A : memref<!tpu.dma_semaphore, #tpu.memory_space<semaphore_mem>>) src(%dma_wait3A_53 : memref<161x125xi32, #tpu.memory_space<hbm>>) dst(%arg7 : memref<161x125xi32, #tpu.memory_space<vmem>>)
      tpu.yield
    }) : () -> ()
    "tpu.region"() ({
      %run_scoped3A = tpu.sem_alloc : memref<!tpu.dma_semaphore, #tpu.memory_space<semaphore_mem>>
      %dma_start3A_38 = arith.constant 0 : i32
      %dma_start3A_39 = arith.constant 0 : i32
      %dma_start3A_40 = tpu.memref_slice %arg4[%arg1, %dma_start3A_38, %dma_start3A_39] : memref<16x160x125xi32, #tpu.memory_space<hbm>> -> memref<1x160x125xi32, #tpu.memory_space<hbm>>
      %dma_start3A_41 = tpu.memref_squeeze %dma_start3A_40 : memref<1x160x125xi32, #tpu.memory_space<hbm>> -> memref<160x125xi32, #tpu.memory_space<hbm>>
      %dma_start3A_42 = arith.constant 0 : i32
      %dma_start3A_43 = arith.constant 0 : i32
      %dma_start3A_44 = tpu.memref_slice %arg4[%arg1, %dma_start3A_42, %dma_start3A_43] : memref<16x160x125xi32, #tpu.memory_space<hbm>> -> memref<1x160x125xi32, #tpu.memory_space<hbm>>
      %dma_start3A_45 = tpu.memref_squeeze %dma_start3A_44 : memref<1x160x125xi32, #tpu.memory_space<hbm>> -> memref<160x125xi32, #tpu.memory_space<hbm>>
      tpu.enqueue_dma source(%dma_start3A_45 : memref<160x125xi32, #tpu.memory_space<hbm>>) target(%arg8 : memref<160x125xi32, #tpu.memory_space<vmem>>) target_semaphore(%run_scoped3A : memref<!tpu.dma_semaphore, #tpu.memory_space<semaphore_mem>>)
      %dma_wait3A_46 = arith.constant 0 : i32
      %dma_wait3A_47 = arith.constant 0 : i32
      %dma_wait3A_48 = tpu.memref_slice %arg4[%arg1, %dma_wait3A_46, %dma_wait3A_47] : memref<16x160x125xi32, #tpu.memory_space<hbm>> -> memref<1x160x125xi32, #tpu.memory_space<hbm>>
      %dma_wait3A_49 = tpu.memref_squeeze %dma_wait3A_48 : memref<1x160x125xi32, #tpu.memory_space<hbm>> -> memref<160x125xi32, #tpu.memory_space<hbm>>
      %dma_wait3A_50 = arith.constant 0 : i32
      %dma_wait3A_51 = arith.constant 0 : i32
      %dma_wait3A_52 = tpu.memref_slice %arg4[%arg1, %dma_wait3A_50, %dma_wait3A_51] : memref<16x160x125xi32, #tpu.memory_space<hbm>> -> memref<1x160x125xi32, #tpu.memory_space<hbm>>
      %dma_wait3A_53 = tpu.memref_squeeze %dma_wait3A_52 : memref<1x160x125xi32, #tpu.memory_space<hbm>> -> memref<160x125xi32, #tpu.memory_space<hbm>>
      tpu.wait_dma2 semaphore(%run_scoped3A : memref<!tpu.dma_semaphore, #tpu.memory_space<semaphore_mem>>) src(%dma_wait3A_53 : memref<160x125xi32, #tpu.memory_space<hbm>>) dst(%arg8 : memref<160x125xi32, #tpu.memory_space<vmem>>)
      tpu.yield
    }) : () -> ()
    %barrier3A = arith.constant 0 : index
    tpu.barrier barrier_id(%barrier3A)
    %dma_start3A = arith.constant 0 : i32
    %dma_start3A_5 = arith.constant 0 : i32
    %dma_start3A_6 = tpu.memref_slice %arg7[%dma_start3A, %dma_start3A_5] : memref<161x125xi32, #tpu.memory_space<vmem>> -> memref<1x125xi32, #tpu.memory_space<vmem>>
    %dma_start3A_7 = tpu.memref_squeeze %dma_start3A_6 : memref<1x125xi32, #tpu.memory_space<vmem>> -> memref<125xi32, #tpu.memory_space<vmem>>
    %dma_start3A_8 = arith.constant 0 : i32
    %dma_start3A_9 = arith.constant 0 : i32
    %dma_start3A_10 = tpu.memref_slice %arg2[%arg0, %dma_start3A_8, %dma_start3A_9] : memref<2x10240x64xf32, #tpu.memory_space<hbm>> -> memref<1x10240x64xf32, #tpu.memory_space<hbm>>
    %dma_start3A_11 = tpu.memref_squeeze %dma_start3A_10 : memref<1x10240x64xf32, #tpu.memory_space<hbm>> -> memref<10240x64xf32, #tpu.memory_space<hbm>>
    %dma_start3A_12 = arith.constant 0 : i32
    %dma_start3A_13 = arith.constant 0 : i32
    %dma_start3A_14 = tpu.memref_slice %dma_start3A_11[%dma_start3A_12, %dma_start3A_13] : memref<10240x64xf32, #tpu.memory_space<hbm>> -> memref<10240x64xf32, #tpu.memory_space<hbm>>
    tpu.enqueue_indirect_dma source(%dma_start3A_14 : memref<10240x64xf32, #tpu.memory_space<hbm>>) target(%arg9 : memref<125x64xf32, #tpu.memory_space<vmem>>) offsets(%dma_start3A_7 : memref<125xi32, #tpu.memory_space<vmem>>) semaphore(%arg12 : memref<!tpu.dma_semaphore, #tpu.memory_space<semaphore_mem>>)
    %scan3A_15 = arith.constant 0 : i32
    %scan3A_16 = arith.constant 0 : i32
    %scan3A_17 = arith.constant 80 : i32
    %scan3A_18 = arith.addi %scan3A_16, %scan3A_17 : i32
    %scan3A_19 = arith.constant 1 : i32
    scf.for %scan3A_38 = %scan3A_16 to %scan3A_18 step %scan3A_19  : i32 {
      %mul3A = arith.constant 2 : i32
      %mul3A_39 = arith.muli %scan3A_38, %mul3A : i32
      %add3A = arith.constant 0 : i32
      %add3A_40 = arith.addi %mul3A_39, %add3A : i32
      %add3A_41 = arith.constant 1 : i32
      %add3A_42 = arith.addi %add3A_40, %add3A_41 : i32
      %dma_start3A_43 = arith.constant 0 : i32
      %dma_start3A_44 = tpu.memref_slice %arg7[%add3A_42, %dma_start3A_43] : memref<161x125xi32, #tpu.memory_space<vmem>> -> memref<1x125xi32, #tpu.memory_space<vmem>>
      %dma_start3A_45 = tpu.memref_squeeze %dma_start3A_44 : memref<1x125xi32, #tpu.memory_space<vmem>> -> memref<125xi32, #tpu.memory_space<vmem>>
      %dma_start3A_46 = arith.constant 0 : i32
      %dma_start3A_47 = arith.constant 0 : i32
      %dma_start3A_48 = tpu.memref_slice %arg2[%arg0, %dma_start3A_46, %dma_start3A_47] : memref<2x10240x64xf32, #tpu.memory_space<hbm>> -> memref<1x10240x64xf32, #tpu.memory_space<hbm>>
      %dma_start3A_49 = tpu.memref_squeeze %dma_start3A_48 : memref<1x10240x64xf32, #tpu.memory_space<hbm>> -> memref<10240x64xf32, #tpu.memory_space<hbm>>
      %dma_start3A_50 = arith.constant 0 : i32
      %dma_start3A_51 = arith.constant 0 : i32
      %dma_start3A_52 = tpu.memref_slice %dma_start3A_49[%dma_start3A_50, %dma_start3A_51] : memref<10240x64xf32, #tpu.memory_space<hbm>> -> memref<10240x64xf32, #tpu.memory_space<hbm>>
      tpu.enqueue_indirect_dma source(%dma_start3A_52 : memref<10240x64xf32, #tpu.memory_space<hbm>>) target(%arg10 : memref<125x64xf32, #tpu.memory_space<vmem>>) offsets(%dma_start3A_45 : memref<125xi32, #tpu.memory_space<vmem>>) semaphore(%arg13 : memref<!tpu.dma_semaphore, #tpu.memory_space<semaphore_mem>>)
      %dma_wait3A_53 = arith.constant 0 : i32
      %dma_wait3A_54 = tpu.memref_slice %arg7[%add3A_40, %dma_wait3A_53] : memref<161x125xi32, #tpu.memory_space<vmem>> -> memref<1x125xi32, #tpu.memory_space<vmem>>
      %dma_wait3A_55 = tpu.memref_squeeze %dma_wait3A_54 : memref<1x125xi32, #tpu.memory_space<vmem>> -> memref<125xi32, #tpu.memory_space<vmem>>
      %dma_wait3A_56 = arith.constant 0 : i32
      %dma_wait3A_57 = arith.constant 0 : i32
      %dma_wait3A_58 = tpu.memref_slice %arg2[%arg0, %dma_wait3A_56, %dma_wait3A_57] : memref<2x10240x64xf32, #tpu.memory_space<hbm>> -> memref<1x10240x64xf32, #tpu.memory_space<hbm>>
      %dma_wait3A_59 = tpu.memref_squeeze %dma_wait3A_58 : memref<1x10240x64xf32, #tpu.memory_space<hbm>> -> memref<10240x64xf32, #tpu.memory_space<hbm>>
      %dma_wait3A_60 = arith.constant 0 : i32
      %dma_wait3A_61 = arith.constant 0 : i32
      %dma_wait3A_62 = tpu.memref_slice %dma_wait3A_59[%dma_wait3A_60, %dma_wait3A_61] : memref<10240x64xf32, #tpu.memory_space<hbm>> -> memref<10240x64xf32, #tpu.memory_space<hbm>>
      tpu.wait_indirect_dma semaphore(%arg12 : memref<!tpu.dma_semaphore, #tpu.memory_space<semaphore_mem>>) src(%dma_wait3A_62 : memref<10240x64xf32, #tpu.memory_space<hbm>>) dst(%arg9 : memref<125x64xf32, #tpu.memory_space<vmem>>)
      "tpu.region"() ({
        %run_scoped3A = tpu.sem_alloc : memref<!tpu.dma_semaphore, #tpu.memory_space<semaphore_mem>>
        %dma_start3A_89 = arith.constant 0 : i32
        %dma_start3A_90 = tpu.memref_slice %arg8[%add3A_40, %dma_start3A_89] : memref<160x125xi32, #tpu.memory_space<vmem>> -> memref<1x125xi32, #tpu.memory_space<vmem>>
        %dma_start3A_91 = tpu.memref_squeeze %dma_start3A_90 : memref<1x125xi32, #tpu.memory_space<vmem>> -> memref<125xi32, #tpu.memory_space<vmem>>
        %dma_start3A_92 = arith.constant 0 : i32
        %dma_start3A_93 = arith.constant 0 : i32
        %dma_start3A_94 = tpu.memref_slice %arg11[%dma_start3A_92, %dma_start3A_93] : memref<10240x64xf32, #tpu.memory_space<vmem_shared>> -> memref<10240x64xf32, #tpu.memory_space<vmem_shared>>
        tpu.enqueue_indirect_dma source(%arg9 : memref<125x64xf32, #tpu.memory_space<vmem>>) target(%dma_start3A_94 : memref<10240x64xf32, #tpu.memory_space<vmem_shared>>) offsets(%dma_start3A_91 : memref<125xi32, #tpu.memory_space<vmem>>) semaphore(%run_scoped3A : memref<!tpu.dma_semaphore, #tpu.memory_space<semaphore_mem>>) {add = true}
        %dma_wait3A_95 = arith.constant 0 : i32
        %dma_wait3A_96 = tpu.memref_slice %arg8[%add3A_40, %dma_wait3A_95] : memref<160x125xi32, #tpu.memory_space<vmem>> -> memref<1x125xi32, #tpu.memory_space<vmem>>
        %dma_wait3A_97 = tpu.memref_squeeze %dma_wait3A_96 : memref<1x125xi32, #tpu.memory_space<vmem>> -> memref<125xi32, #tpu.memory_space<vmem>>
        %dma_wait3A_98 = arith.constant 0 : i32
        %dma_wait3A_99 = arith.constant 0 : i32
        %dma_wait3A_100 = tpu.memref_slice %arg11[%dma_wait3A_98, %dma_wait3A_99] : memref<10240x64xf32, #tpu.memory_space<vmem_shared>> -> memref<10240x64xf32, #tpu.memory_space<vmem_shared>>
        tpu.wait_indirect_dma semaphore(%run_scoped3A : memref<!tpu.dma_semaphore, #tpu.memory_space<semaphore_mem>>) src(%arg9 : memref<125x64xf32, #tpu.memory_space<vmem>>) dst(%dma_wait3A_100 : memref<10240x64xf32, #tpu.memory_space<vmem_shared>>)
        tpu.yield
      }) : () -> ()
      %mul3A_63 = arith.constant 2 : i32
      %mul3A_64 = arith.muli %scan3A_38, %mul3A_63 : i32
      %add3A_65 = arith.constant 1 : i32
      %add3A_66 = arith.addi %mul3A_64, %add3A_65 : i32
      %add3A_67 = arith.constant 1 : i32
      %add3A_68 = arith.addi %add3A_66, %add3A_67 : i32
      %dma_start3A_69 = arith.constant 0 : i32
      %dma_start3A_70 = tpu.memref_slice %arg7[%add3A_68, %dma_start3A_69] : memref<161x125xi32, #tpu.memory_space<vmem>> -> memref<1x125xi32, #tpu.memory_space<vmem>>
      %dma_start3A_71 = tpu.memref_squeeze %dma_start3A_70 : memref<1x125xi32, #tpu.memory_space<vmem>> -> memref<125xi32, #tpu.memory_space<vmem>>
      %dma_start3A_72 = arith.constant 0 : i32
      %dma_start3A_73 = arith.constant 0 : i32
      %dma_start3A_74 = tpu.memref_slice %arg2[%arg0, %dma_start3A_72, %dma_start3A_73] : memref<2x10240x64xf32, #tpu.memory_space<hbm>> -> memref<1x10240x64xf32, #tpu.memory_space<hbm>>
      %dma_start3A_75 = tpu.memref_squeeze %dma_start3A_74 : memref<1x10240x64xf32, #tpu.memory_space<hbm>> -> memref<10240x64xf32, #tpu.memory_space<hbm>>
      %dma_start3A_76 = arith.constant 0 : i32
      %dma_start3A_77 = arith.constant 0 : i32
      %dma_start3A_78 = tpu.memref_slice %dma_start3A_75[%dma_start3A_76, %dma_start3A_77] : memref<10240x64xf32, #tpu.memory_space<hbm>> -> memref<10240x64xf32, #tpu.memory_space<hbm>>
      tpu.enqueue_indirect_dma source(%dma_start3A_78 : memref<10240x64xf32, #tpu.memory_space<hbm>>) target(%arg9 : memref<125x64xf32, #tpu.memory_space<vmem>>) offsets(%dma_start3A_71 : memref<125xi32, #tpu.memory_space<vmem>>) semaphore(%arg12 : memref<!tpu.dma_semaphore, #tpu.memory_space<semaphore_mem>>)
      %dma_wait3A_79 = arith.constant 0 : i32
      %dma_wait3A_80 = tpu.memref_slice %arg7[%add3A_66, %dma_wait3A_79] : memref<161x125xi32, #tpu.memory_space<vmem>> -> memref<1x125xi32, #tpu.memory_space<vmem>>
      %dma_wait3A_81 = tpu.memref_squeeze %dma_wait3A_80 : memref<1x125xi32, #tpu.memory_space<vmem>> -> memref<125xi32, #tpu.memory_space<vmem>>
      %dma_wait3A_82 = arith.constant 0 : i32
      %dma_wait3A_83 = arith.constant 0 : i32
      %dma_wait3A_84 = tpu.memref_slice %arg2[%arg0, %dma_wait3A_82, %dma_wait3A_83] : memref<2x10240x64xf32, #tpu.memory_space<hbm>> -> memref<1x10240x64xf32, #tpu.memory_space<hbm>>
      %dma_wait3A_85 = tpu.memref_squeeze %dma_wait3A_84 : memref<1x10240x64xf32, #tpu.memory_space<hbm>> -> memref<10240x64xf32, #tpu.memory_space<hbm>>
      %dma_wait3A_86 = arith.constant 0 : i32
      %dma_wait3A_87 = arith.constant 0 : i32
      %dma_wait3A_88 = tpu.memref_slice %dma_wait3A_85[%dma_wait3A_86, %dma_wait3A_87] : memref<10240x64xf32, #tpu.memory_space<hbm>> -> memref<10240x64xf32, #tpu.memory_space<hbm>>
      tpu.wait_indirect_dma semaphore(%arg13 : memref<!tpu.dma_semaphore, #tpu.memory_space<semaphore_mem>>) src(%dma_wait3A_88 : memref<10240x64xf32, #tpu.memory_space<hbm>>) dst(%arg10 : memref<125x64xf32, #tpu.memory_space<vmem>>)
      "tpu.region"() ({
        %run_scoped3A = tpu.sem_alloc : memref<!tpu.dma_semaphore, #tpu.memory_space<semaphore_mem>>
        %dma_start3A_89 = arith.constant 0 : i32
        %dma_start3A_90 = tpu.memref_slice %arg8[%add3A_66, %dma_start3A_89] : memref<160x125xi32, #tpu.memory_space<vmem>> -> memref<1x125xi32, #tpu.memory_space<vmem>>
        %dma_start3A_91 = tpu.memref_squeeze %dma_start3A_90 : memref<1x125xi32, #tpu.memory_space<vmem>> -> memref<125xi32, #tpu.memory_space<vmem>>
        %dma_start3A_92 = arith.constant 0 : i32
        %dma_start3A_93 = arith.constant 0 : i32
        %dma_start3A_94 = tpu.memref_slice %arg11[%dma_start3A_92, %dma_start3A_93] : memref<10240x64xf32, #tpu.memory_space<vmem_shared>> -> memref<10240x64xf32, #tpu.memory_space<vmem_shared>>
        tpu.enqueue_indirect_dma source(%arg10 : memref<125x64xf32, #tpu.memory_space<vmem>>) target(%dma_start3A_94 : memref<10240x64xf32, #tpu.memory_space<vmem_shared>>) offsets(%dma_start3A_91 : memref<125xi32, #tpu.memory_space<vmem>>) semaphore(%run_scoped3A : memref<!tpu.dma_semaphore, #tpu.memory_space<semaphore_mem>>) {add = true}
        %dma_wait3A_95 = arith.constant 0 : i32
        %dma_wait3A_96 = tpu.memref_slice %arg8[%add3A_66, %dma_wait3A_95] : memref<160x125xi32, #tpu.memory_space<vmem>> -> memref<1x125xi32, #tpu.memory_space<vmem>>
        %dma_wait3A_97 = tpu.memref_squeeze %dma_wait3A_96 : memref<1x125xi32, #tpu.memory_space<vmem>> -> memref<125xi32, #tpu.memory_space<vmem>>
        %dma_wait3A_98 = arith.constant 0 : i32
        %dma_wait3A_99 = arith.constant 0 : i32
        %dma_wait3A_100 = tpu.memref_slice %arg11[%dma_wait3A_98, %dma_wait3A_99] : memref<10240x64xf32, #tpu.memory_space<vmem_shared>> -> memref<10240x64xf32, #tpu.memory_space<vmem_shared>>
        tpu.wait_indirect_dma semaphore(%run_scoped3A : memref<!tpu.dma_semaphore, #tpu.memory_space<semaphore_mem>>) src(%arg10 : memref<125x64xf32, #tpu.memory_space<vmem>>) dst(%dma_wait3A_100 : memref<10240x64xf32, #tpu.memory_space<vmem_shared>>)
        tpu.yield
      }) : () -> ()
    }
    %scan3A_20 = arith.constant 80 : i32
    %dma_wait3A = arith.constant 160 : i32
    %dma_wait3A_21 = arith.constant 0 : i32
    %dma_wait3A_22 = tpu.memref_slice %arg7[%dma_wait3A, %dma_wait3A_21] : memref<161x125xi32, #tpu.memory_space<vmem>> -> memref<1x125xi32, #tpu.memory_space<vmem>>
    %dma_wait3A_23 = tpu.memref_squeeze %dma_wait3A_22 : memref<1x125xi32, #tpu.memory_space<vmem>> -> memref<125xi32, #tpu.memory_space<vmem>>
    %dma_wait3A_24 = arith.constant 0 : i32
    %dma_wait3A_25 = arith.constant 0 : i32
    %dma_wait3A_26 = tpu.memref_slice %arg2[%arg0, %dma_wait3A_24, %dma_wait3A_25] : memref<2x10240x64xf32, #tpu.memory_space<hbm>> -> memref<1x10240x64xf32, #tpu.memory_space<hbm>>
    %dma_wait3A_27 = tpu.memref_squeeze %dma_wait3A_26 : memref<1x10240x64xf32, #tpu.memory_space<hbm>> -> memref<10240x64xf32, #tpu.memory_space<hbm>>
    %dma_wait3A_28 = arith.constant 0 : i32
    %dma_wait3A_29 = arith.constant 0 : i32
    %dma_wait3A_30 = tpu.memref_slice %dma_wait3A_27[%dma_wait3A_28, %dma_wait3A_29] : memref<10240x64xf32, #tpu.memory_space<hbm>> -> memref<10240x64xf32, #tpu.memory_space<hbm>>
    tpu.wait_indirect_dma semaphore(%arg12 : memref<!tpu.dma_semaphore, #tpu.memory_space<semaphore_mem>>) src(%dma_wait3A_30 : memref<10240x64xf32, #tpu.memory_space<hbm>>) dst(%arg9 : memref<125x64xf32, #tpu.memory_space<vmem>>)
    %barrier3A_31 = arith.constant 0 : index
    tpu.barrier barrier_id(%barrier3A_31)
    %scan3A_32 = arith.constant 0 : i32
    %scan3A_33 = arith.constant 0 : i32
    %scan3A_34 = arith.constant 10 : i32
    %scan3A_35 = arith.addi %scan3A_33, %scan3A_34 : i32
    %scan3A_36 = arith.constant 1 : i32
    scf.for %scan3A_38 = %scan3A_33 to %scan3A_35 step %scan3A_36  : i32 {
      %mul3A = arith.constant 640 : i32
      %mul3A_39 = arith.muli %arg1, %mul3A : i32
      %mul3A_40 = arith.constant 64 : i32
      %mul3A_41 = arith.muli %scan3A_38, %mul3A_40 : i32
      %add3A = arith.addi %mul3A_39, %mul3A_41 : i32
      "tpu.region"() ({
        %run_scoped3A = tpu.sem_alloc : memref<!tpu.dma_semaphore, #tpu.memory_space<semaphore_mem>>
        %dma_start3A_50 = arith.constant 0 : i32
        %dma_start3A_51 = arith.constant 0 : i32
        %dma_start3A_52 = tpu.memref_slice %arg9[%dma_start3A_50, %dma_start3A_51] : memref<125x64xf32, #tpu.memory_space<vmem>> -> memref<64x64xf32, #tpu.memory_space<vmem>>
        %dma_start3A_53 = arith.constant 0 : i32
        %dma_start3A_54 = tpu.memref_slice %arg11[%add3A, %dma_start3A_53] : memref<10240x64xf32, #tpu.memory_space<vmem_shared>> -> memref<64x64xf32, #tpu.memory_space<vmem_shared>>
        %dma_start3A_55 = arith.constant 0 : i32
        %dma_start3A_56 = arith.constant 0 : i32
        %dma_start3A_57 = tpu.memref_slice %arg9[%dma_start3A_55, %dma_start3A_56] : memref<125x64xf32, #tpu.memory_space<vmem>> -> memref<64x64xf32, #tpu.memory_space<vmem>>
        %dma_start3A_58 = arith.constant 0 : i32
        %dma_start3A_59 = tpu.memref_slice %arg11[%add3A, %dma_start3A_58] : memref<10240x64xf32, #tpu.memory_space<vmem_shared>> -> memref<64x64xf32, #tpu.memory_space<vmem_shared>>
        tpu.enqueue_dma source(%dma_start3A_59 : memref<64x64xf32, #tpu.memory_space<vmem_shared>>) target(%dma_start3A_57 : memref<64x64xf32, #tpu.memory_space<vmem>>) target_semaphore(%run_scoped3A : memref<!tpu.dma_semaphore, #tpu.memory_space<semaphore_mem>>)
        %dma_wait3A_60 = arith.constant 0 : i32
        %dma_wait3A_61 = arith.constant 0 : i32
        %dma_wait3A_62 = tpu.memref_slice %arg9[%dma_wait3A_60, %dma_wait3A_61] : memref<125x64xf32, #tpu.memory_space<vmem>> -> memref<64x64xf32, #tpu.memory_space<vmem>>
        %dma_wait3A_63 = arith.constant 0 : i32
        %dma_wait3A_64 = tpu.memref_slice %arg11[%add3A, %dma_wait3A_63] : memref<10240x64xf32, #tpu.memory_space<vmem_shared>> -> memref<64x64xf32, #tpu.memory_space<vmem_shared>>
        %dma_wait3A_65 = arith.constant 0 : i32
        %dma_wait3A_66 = arith.constant 0 : i32
        %dma_wait3A_67 = tpu.memref_slice %arg9[%dma_wait3A_65, %dma_wait3A_66] : memref<125x64xf32, #tpu.memory_space<vmem>> -> memref<64x64xf32, #tpu.memory_space<vmem>>
        %dma_wait3A_68 = arith.constant 0 : i32
        %dma_wait3A_69 = tpu.memref_slice %arg11[%add3A, %dma_wait3A_68] : memref<10240x64xf32, #tpu.memory_space<vmem_shared>> -> memref<64x64xf32, #tpu.memory_space<vmem_shared>>
        tpu.wait_dma2 semaphore(%run_scoped3A : memref<!tpu.dma_semaphore, #tpu.memory_space<semaphore_mem>>) src(%dma_wait3A_69 : memref<64x64xf32, #tpu.memory_space<vmem_shared>>) dst(%dma_wait3A_67 : memref<64x64xf32, #tpu.memory_space<vmem>>)
        tpu.yield
      }) : () -> ()
      %mul3A_42 = arith.constant 10240 : i32
      %mul3A_43 = arith.muli %arg0, %mul3A_42 : i32
      %mul3A_44 = arith.constant 640 : i32
      %mul3A_45 = arith.muli %arg1, %mul3A_44 : i32
      %add3A_46 = arith.addi %mul3A_43, %mul3A_45 : i32
      %mul3A_47 = arith.constant 64 : i32
      %mul3A_48 = arith.muli %scan3A_38, %mul3A_47 : i32
      %add3A_49 = arith.addi %add3A_46, %mul3A_48 : i32
      "tpu.region"() ({
        %run_scoped3A = tpu.sem_alloc : memref<!tpu.dma_semaphore, #tpu.memory_space<semaphore_mem>>
        %dma_start3A_50 = arith.constant 0 : i32
        %dma_start3A_51 = arith.constant 0 : i32
        %dma_start3A_52 = tpu.memref_slice %arg9[%dma_start3A_50, %dma_start3A_51] : memref<125x64xf32, #tpu.memory_space<vmem>> -> memref<64x64xf32, #tpu.memory_space<vmem>>
        %dma_start3A_53 = arith.constant 0 : i32
        %dma_start3A_54 = tpu.memref_slice %arg6[%add3A_49, %dma_start3A_53] : memref<20480x64xf32, #tpu.memory_space<hbm>> -> memref<64x64xf32, #tpu.memory_space<hbm>>
        %dma_start3A_55 = arith.constant 0 : i32
        %dma_start3A_56 = tpu.memref_slice %arg6[%add3A_49, %dma_start3A_55] : memref<20480x64xf32, #tpu.memory_space<hbm>> -> memref<64x64xf32, #tpu.memory_space<hbm>>
        %dma_start3A_57 = arith.constant 0 : i32
        %dma_start3A_58 = arith.constant 0 : i32
        %dma_start3A_59 = tpu.memref_slice %arg9[%dma_start3A_57, %dma_start3A_58] : memref<125x64xf32, #tpu.memory_space<vmem>> -> memref<64x64xf32, #tpu.memory_space<vmem>>
        tpu.enqueue_dma source(%dma_start3A_59 : memref<64x64xf32, #tpu.memory_space<vmem>>) target(%dma_start3A_56 : memref<64x64xf32, #tpu.memory_space<hbm>>) target_semaphore(%run_scoped3A : memref<!tpu.dma_semaphore, #tpu.memory_space<semaphore_mem>>)
        %dma_wait3A_60 = arith.constant 0 : i32
        %dma_wait3A_61 = arith.constant 0 : i32
        %dma_wait3A_62 = tpu.memref_slice %arg9[%dma_wait3A_60, %dma_wait3A_61] : memref<125x64xf32, #tpu.memory_space<vmem>> -> memref<64x64xf32, #tpu.memory_space<vmem>>
        %dma_wait3A_63 = arith.constant 0 : i32
        %dma_wait3A_64 = tpu.memref_slice %arg6[%add3A_49, %dma_wait3A_63] : memref<20480x64xf32, #tpu.memory_space<hbm>> -> memref<64x64xf32, #tpu.memory_space<hbm>>
        %dma_wait3A_65 = arith.constant 0 : i32
        %dma_wait3A_66 = tpu.memref_slice %arg6[%add3A_49, %dma_wait3A_65] : memref<20480x64xf32, #tpu.memory_space<hbm>> -> memref<64x64xf32, #tpu.memory_space<hbm>>
        %dma_wait3A_67 = arith.constant 0 : i32
        %dma_wait3A_68 = arith.constant 0 : i32
        %dma_wait3A_69 = tpu.memref_slice %arg9[%dma_wait3A_67, %dma_wait3A_68] : memref<125x64xf32, #tpu.memory_space<vmem>> -> memref<64x64xf32, #tpu.memory_space<vmem>>
        tpu.wait_dma2 semaphore(%run_scoped3A : memref<!tpu.dma_semaphore, #tpu.memory_space<semaphore_mem>>) src(%dma_wait3A_69 : memref<64x64xf32, #tpu.memory_space<vmem>>) dst(%dma_wait3A_66 : memref<64x64xf32, #tpu.memory_space<hbm>>)
        tpu.yield
      }) : () -> ()
    }
    %scan3A_37 = arith.constant 10 : i32
    return
  }
}

#map = affine_map<(d0, d1) -> (0, 0, 0)>
#map1 = affine_map<(d0, d1) -> (0, 0)>
module attributes {stable_mosaic.version = 14 : i64} {
  func.func @_sc_rowsum_body(%arg0: i32, %arg1: i32, %arg2: memref<2x10240x64xf32, #tpu.memory_space<hbm>>, %arg3: memref<16x161x125xi32, #tpu.memory_space<hbm>>, %arg4: memref<16x160x125xi32, #tpu.memory_space<hbm>>, %arg5: memref<64x64xf32, #tpu.memory_space<hbm>>, %arg6: memref<20480x64xf32, #tpu.memory_space<hbm>>, %arg7: memref<161x125xi32, #tpu.memory_space<vmem>>, %arg8: memref<160x125xi32, #tpu.memory_space<vmem>>, %arg9: memref<125x64xf32, #tpu.memory_space<vmem>>, %arg10: memref<125x64xf32, #tpu.memory_space<vmem>>, %arg11: memref<10240x64xf32, #tpu.memory_space<vmem_shared>>, %arg12: memref<!tpu.dma_semaphore, #tpu.memory_space<semaphore_mem>>, %arg13: memref<!tpu.dma_semaphore, #tpu.memory_space<semaphore_mem>>) attributes {dimension_semantics = [#tpu.dimension_semantics<core_parallel>, #tpu.dimension_semantics<subcore_parallel>], iteration_bounds = array<i64: 2, 16>, scalar_prefetch = 0 : i64, scratch_operands = 7 : i64, tpu.core_type = #tpu.core_type<sc_vector_subcore>, window_params = [{transform_indices = #map}, {transform_indices = #map}, {transform_indices = #map}, {transform_indices = #map1}, {transform_indices = #map1}]} {
    "tpu.region"() ({
      %run_scoped3A = tpu.sem_alloc : memref<!tpu.dma_semaphore, #tpu.memory_space<semaphore_mem>>
      %dma_start3A_38 = arith.constant 0 : i32
      %dma_start3A_39 = arith.constant 0 : i32
      %dma_start3A_40 = tpu.memref_slice %arg9[%dma_start3A_38, %dma_start3A_39] : memref<125x64xf32, #tpu.memory_space<vmem>> -> memref<64x64xf32, #tpu.memory_space<vmem>>
      %dma_start3A_41 = arith.constant 0 : i32
      %dma_start3A_42 = arith.constant 0 : i32
      %dma_start3A_43 = tpu.memref_slice %arg9[%dma_start3A_41, %dma_start3A_42] : memref<125x64xf32, #tpu.memory_space<vmem>> -> memref<64x64xf32, #tpu.memory_space<vmem>>
      tpu.enqueue_dma source(%arg5 : memref<64x64xf32, #tpu.memory_space<hbm>>) target(%dma_start3A_43 : memref<64x64xf32, #tpu.memory_space<vmem>>) target_semaphore(%run_scoped3A : memref<!tpu.dma_semaphore, #tpu.memory_space<semaphore_mem>>)
      %dma_wait3A_44 = arith.constant 0 : i32
      %dma_wait3A_45 = arith.constant 0 : i32
      %dma_wait3A_46 = tpu.memref_slice %arg9[%dma_wait3A_44, %dma_wait3A_45] : memref<125x64xf32, #tpu.memory_space<vmem>> -> memref<64x64xf32, #tpu.memory_space<vmem>>
      %dma_wait3A_47 = arith.constant 0 : i32
      %dma_wait3A_48 = arith.constant 0 : i32
      %dma_wait3A_49 = tpu.memref_slice %arg9[%dma_wait3A_47, %dma_wait3A_48] : memref<125x64xf32, #tpu.memory_space<vmem>> -> memref<64x64xf32, #tpu.memory_space<vmem>>
      tpu.wait_dma2 semaphore(%run_scoped3A : memref<!tpu.dma_semaphore, #tpu.memory_space<semaphore_mem>>) src(%arg5 : memref<64x64xf32, #tpu.memory_space<hbm>>) dst(%dma_wait3A_49 : memref<64x64xf32, #tpu.memory_space<vmem>>)
      tpu.yield
    }) : () -> ()
    %scan3A = arith.constant 0 : i32
    %scan3A_0 = arith.constant 0 : i32
    %scan3A_1 = arith.constant 10 : i32
    %scan3A_2 = arith.addi %scan3A_0, %scan3A_1 : i32
    %scan3A_3 = arith.constant 1 : i32
    scf.for %scan3A_38 = %scan3A_0 to %scan3A_2 step %scan3A_3  : i32 {
      %mul3A = arith.constant 640 : i32
      %mul3A_39 = arith.muli %arg1, %mul3A : i32
      %mul3A_40 = arith.constant 64 : i32
      %mul3A_41 = arith.muli %scan3A_38, %mul3A_40 : i32
      %add3A = arith.addi %mul3A_39, %mul3A_41 : i32
      "tpu.region"() ({
        %run_scoped3A = tpu.sem_alloc : memref<!tpu.dma_semaphore, #tpu.memory_space<semaphore_mem>>
        %dma_start3A_42 = arith.constant 0 : i32
        %dma_start3A_43 = arith.constant 0 : i32
        %dma_start3A_44 = tpu.memref_slice %arg9[%dma_start3A_42, %dma_start3A_43] : memref<125x64xf32, #tpu.memory_space<vmem>> -> memref<64x64xf32, #tpu.memory_space<vmem>>
        %dma_start3A_45 = arith.constant 0 : i32
        %dma_start3A_46 = tpu.memref_slice %arg11[%add3A, %dma_start3A_45] : memref<10240x64xf32, #tpu.memory_space<vmem_shared>> -> memref<64x64xf32, #tpu.memory_space<vmem_shared>>
        %dma_start3A_47 = arith.constant 0 : i32
        %dma_start3A_48 = tpu.memref_slice %arg11[%add3A, %dma_start3A_47] : memref<10240x64xf32, #tpu.memory_space<vmem_shared>> -> memref<64x64xf32, #tpu.memory_space<vmem_shared>>
        %dma_start3A_49 = arith.constant 0 : i32
        %dma_start3A_50 = arith.constant 0 : i32
        %dma_start3A_51 = tpu.memref_slice %arg9[%dma_start3A_49, %dma_start3A_50] : memref<125x64xf32, #tpu.memory_space<vmem>> -> memref<64x64xf32, #tpu.memory_space<vmem>>
        tpu.enqueue_dma source(%dma_start3A_51 : memref<64x64xf32, #tpu.memory_space<vmem>>) target(%dma_start3A_48 : memref<64x64xf32, #tpu.memory_space<vmem_shared>>) target_semaphore(%run_scoped3A : memref<!tpu.dma_semaphore, #tpu.memory_space<semaphore_mem>>)
        %dma_wait3A_52 = arith.constant 0 : i32
        %dma_wait3A_53 = arith.constant 0 : i32
        %dma_wait3A_54 = tpu.memref_slice %arg9[%dma_wait3A_52, %dma_wait3A_53] : memref<125x64xf32, #tpu.memory_space<vmem>> -> memref<64x64xf32, #tpu.memory_space<vmem>>
        %dma_wait3A_55 = arith.constant 0 : i32
        %dma_wait3A_56 = tpu.memref_slice %arg11[%add3A, %dma_wait3A_55] : memref<10240x64xf32, #tpu.memory_space<vmem_shared>> -> memref<64x64xf32, #tpu.memory_space<vmem_shared>>
        %dma_wait3A_57 = arith.constant 0 : i32
        %dma_wait3A_58 = tpu.memref_slice %arg11[%add3A, %dma_wait3A_57] : memref<10240x64xf32, #tpu.memory_space<vmem_shared>> -> memref<64x64xf32, #tpu.memory_space<vmem_shared>>
        %dma_wait3A_59 = arith.constant 0 : i32
        %dma_wait3A_60 = arith.constant 0 : i32
        %dma_wait3A_61 = tpu.memref_slice %arg9[%dma_wait3A_59, %dma_wait3A_60] : memref<125x64xf32, #tpu.memory_space<vmem>> -> memref<64x64xf32, #tpu.memory_space<vmem>>
        tpu.wait_dma2 semaphore(%run_scoped3A : memref<!tpu.dma_semaphore, #tpu.memory_space<semaphore_mem>>) src(%dma_wait3A_61 : memref<64x64xf32, #tpu.memory_space<vmem>>) dst(%dma_wait3A_58 : memref<64x64xf32, #tpu.memory_space<vmem_shared>>)
        tpu.yield
      }) : () -> ()
    }
    %scan3A_4 = arith.constant 10 : i32
    "tpu.region"() ({
      %run_scoped3A = tpu.sem_alloc : memref<!tpu.dma_semaphore, #tpu.memory_space<semaphore_mem>>
      %dma_start3A_38 = arith.constant 0 : i32
      %dma_start3A_39 = arith.constant 0 : i32
      %dma_start3A_40 = tpu.memref_slice %arg3[%arg1, %dma_start3A_38, %dma_start3A_39] : memref<16x161x125xi32, #tpu.memory_space<hbm>> -> memref<1x161x125xi32, #tpu.memory_space<hbm>>
      %dma_start3A_41 = tpu.memref_squeeze %dma_start3A_40 : memref<1x161x125xi32, #tpu.memory_space<hbm>> -> memref<161x125xi32, #tpu.memory_space<hbm>>
      %dma_start3A_42 = arith.constant 0 : i32
      %dma_start3A_43 = arith.constant 0 : i32
      %dma_start3A_44 = tpu.memref_slice %arg3[%arg1, %dma_start3A_42, %dma_start3A_43] : memref<16x161x125xi32, #tpu.memory_space<hbm>> -> memref<1x161x125xi32, #tpu.memory_space<hbm>>
      %dma_start3A_45 = tpu.memref_squeeze %dma_start3A_44 : memref<1x161x125xi32, #tpu.memory_space<hbm>> -> memref<161x125xi32, #tpu.memory_space<hbm>>
      tpu.enqueue_dma source(%dma_start3A_45 : memref<161x125xi32, #tpu.memory_space<hbm>>) target(%arg7 : memref<161x125xi32, #tpu.memory_space<vmem>>) target_semaphore(%run_scoped3A : memref<!tpu.dma_semaphore, #tpu.memory_space<semaphore_mem>>)
      %dma_wait3A_46 = arith.constant 0 : i32
      %dma_wait3A_47 = arith.constant 0 : i32
      %dma_wait3A_48 = tpu.memref_slice %arg3[%arg1, %dma_wait3A_46, %dma_wait3A_47] : memref<16x161x125xi32, #tpu.memory_space<hbm>> -> memref<1x161x125xi32, #tpu.memory_space<hbm>>
      %dma_wait3A_49 = tpu.memref_squeeze %dma_wait3A_48 : memref<1x161x125xi32, #tpu.memory_space<hbm>> -> memref<161x125xi32, #tpu.memory_space<hbm>>
      %dma_wait3A_50 = arith.constant 0 : i32
      %dma_wait3A_51 = arith.constant 0 : i32
      %dma_wait3A_52 = tpu.memref_slice %arg3[%arg1, %dma_wait3A_50, %dma_wait3A_51] : memref<16x161x125xi32, #tpu.memory_space<hbm>> -> memref<1x161x125xi32, #tpu.memory_space<hbm>>
      %dma_wait3A_53 = tpu.memref_squeeze %dma_wait3A_52 : memref<1x161x125xi32, #tpu.memory_space<hbm>> -> memref<161x125xi32, #tpu.memory_space<hbm>>
      tpu.wait_dma2 semaphore(%run_scoped3A : memref<!tpu.dma_semaphore, #tpu.memory_space<semaphore_mem>>) src(%dma_wait3A_53 : memref<161x125xi32, #tpu.memory_space<hbm>>) dst(%arg7 : memref<161x125xi32, #tpu.memory_space<vmem>>)
      tpu.yield
    }) : () -> ()
    "tpu.region"() ({
      %run_scoped3A = tpu.sem_alloc : memref<!tpu.dma_semaphore, #tpu.memory_space<semaphore_mem>>
      %dma_start3A_38 = arith.constant 0 : i32
      %dma_start3A_39 = arith.constant 0 : i32
      %dma_start3A_40 = tpu.memref_slice %arg4[%arg1, %dma_start3A_38, %dma_start3A_39] : memref<16x160x125xi32, #tpu.memory_space<hbm>> -> memref<1x160x125xi32, #tpu.memory_space<hbm>>
      %dma_start3A_41 = tpu.memref_squeeze %dma_start3A_40 : memref<1x160x125xi32, #tpu.memory_space<hbm>> -> memref<160x125xi32, #tpu.memory_space<hbm>>
      %dma_start3A_42 = arith.constant 0 : i32
      %dma_start3A_43 = arith.constant 0 : i32
      %dma_start3A_44 = tpu.memref_slice %arg4[%arg1, %dma_start3A_42, %dma_start3A_43] : memref<16x160x125xi32, #tpu.memory_space<hbm>> -> memref<1x160x125xi32, #tpu.memory_space<hbm>>
      %dma_start3A_45 = tpu.memref_squeeze %dma_start3A_44 : memref<1x160x125xi32, #tpu.memory_space<hbm>> -> memref<160x125xi32, #tpu.memory_space<hbm>>
      tpu.enqueue_dma source(%dma_start3A_45 : memref<160x125xi32, #tpu.memory_space<hbm>>) target(%arg8 : memref<160x125xi32, #tpu.memory_space<vmem>>) target_semaphore(%run_scoped3A : memref<!tpu.dma_semaphore, #tpu.memory_space<semaphore_mem>>)
      %dma_wait3A_46 = arith.constant 0 : i32
      %dma_wait3A_47 = arith.constant 0 : i32
      %dma_wait3A_48 = tpu.memref_slice %arg4[%arg1, %dma_wait3A_46, %dma_wait3A_47] : memref<16x160x125xi32, #tpu.memory_space<hbm>> -> memref<1x160x125xi32, #tpu.memory_space<hbm>>
      %dma_wait3A_49 = tpu.memref_squeeze %dma_wait3A_48 : memref<1x160x125xi32, #tpu.memory_space<hbm>> -> memref<160x125xi32, #tpu.memory_space<hbm>>
      %dma_wait3A_50 = arith.constant 0 : i32
      %dma_wait3A_51 = arith.constant 0 : i32
      %dma_wait3A_52 = tpu.memref_slice %arg4[%arg1, %dma_wait3A_50, %dma_wait3A_51] : memref<16x160x125xi32, #tpu.memory_space<hbm>> -> memref<1x160x125xi32, #tpu.memory_space<hbm>>
      %dma_wait3A_53 = tpu.memref_squeeze %dma_wait3A_52 : memref<1x160x125xi32, #tpu.memory_space<hbm>> -> memref<160x125xi32, #tpu.memory_space<hbm>>
      tpu.wait_dma2 semaphore(%run_scoped3A : memref<!tpu.dma_semaphore, #tpu.memory_space<semaphore_mem>>) src(%dma_wait3A_53 : memref<160x125xi32, #tpu.memory_space<hbm>>) dst(%arg8 : memref<160x125xi32, #tpu.memory_space<vmem>>)
      tpu.yield
    }) : () -> ()
    %barrier3A = arith.constant 0 : index
    tpu.barrier barrier_id(%barrier3A)
    %dma_start3A = arith.constant 0 : i32
    %dma_start3A_5 = arith.constant 0 : i32
    %dma_start3A_6 = tpu.memref_slice %arg7[%dma_start3A, %dma_start3A_5] : memref<161x125xi32, #tpu.memory_space<vmem>> -> memref<1x125xi32, #tpu.memory_space<vmem>>
    %dma_start3A_7 = tpu.memref_squeeze %dma_start3A_6 : memref<1x125xi32, #tpu.memory_space<vmem>> -> memref<125xi32, #tpu.memory_space<vmem>>
    %dma_start3A_8 = arith.constant 0 : i32
    %dma_start3A_9 = arith.constant 0 : i32
    %dma_start3A_10 = tpu.memref_slice %arg2[%arg0, %dma_start3A_8, %dma_start3A_9] : memref<2x10240x64xf32, #tpu.memory_space<hbm>> -> memref<1x10240x64xf32, #tpu.memory_space<hbm>>
    %dma_start3A_11 = tpu.memref_squeeze %dma_start3A_10 : memref<1x10240x64xf32, #tpu.memory_space<hbm>> -> memref<10240x64xf32, #tpu.memory_space<hbm>>
    %dma_start3A_12 = arith.constant 0 : i32
    %dma_start3A_13 = arith.constant 0 : i32
    %dma_start3A_14 = tpu.memref_slice %dma_start3A_11[%dma_start3A_12, %dma_start3A_13] : memref<10240x64xf32, #tpu.memory_space<hbm>> -> memref<10240x64xf32, #tpu.memory_space<hbm>>
    tpu.enqueue_indirect_dma source(%dma_start3A_14 : memref<10240x64xf32, #tpu.memory_space<hbm>>) target(%arg9 : memref<125x64xf32, #tpu.memory_space<vmem>>) offsets(%dma_start3A_7 : memref<125xi32, #tpu.memory_space<vmem>>) semaphore(%arg12 : memref<!tpu.dma_semaphore, #tpu.memory_space<semaphore_mem>>)
    %scan3A_15 = arith.constant 0 : i32
    %scan3A_16 = arith.constant 0 : i32
    %scan3A_17 = arith.constant 80 : i32
    %scan3A_18 = arith.addi %scan3A_16, %scan3A_17 : i32
    %scan3A_19 = arith.constant 1 : i32
    scf.for %scan3A_38 = %scan3A_16 to %scan3A_18 step %scan3A_19  : i32 {
      %mul3A = arith.constant 2 : i32
      %mul3A_39 = arith.muli %scan3A_38, %mul3A : i32
      %add3A = arith.constant 0 : i32
      %add3A_40 = arith.addi %mul3A_39, %add3A : i32
      %add3A_41 = arith.constant 1 : i32
      %add3A_42 = arith.addi %add3A_40, %add3A_41 : i32
      %dma_start3A_43 = arith.constant 0 : i32
      %dma_start3A_44 = tpu.memref_slice %arg7[%add3A_42, %dma_start3A_43] : memref<161x125xi32, #tpu.memory_space<vmem>> -> memref<1x125xi32, #tpu.memory_space<vmem>>
      %dma_start3A_45 = tpu.memref_squeeze %dma_start3A_44 : memref<1x125xi32, #tpu.memory_space<vmem>> -> memref<125xi32, #tpu.memory_space<vmem>>
      %dma_start3A_46 = arith.constant 0 : i32
      %dma_start3A_47 = arith.constant 0 : i32
      %dma_start3A_48 = tpu.memref_slice %arg2[%arg0, %dma_start3A_46, %dma_start3A_47] : memref<2x10240x64xf32, #tpu.memory_space<hbm>> -> memref<1x10240x64xf32, #tpu.memory_space<hbm>>
      %dma_start3A_49 = tpu.memref_squeeze %dma_start3A_48 : memref<1x10240x64xf32, #tpu.memory_space<hbm>> -> memref<10240x64xf32, #tpu.memory_space<hbm>>
      %dma_start3A_50 = arith.constant 0 : i32
      %dma_start3A_51 = arith.constant 0 : i32
      %dma_start3A_52 = tpu.memref_slice %dma_start3A_49[%dma_start3A_50, %dma_start3A_51] : memref<10240x64xf32, #tpu.memory_space<hbm>> -> memref<10240x64xf32, #tpu.memory_space<hbm>>
      tpu.enqueue_indirect_dma source(%dma_start3A_52 : memref<10240x64xf32, #tpu.memory_space<hbm>>) target(%arg10 : memref<125x64xf32, #tpu.memory_space<vmem>>) offsets(%dma_start3A_45 : memref<125xi32, #tpu.memory_space<vmem>>) semaphore(%arg13 : memref<!tpu.dma_semaphore, #tpu.memory_space<semaphore_mem>>)
      %dma_wait3A_53 = arith.constant 0 : i32
      %dma_wait3A_54 = tpu.memref_slice %arg7[%add3A_40, %dma_wait3A_53] : memref<161x125xi32, #tpu.memory_space<vmem>> -> memref<1x125xi32, #tpu.memory_space<vmem>>
      %dma_wait3A_55 = tpu.memref_squeeze %dma_wait3A_54 : memref<1x125xi32, #tpu.memory_space<vmem>> -> memref<125xi32, #tpu.memory_space<vmem>>
      %dma_wait3A_56 = arith.constant 0 : i32
      %dma_wait3A_57 = arith.constant 0 : i32
      %dma_wait3A_58 = tpu.memref_slice %arg2[%arg0, %dma_wait3A_56, %dma_wait3A_57] : memref<2x10240x64xf32, #tpu.memory_space<hbm>> -> memref<1x10240x64xf32, #tpu.memory_space<hbm>>
      %dma_wait3A_59 = tpu.memref_squeeze %dma_wait3A_58 : memref<1x10240x64xf32, #tpu.memory_space<hbm>> -> memref<10240x64xf32, #tpu.memory_space<hbm>>
      %dma_wait3A_60 = arith.constant 0 : i32
      %dma_wait3A_61 = arith.constant 0 : i32
      %dma_wait3A_62 = tpu.memref_slice %dma_wait3A_59[%dma_wait3A_60, %dma_wait3A_61] : memref<10240x64xf32, #tpu.memory_space<hbm>> -> memref<10240x64xf32, #tpu.memory_space<hbm>>
      tpu.wait_indirect_dma semaphore(%arg12 : memref<!tpu.dma_semaphore, #tpu.memory_space<semaphore_mem>>) src(%dma_wait3A_62 : memref<10240x64xf32, #tpu.memory_space<hbm>>) dst(%arg9 : memref<125x64xf32, #tpu.memory_space<vmem>>)
      "tpu.region"() ({
        %run_scoped3A = tpu.sem_alloc : memref<!tpu.dma_semaphore, #tpu.memory_space<semaphore_mem>>
        %dma_start3A_89 = arith.constant 0 : i32
        %dma_start3A_90 = tpu.memref_slice %arg8[%add3A_40, %dma_start3A_89] : memref<160x125xi32, #tpu.memory_space<vmem>> -> memref<1x125xi32, #tpu.memory_space<vmem>>
        %dma_start3A_91 = tpu.memref_squeeze %dma_start3A_90 : memref<1x125xi32, #tpu.memory_space<vmem>> -> memref<125xi32, #tpu.memory_space<vmem>>
        %dma_start3A_92 = arith.constant 0 : i32
        %dma_start3A_93 = arith.constant 0 : i32
        %dma_start3A_94 = tpu.memref_slice %arg11[%dma_start3A_92, %dma_start3A_93] : memref<10240x64xf32, #tpu.memory_space<vmem_shared>> -> memref<10240x64xf32, #tpu.memory_space<vmem_shared>>
        tpu.enqueue_indirect_dma source(%arg9 : memref<125x64xf32, #tpu.memory_space<vmem>>) target(%dma_start3A_94 : memref<10240x64xf32, #tpu.memory_space<vmem_shared>>) offsets(%dma_start3A_91 : memref<125xi32, #tpu.memory_space<vmem>>) semaphore(%run_scoped3A : memref<!tpu.dma_semaphore, #tpu.memory_space<semaphore_mem>>) {add = true}
        %dma_wait3A_95 = arith.constant 0 : i32
        %dma_wait3A_96 = tpu.memref_slice %arg8[%add3A_40, %dma_wait3A_95] : memref<160x125xi32, #tpu.memory_space<vmem>> -> memref<1x125xi32, #tpu.memory_space<vmem>>
        %dma_wait3A_97 = tpu.memref_squeeze %dma_wait3A_96 : memref<1x125xi32, #tpu.memory_space<vmem>> -> memref<125xi32, #tpu.memory_space<vmem>>
        %dma_wait3A_98 = arith.constant 0 : i32
        %dma_wait3A_99 = arith.constant 0 : i32
        %dma_wait3A_100 = tpu.memref_slice %arg11[%dma_wait3A_98, %dma_wait3A_99] : memref<10240x64xf32, #tpu.memory_space<vmem_shared>> -> memref<10240x64xf32, #tpu.memory_space<vmem_shared>>
        tpu.wait_indirect_dma semaphore(%run_scoped3A : memref<!tpu.dma_semaphore, #tpu.memory_space<semaphore_mem>>) src(%arg9 : memref<125x64xf32, #tpu.memory_space<vmem>>) dst(%dma_wait3A_100 : memref<10240x64xf32, #tpu.memory_space<vmem_shared>>)
        tpu.yield
      }) : () -> ()
      %mul3A_63 = arith.constant 2 : i32
      %mul3A_64 = arith.muli %scan3A_38, %mul3A_63 : i32
      %add3A_65 = arith.constant 1 : i32
      %add3A_66 = arith.addi %mul3A_64, %add3A_65 : i32
      %add3A_67 = arith.constant 1 : i32
      %add3A_68 = arith.addi %add3A_66, %add3A_67 : i32
      %dma_start3A_69 = arith.constant 0 : i32
      %dma_start3A_70 = tpu.memref_slice %arg7[%add3A_68, %dma_start3A_69] : memref<161x125xi32, #tpu.memory_space<vmem>> -> memref<1x125xi32, #tpu.memory_space<vmem>>
      %dma_start3A_71 = tpu.memref_squeeze %dma_start3A_70 : memref<1x125xi32, #tpu.memory_space<vmem>> -> memref<125xi32, #tpu.memory_space<vmem>>
      %dma_start3A_72 = arith.constant 0 : i32
      %dma_start3A_73 = arith.constant 0 : i32
      %dma_start3A_74 = tpu.memref_slice %arg2[%arg0, %dma_start3A_72, %dma_start3A_73] : memref<2x10240x64xf32, #tpu.memory_space<hbm>> -> memref<1x10240x64xf32, #tpu.memory_space<hbm>>
      %dma_start3A_75 = tpu.memref_squeeze %dma_start3A_74 : memref<1x10240x64xf32, #tpu.memory_space<hbm>> -> memref<10240x64xf32, #tpu.memory_space<hbm>>
      %dma_start3A_76 = arith.constant 0 : i32
      %dma_start3A_77 = arith.constant 0 : i32
      %dma_start3A_78 = tpu.memref_slice %dma_start3A_75[%dma_start3A_76, %dma_start3A_77] : memref<10240x64xf32, #tpu.memory_space<hbm>> -> memref<10240x64xf32, #tpu.memory_space<hbm>>
      tpu.enqueue_indirect_dma source(%dma_start3A_78 : memref<10240x64xf32, #tpu.memory_space<hbm>>) target(%arg9 : memref<125x64xf32, #tpu.memory_space<vmem>>) offsets(%dma_start3A_71 : memref<125xi32, #tpu.memory_space<vmem>>) semaphore(%arg12 : memref<!tpu.dma_semaphore, #tpu.memory_space<semaphore_mem>>)
      %dma_wait3A_79 = arith.constant 0 : i32
      %dma_wait3A_80 = tpu.memref_slice %arg7[%add3A_66, %dma_wait3A_79] : memref<161x125xi32, #tpu.memory_space<vmem>> -> memref<1x125xi32, #tpu.memory_space<vmem>>
      %dma_wait3A_81 = tpu.memref_squeeze %dma_wait3A_80 : memref<1x125xi32, #tpu.memory_space<vmem>> -> memref<125xi32, #tpu.memory_space<vmem>>
      %dma_wait3A_82 = arith.constant 0 : i32
      %dma_wait3A_83 = arith.constant 0 : i32
      %dma_wait3A_84 = tpu.memref_slice %arg2[%arg0, %dma_wait3A_82, %dma_wait3A_83] : memref<2x10240x64xf32, #tpu.memory_space<hbm>> -> memref<1x10240x64xf32, #tpu.memory_space<hbm>>
      %dma_wait3A_85 = tpu.memref_squeeze %dma_wait3A_84 : memref<1x10240x64xf32, #tpu.memory_space<hbm>> -> memref<10240x64xf32, #tpu.memory_space<hbm>>
      %dma_wait3A_86 = arith.constant 0 : i32
      %dma_wait3A_87 = arith.constant 0 : i32
      %dma_wait3A_88 = tpu.memref_slice %dma_wait3A_85[%dma_wait3A_86, %dma_wait3A_87] : memref<10240x64xf32, #tpu.memory_space<hbm>> -> memref<10240x64xf32, #tpu.memory_space<hbm>>
      tpu.wait_indirect_dma semaphore(%arg13 : memref<!tpu.dma_semaphore, #tpu.memory_space<semaphore_mem>>) src(%dma_wait3A_88 : memref<10240x64xf32, #tpu.memory_space<hbm>>) dst(%arg10 : memref<125x64xf32, #tpu.memory_space<vmem>>)
      "tpu.region"() ({
        %run_scoped3A = tpu.sem_alloc : memref<!tpu.dma_semaphore, #tpu.memory_space<semaphore_mem>>
        %dma_start3A_89 = arith.constant 0 : i32
        %dma_start3A_90 = tpu.memref_slice %arg8[%add3A_66, %dma_start3A_89] : memref<160x125xi32, #tpu.memory_space<vmem>> -> memref<1x125xi32, #tpu.memory_space<vmem>>
        %dma_start3A_91 = tpu.memref_squeeze %dma_start3A_90 : memref<1x125xi32, #tpu.memory_space<vmem>> -> memref<125xi32, #tpu.memory_space<vmem>>
        %dma_start3A_92 = arith.constant 0 : i32
        %dma_start3A_93 = arith.constant 0 : i32
        %dma_start3A_94 = tpu.memref_slice %arg11[%dma_start3A_92, %dma_start3A_93] : memref<10240x64xf32, #tpu.memory_space<vmem_shared>> -> memref<10240x64xf32, #tpu.memory_space<vmem_shared>>
        tpu.enqueue_indirect_dma source(%arg10 : memref<125x64xf32, #tpu.memory_space<vmem>>) target(%dma_start3A_94 : memref<10240x64xf32, #tpu.memory_space<vmem_shared>>) offsets(%dma_start3A_91 : memref<125xi32, #tpu.memory_space<vmem>>) semaphore(%run_scoped3A : memref<!tpu.dma_semaphore, #tpu.memory_space<semaphore_mem>>) {add = true}
        %dma_wait3A_95 = arith.constant 0 : i32
        %dma_wait3A_96 = tpu.memref_slice %arg8[%add3A_66, %dma_wait3A_95] : memref<160x125xi32, #tpu.memory_space<vmem>> -> memref<1x125xi32, #tpu.memory_space<vmem>>
        %dma_wait3A_97 = tpu.memref_squeeze %dma_wait3A_96 : memref<1x125xi32, #tpu.memory_space<vmem>> -> memref<125xi32, #tpu.memory_space<vmem>>
        %dma_wait3A_98 = arith.constant 0 : i32
        %dma_wait3A_99 = arith.constant 0 : i32
        %dma_wait3A_100 = tpu.memref_slice %arg11[%dma_wait3A_98, %dma_wait3A_99] : memref<10240x64xf32, #tpu.memory_space<vmem_shared>> -> memref<10240x64xf32, #tpu.memory_space<vmem_shared>>
        tpu.wait_indirect_dma semaphore(%run_scoped3A : memref<!tpu.dma_semaphore, #tpu.memory_space<semaphore_mem>>) src(%arg10 : memref<125x64xf32, #tpu.memory_space<vmem>>) dst(%dma_wait3A_100 : memref<10240x64xf32, #tpu.memory_space<vmem_shared>>)
        tpu.yield
      }) : () -> ()
    }
    %scan3A_20 = arith.constant 80 : i32
    %dma_wait3A = arith.constant 160 : i32
    %dma_wait3A_21 = arith.constant 0 : i32
    %dma_wait3A_22 = tpu.memref_slice %arg7[%dma_wait3A, %dma_wait3A_21] : memref<161x125xi32, #tpu.memory_space<vmem>> -> memref<1x125xi32, #tpu.memory_space<vmem>>
    %dma_wait3A_23 = tpu.memref_squeeze %dma_wait3A_22 : memref<1x125xi32, #tpu.memory_space<vmem>> -> memref<125xi32, #tpu.memory_space<vmem>>
    %dma_wait3A_24 = arith.constant 0 : i32
    %dma_wait3A_25 = arith.constant 0 : i32
    %dma_wait3A_26 = tpu.memref_slice %arg2[%arg0, %dma_wait3A_24, %dma_wait3A_25] : memref<2x10240x64xf32, #tpu.memory_space<hbm>> -> memref<1x10240x64xf32, #tpu.memory_space<hbm>>
    %dma_wait3A_27 = tpu.memref_squeeze %dma_wait3A_26 : memref<1x10240x64xf32, #tpu.memory_space<hbm>> -> memref<10240x64xf32, #tpu.memory_space<hbm>>
    %dma_wait3A_28 = arith.constant 0 : i32
    %dma_wait3A_29 = arith.constant 0 : i32
    %dma_wait3A_30 = tpu.memref_slice %dma_wait3A_27[%dma_wait3A_28, %dma_wait3A_29] : memref<10240x64xf32, #tpu.memory_space<hbm>> -> memref<10240x64xf32, #tpu.memory_space<hbm>>
    tpu.wait_indirect_dma semaphore(%arg12 : memref<!tpu.dma_semaphore, #tpu.memory_space<semaphore_mem>>) src(%dma_wait3A_30 : memref<10240x64xf32, #tpu.memory_space<hbm>>) dst(%arg9 : memref<125x64xf32, #tpu.memory_space<vmem>>)
    %barrier3A_31 = arith.constant 0 : index
    tpu.barrier barrier_id(%barrier3A_31)
    %scan3A_32 = arith.constant 0 : i32
    %scan3A_33 = arith.constant 0 : i32
    %scan3A_34 = arith.constant 10 : i32
    %scan3A_35 = arith.addi %scan3A_33, %scan3A_34 : i32
    %scan3A_36 = arith.constant 1 : i32
    scf.for %scan3A_38 = %scan3A_33 to %scan3A_35 step %scan3A_36  : i32 {
      %mul3A = arith.constant 640 : i32
      %mul3A_39 = arith.muli %arg1, %mul3A : i32
      %mul3A_40 = arith.constant 64 : i32
      %mul3A_41 = arith.muli %scan3A_38, %mul3A_40 : i32
      %add3A = arith.addi %mul3A_39, %mul3A_41 : i32
      "tpu.region"() ({
        %run_scoped3A = tpu.sem_alloc : memref<!tpu.dma_semaphore, #tpu.memory_space<semaphore_mem>>
        %dma_start3A_50 = arith.constant 0 : i32
        %dma_start3A_51 = arith.constant 0 : i32
        %dma_start3A_52 = tpu.memref_slice %arg9[%dma_start3A_50, %dma_start3A_51] : memref<125x64xf32, #tpu.memory_space<vmem>> -> memref<64x64xf32, #tpu.memory_space<vmem>>
        %dma_start3A_53 = arith.constant 0 : i32
        %dma_start3A_54 = tpu.memref_slice %arg11[%add3A, %dma_start3A_53] : memref<10240x64xf32, #tpu.memory_space<vmem_shared>> -> memref<64x64xf32, #tpu.memory_space<vmem_shared>>
        %dma_start3A_55 = arith.constant 0 : i32
        %dma_start3A_56 = arith.constant 0 : i32
        %dma_start3A_57 = tpu.memref_slice %arg9[%dma_start3A_55, %dma_start3A_56] : memref<125x64xf32, #tpu.memory_space<vmem>> -> memref<64x64xf32, #tpu.memory_space<vmem>>
        %dma_start3A_58 = arith.constant 0 : i32
        %dma_start3A_59 = tpu.memref_slice %arg11[%add3A, %dma_start3A_58] : memref<10240x64xf32, #tpu.memory_space<vmem_shared>> -> memref<64x64xf32, #tpu.memory_space<vmem_shared>>
        tpu.enqueue_dma source(%dma_start3A_59 : memref<64x64xf32, #tpu.memory_space<vmem_shared>>) target(%dma_start3A_57 : memref<64x64xf32, #tpu.memory_space<vmem>>) target_semaphore(%run_scoped3A : memref<!tpu.dma_semaphore, #tpu.memory_space<semaphore_mem>>)
        %dma_wait3A_60 = arith.constant 0 : i32
        %dma_wait3A_61 = arith.constant 0 : i32
        %dma_wait3A_62 = tpu.memref_slice %arg9[%dma_wait3A_60, %dma_wait3A_61] : memref<125x64xf32, #tpu.memory_space<vmem>> -> memref<64x64xf32, #tpu.memory_space<vmem>>
        %dma_wait3A_63 = arith.constant 0 : i32
        %dma_wait3A_64 = tpu.memref_slice %arg11[%add3A, %dma_wait3A_63] : memref<10240x64xf32, #tpu.memory_space<vmem_shared>> -> memref<64x64xf32, #tpu.memory_space<vmem_shared>>
        %dma_wait3A_65 = arith.constant 0 : i32
        %dma_wait3A_66 = arith.constant 0 : i32
        %dma_wait3A_67 = tpu.memref_slice %arg9[%dma_wait3A_65, %dma_wait3A_66] : memref<125x64xf32, #tpu.memory_space<vmem>> -> memref<64x64xf32, #tpu.memory_space<vmem>>
        %dma_wait3A_68 = arith.constant 0 : i32
        %dma_wait3A_69 = tpu.memref_slice %arg11[%add3A, %dma_wait3A_68] : memref<10240x64xf32, #tpu.memory_space<vmem_shared>> -> memref<64x64xf32, #tpu.memory_space<vmem_shared>>
        tpu.wait_dma2 semaphore(%run_scoped3A : memref<!tpu.dma_semaphore, #tpu.memory_space<semaphore_mem>>) src(%dma_wait3A_69 : memref<64x64xf32, #tpu.memory_space<vmem_shared>>) dst(%dma_wait3A_67 : memref<64x64xf32, #tpu.memory_space<vmem>>)
        tpu.yield
      }) : () -> ()
      %mul3A_42 = arith.constant 10240 : i32
      %mul3A_43 = arith.muli %arg0, %mul3A_42 : i32
      %mul3A_44 = arith.constant 640 : i32
      %mul3A_45 = arith.muli %arg1, %mul3A_44 : i32
      %add3A_46 = arith.addi %mul3A_43, %mul3A_45 : i32
      %mul3A_47 = arith.constant 64 : i32
      %mul3A_48 = arith.muli %scan3A_38, %mul3A_47 : i32
      %add3A_49 = arith.addi %add3A_46, %mul3A_48 : i32
      "tpu.region"() ({
        %run_scoped3A = tpu.sem_alloc : memref<!tpu.dma_semaphore, #tpu.memory_space<semaphore_mem>>
        %dma_start3A_50 = arith.constant 0 : i32
        %dma_start3A_51 = arith.constant 0 : i32
        %dma_start3A_52 = tpu.memref_slice %arg9[%dma_start3A_50, %dma_start3A_51] : memref<125x64xf32, #tpu.memory_space<vmem>> -> memref<64x64xf32, #tpu.memory_space<vmem>>
        %dma_start3A_53 = arith.constant 0 : i32
        %dma_start3A_54 = tpu.memref_slice %arg6[%add3A_49, %dma_start3A_53] : memref<20480x64xf32, #tpu.memory_space<hbm>> -> memref<64x64xf32, #tpu.memory_space<hbm>>
        %dma_start3A_55 = arith.constant 0 : i32
        %dma_start3A_56 = tpu.memref_slice %arg6[%add3A_49, %dma_start3A_55] : memref<20480x64xf32, #tpu.memory_space<hbm>> -> memref<64x64xf32, #tpu.memory_space<hbm>>
        %dma_start3A_57 = arith.constant 0 : i32
        %dma_start3A_58 = arith.constant 0 : i32
        %dma_start3A_59 = tpu.memref_slice %arg9[%dma_start3A_57, %dma_start3A_58] : memref<125x64xf32, #tpu.memory_space<vmem>> -> memref<64x64xf32, #tpu.memory_space<vmem>>
        tpu.enqueue_dma source(%dma_start3A_59 : memref<64x64xf32, #tpu.memory_space<vmem>>) target(%dma_start3A_56 : memref<64x64xf32, #tpu.memory_space<hbm>>) target_semaphore(%run_scoped3A : memref<!tpu.dma_semaphore, #tpu.memory_space<semaphore_mem>>)
        %dma_wait3A_60 = arith.constant 0 : i32
        %dma_wait3A_61 = arith.constant 0 : i32
        %dma_wait3A_62 = tpu.memref_slice %arg9[%dma_wait3A_60, %dma_wait3A_61] : memref<125x64xf32, #tpu.memory_space<vmem>> -> memref<64x64xf32, #tpu.memory_space<vmem>>
        %dma_wait3A_63 = arith.constant 0 : i32
        %dma_wait3A_64 = tpu.memref_slice %arg6[%add3A_49, %dma_wait3A_63] : memref<20480x64xf32, #tpu.memory_space<hbm>> -> memref<64x64xf32, #tpu.memory_space<hbm>>
        %dma_wait3A_65 = arith.constant 0 : i32
        %dma_wait3A_66 = tpu.memref_slice %arg6[%add3A_49, %dma_wait3A_65] : memref<20480x64xf32, #tpu.memory_space<hbm>> -> memref<64x64xf32, #tpu.memory_space<hbm>>
        %dma_wait3A_67 = arith.constant 0 : i32
        %dma_wait3A_68 = arith.constant 0 : i32
        %dma_wait3A_69 = tpu.memref_slice %arg9[%dma_wait3A_67, %dma_wait3A_68] : memref<125x64xf32, #tpu.memory_space<vmem>> -> memref<64x64xf32, #tpu.memory_space<vmem>>
        tpu.wait_dma2 semaphore(%run_scoped3A : memref<!tpu.dma_semaphore, #tpu.memory_space<semaphore_mem>>) src(%dma_wait3A_69 : memref<64x64xf32, #tpu.memory_space<vmem>>) dst(%dma_wait3A_66 : memref<64x64xf32, #tpu.memory_space<hbm>>)
        tpu.yield
      }) : () -> ()
    }
    %scan3A_37 = arith.constant 10 : i32
    return
  }
}

module attributes {stable_mosaic.version = 14 : i64} {
  func.func @_dinv_body(%arg0: i32, %arg1: memref<1024x64xf32, #tpu.memory_space<vmem>>, %arg2: memref<1024x1xf32, #tpu.memory_space<vmem>>) attributes {dimension_semantics = [#tpu.dimension_semantics<arbitrary>], iteration_bounds = array<i64: 10>, scalar_prefetch = 0 : i64, scratch_operands = 0 : i64, tpu.core_type = #tpu.core_type<tc>, window_params = [{transform_indices = @transform_0, window_bounds = array<i64: 1024, 64>}, {transform_indices = @transform_1, window_bounds = array<i64: 1024, 1>}]} {
    %get3A = arith.constant 0 : index
    %get3A_0 = arith.constant 0 : index
    %get3A_1 = vector.load %arg1[%get3A, %get3A_0] : memref<1024x64xf32, #tpu.memory_space<vmem>>, vector<1024x64xf32>
    %slice3A = vector.extract_strided_slice %get3A_1 {offsets = [0, 0], sizes = [1024, 1], strides = [1, 1]} : vector<1024x64xf32> to vector<1024x1xf32>
    %add3A = arith.constant 1.000000e+00 : f32
    %add3A_2 = vector.broadcast %add3A : f32 to vector<1024x1xf32>
    %add3A_3 = arith.addf %slice3A, %add3A_2 : vector<1024x1xf32>
    %rsqrt3A = math.rsqrt %add3A_3 : vector<1024x1xf32>
    %swap3A = arith.constant 0 : index
    %swap3A_4 = arith.constant 0 : index
    %swap3A_5 = vector.load %arg2[%swap3A, %swap3A_4] : memref<1024x1xf32, #tpu.memory_space<vmem>>, vector<1024x1xf32>
    tpu.vector_store %arg2[%swap3A, %swap3A_4], %rsqrt3A {strides = array<i32>} : memref<1024x1xf32, #tpu.memory_space<vmem>>, vector<1024x1xf32>,
    return
  }
  func.func @transform_0(%arg0: i32) -> (i32, i32) {
    %c0_i32 = arith.constant 0 : i32
    %c0_i32_0 = arith.constant 0 : i32
    return %arg0, %c0_i32 : i32, i32
  }
  func.func @transform_1(%arg0: i32) -> (i32, i32) {
    %c0_i32 = arith.constant 0 : i32
    %c0_i32_0 = arith.constant 0 : i32
    return %arg0, %c0_i32 : i32, i32
  }
}

module attributes {stable_mosaic.version = 14 : i64} {
  func.func @_mm1_body(%arg0: i32, %arg1: memref<1024x128xf32, #tpu.memory_space<vmem>>, %arg2: memref<128x128xf32, #tpu.memory_space<vmem>>, %arg3: memref<1024x1xf32, #tpu.memory_space<vmem>>, %arg4: memref<1024x128xf32, #tpu.memory_space<vmem>>, %arg5: memref<2x1024x64xf32, #tpu.memory_space<vmem>>) attributes {dimension_semantics = [#tpu.dimension_semantics<arbitrary>], iteration_bounds = array<i64: 10>, scalar_prefetch = 0 : i64, scratch_operands = 0 : i64, tpu.core_type = #tpu.core_type<tc>, window_params = [{transform_indices = @transform_0, window_bounds = array<i64: 1024, 128>}, {pipeline_mode = #tpu.pipeline_mode<synchronous>, transform_indices = @transform_1, window_bounds = array<i64: 128, 128>}, {transform_indices = @transform_2, window_bounds = array<i64: 1024, 1>}, {transform_indices = @transform_3, window_bounds = array<i64: 1024, 128>}, {transform_indices = @transform_4, window_bounds = array<i64: 2, 1024, 64>}]} {
    %get3A = arith.constant 0 : index
    %get3A_0 = arith.constant 0 : index
    %get3A_1 = vector.load %arg1[%get3A, %get3A_0] : memref<1024x128xf32, #tpu.memory_space<vmem>>, vector<1024x128xf32>
    %get3A_2 = arith.constant 0 : index
    %get3A_3 = arith.constant 0 : index
    %get3A_4 = vector.load %arg2[%get3A_2, %get3A_3] : memref<128x128xf32, #tpu.memory_space<vmem>>, vector<128x128xf32>
    %dot_general3A = arith.constant dense<0.000000e+00> : vector<1024x128xf32>
    %dot_general3A_5 = tpu.matmul %get3A_1, %get3A_4, %dot_general3A {dimension_numbers = #tpu.dot_dimension_numbers<[1], [0], [0], [1], [0, 0, 1, 1], [], []>, transpose_lhs_hint = false} : vector<1024x128xf32>, vector<128x128xf32>, vector<1024x128xf32> -> vector<1024x128xf32>
    %swap3A = arith.constant 0 : index
    %swap3A_6 = arith.constant 0 : index
    %swap3A_7 = vector.load %arg4[%swap3A, %swap3A_6] : memref<1024x128xf32, #tpu.memory_space<vmem>>, vector<1024x128xf32>
    tpu.vector_store %arg4[%swap3A, %swap3A_6], %dot_general3A_5 {strides = array<i32>} : memref<1024x128xf32, #tpu.memory_space<vmem>>, vector<1024x128xf32>,
    %get3A_8 = arith.constant 0 : index
    %get3A_9 = arith.constant 0 : index
    %get3A_10 = vector.load %arg3[%get3A_8, %get3A_9] : memref<1024x1xf32, #tpu.memory_space<vmem>>, vector<1024x1xf32>
    %mul3A = vector.broadcast %get3A_10 : vector<1024x1xf32> to vector<1024x128xf32>
    %mul3A_11 = arith.mulf %dot_general3A_5, %mul3A : vector<1024x128xf32>
    %slice3A = vector.extract_strided_slice %mul3A_11 {offsets = [0, 0], sizes = [1024, 64], strides = [1, 1]} : vector<1024x128xf32> to vector<1024x64xf32>
    %swap3A_12 = arith.constant 0 : index
    %swap3A_13 = arith.constant 0 : index
    %swap3A_14 = arith.constant 0 : index
    %swap3A_15 = vector.load %arg5[%swap3A_12, %swap3A_13, %swap3A_14] : memref<2x1024x64xf32, #tpu.memory_space<vmem>>, vector<1x1024x64xf32>
    %swap3A_16 = vector.shape_cast %swap3A_15 : vector<1x1024x64xf32> to vector<1024x64xf32>
    %swap3A_17 = vector.shape_cast %slice3A : vector<1024x64xf32> to vector<1x1024x64xf32>
    tpu.vector_store %arg5[%swap3A_12, %swap3A_13, %swap3A_14], %swap3A_17 {strides = array<i32>} : memref<2x1024x64xf32, #tpu.memory_space<vmem>>, vector<1x1024x64xf32>,
    %slice3A_18 = vector.extract_strided_slice %mul3A_11 {offsets = [0, 64], sizes = [1024, 64], strides = [1, 1]} : vector<1024x128xf32> to vector<1024x64xf32>
    %swap3A_19 = arith.constant 1 : index
    %swap3A_20 = arith.constant 0 : index
    %swap3A_21 = arith.constant 0 : index
    %swap3A_22 = vector.load %arg5[%swap3A_19, %swap3A_20, %swap3A_21] : memref<2x1024x64xf32, #tpu.memory_space<vmem>>, vector<1x1024x64xf32>
    %swap3A_23 = vector.shape_cast %swap3A_22 : vector<1x1024x64xf32> to vector<1024x64xf32>
    %swap3A_24 = vector.shape_cast %slice3A_18 : vector<1024x64xf32> to vector<1x1024x64xf32>
    tpu.vector_store %arg5[%swap3A_19, %swap3A_20, %swap3A_21], %swap3A_24 {strides = array<i32>} : memref<2x1024x64xf32, #tpu.memory_space<vmem>>, vector<1x1024x64xf32>,
    return
  }
  func.func @transform_0(%arg0: i32) -> (i32, i32) {
    %c0_i32 = arith.constant 0 : i32
    %c0_i32_0 = arith.constant 0 : i32
    return %arg0, %c0_i32 : i32, i32
  }
  func.func @transform_1(%arg0: i32) -> (i32, i32) {
    %c0_i32 = arith.constant 0 : i32
    %c0_i32_0 = arith.constant 0 : i32
    %c0_i32_1 = arith.constant 0 : i32
    return %c0_i32, %c0_i32_0 : i32, i32
  }
  func.func @transform_2(%arg0: i32) -> (i32, i32) {
    %c0_i32 = arith.constant 0 : i32
    %c0_i32_0 = arith.constant 0 : i32
    return %arg0, %c0_i32 : i32, i32
  }
  func.func @transform_3(%arg0: i32) -> (i32, i32) {
    %c0_i32 = arith.constant 0 : i32
    %c0_i32_0 = arith.constant 0 : i32
    return %arg0, %c0_i32 : i32, i32
  }
  func.func @transform_4(%arg0: i32) -> (i32, i32, i32) {
    %c0_i32 = arith.constant 0 : i32
    %c0_i32_0 = arith.constant 0 : i32
    %c0_i32_1 = arith.constant 0 : i32
    return %c0_i32, %arg0, %c0_i32_0 : i32, i32, i32
  }
}

module attributes {stable_mosaic.version = 14 : i64} {
  func.func @_comb1_body(%arg0: i32, %arg1: memref<2x1024x64xf32, #tpu.memory_space<vmem>>, %arg2: memref<1024x128xf32, #tpu.memory_space<vmem>>, %arg3: memref<1024x1xf32, #tpu.memory_space<vmem>>, %arg4: memref<1x128xf32, #tpu.memory_space<vmem>>, %arg5: memref<128x128xf32, #tpu.memory_space<vmem>>, %arg6: memref<1024x128xf32, #tpu.memory_space<vmem>>, %arg7: memref<2x1024x64xf32, #tpu.memory_space<vmem>>) attributes {dimension_semantics = [#tpu.dimension_semantics<arbitrary>], iteration_bounds = array<i64: 10>, scalar_prefetch = 0 : i64, scratch_operands = 0 : i64, tpu.core_type = #tpu.core_type<tc>, window_params = [{transform_indices = @transform_0, window_bounds = array<i64: 2, 1024, 64>}, {transform_indices = @transform_1, window_bounds = array<i64: 1024, 128>}, {transform_indices = @transform_2, window_bounds = array<i64: 1024, 1>}, {pipeline_mode = #tpu.pipeline_mode<synchronous>, transform_indices = @transform_3, window_bounds = array<i64: 1, 128>}, {pipeline_mode = #tpu.pipeline_mode<synchronous>, transform_indices = @transform_4, window_bounds = array<i64: 128, 128>}, {transform_indices = @transform_5, window_bounds = array<i64: 1024, 128>}, {transform_indices = @transform_6, window_bounds = array<i64: 2, 1024, 64>}]} {
    %get3A = arith.constant 0 : index
    %get3A_0 = arith.constant 0 : index
    %get3A_1 = vector.load %arg3[%get3A, %get3A_0] : memref<1024x1xf32, #tpu.memory_space<vmem>>, vector<1024x1xf32>
    %get3A_2 = arith.constant 0 : index
    %get3A_3 = arith.constant 0 : index
    %get3A_4 = arith.constant 0 : index
    %get3A_5 = vector.load %arg1[%get3A_2, %get3A_3, %get3A_4] : memref<2x1024x64xf32, #tpu.memory_space<vmem>>, vector<1x1024x64xf32>
    %get3A_6 = vector.shape_cast %get3A_5 : vector<1x1024x64xf32> to vector<1024x64xf32>
    %get3A_7 = arith.constant 1 : index
    %get3A_8 = arith.constant 0 : index
    %get3A_9 = arith.constant 0 : index
    %get3A_10 = vector.load %arg1[%get3A_7, %get3A_8, %get3A_9] : memref<2x1024x64xf32, #tpu.memory_space<vmem>>, vector<1x1024x64xf32>
    %get3A_11 = vector.shape_cast %get3A_10 : vector<1x1024x64xf32> to vector<1024x64xf32>
    %concatenate3A = tpu.concatenate %get3A_6, %get3A_11 in 1 : vector<1024x64xf32>, vector<1024x64xf32> -> vector<1024x128xf32>
    %mul3A = vector.broadcast %get3A_1 : vector<1024x1xf32> to vector<1024x128xf32>
    %mul3A_12 = arith.mulf %concatenate3A, %mul3A : vector<1024x128xf32>
    %mul3A_13 = arith.mulf %get3A_1, %get3A_1 : vector<1024x1xf32>
    %get3A_14 = arith.constant 0 : index
    %get3A_15 = arith.constant 0 : index
    %get3A_16 = vector.load %arg2[%get3A_14, %get3A_15] : memref<1024x128xf32, #tpu.memory_space<vmem>>, vector<1024x128xf32>
    %mul3A_17 = vector.broadcast %mul3A_13 : vector<1024x1xf32> to vector<1024x128xf32>
    %mul3A_18 = arith.mulf %mul3A_17, %get3A_16 : vector<1024x128xf32>
    %add3A = arith.addf %mul3A_12, %mul3A_18 : vector<1024x128xf32>
    %get3A_19 = arith.constant 0 : index
    %get3A_20 = arith.constant 0 : index
    %get3A_21 = vector.load %arg4[%get3A_19, %get3A_20] : memref<1x128xf32, #tpu.memory_space<vmem>>, vector<1x128xf32>
    %add3A_22 = vector.broadcast %get3A_21 : vector<1x128xf32> to vector<1024x128xf32>
    %add3A_23 = arith.addf %add3A, %add3A_22 : vector<1024x128xf32>
    %max3A = arith.constant 0.000000e+00 : f32
    %max3A_24 = vector.broadcast %max3A : f32 to vector<1024x128xf32>
    %max3A_25 = arith.maximumf %add3A_23, %max3A_24 : vector<1024x128xf32>
    %get3A_26 = arith.constant 0 : index
    %get3A_27 = arith.constant 0 : index
    %get3A_28 = vector.load %arg5[%get3A_26, %get3A_27] : memref<128x128xf32, #tpu.memory_space<vmem>>, vector<128x128xf32>
    %dot_general3A = arith.constant dense<0.000000e+00> : vector<1024x128xf32>
    %dot_general3A_29 = tpu.matmul %max3A_25, %get3A_28, %dot_general3A {dimension_numbers = #tpu.dot_dimension_numbers<[1], [0], [0], [1], [0, 0, 1, 1], [], []>, transpose_lhs_hint = false} : vector<1024x128xf32>, vector<128x128xf32>, vector<1024x128xf32> -> vector<1024x128xf32>
    %swap3A = arith.constant 0 : index
    %swap3A_30 = arith.constant 0 : index
    %swap3A_31 = vector.load %arg6[%swap3A, %swap3A_30] : memref<1024x128xf32, #tpu.memory_space<vmem>>, vector<1024x128xf32>
    tpu.vector_store %arg6[%swap3A, %swap3A_30], %dot_general3A_29 {strides = array<i32>} : memref<1024x128xf32, #tpu.memory_space<vmem>>, vector<1024x128xf32>,
    %mul3A_32 = vector.broadcast %get3A_1 : vector<1024x1xf32> to vector<1024x128xf32>
    %mul3A_33 = arith.mulf %dot_general3A_29, %mul3A_32 : vector<1024x128xf32>
    %slice3A = vector.extract_strided_slice %mul3A_33 {offsets = [0, 0], sizes = [1024, 64], strides = [1, 1]} : vector<1024x128xf32> to vector<1024x64xf32>
    %swap3A_34 = arith.constant 0 : index
    %swap3A_35 = arith.constant 0 : index
    %swap3A_36 = arith.constant 0 : index
    %swap3A_37 = vector.load %arg7[%swap3A_34, %swap3A_35, %swap3A_36] : memref<2x1024x64xf32, #tpu.memory_space<vmem>>, vector<1x1024x64xf32>
    %swap3A_38 = vector.shape_cast %swap3A_37 : vector<1x1024x64xf32> to vector<1024x64xf32>
    %swap3A_39 = vector.shape_cast %slice3A : vector<1024x64xf32> to vector<1x1024x64xf32>
    tpu.vector_store %arg7[%swap3A_34, %swap3A_35, %swap3A_36], %swap3A_39 {strides = array<i32>} : memref<2x1024x64xf32, #tpu.memory_space<vmem>>, vector<1x1024x64xf32>,
    %slice3A_40 = vector.extract_strided_slice %mul3A_33 {offsets = [0, 64], sizes = [1024, 64], strides = [1, 1]} : vector<1024x128xf32> to vector<1024x64xf32>
    %swap3A_41 = arith.constant 1 : index
    %swap3A_42 = arith.constant 0 : index
    %swap3A_43 = arith.constant 0 : index
    %swap3A_44 = vector.load %arg7[%swap3A_41, %swap3A_42, %swap3A_43] : memref<2x1024x64xf32, #tpu.memory_space<vmem>>, vector<1x1024x64xf32>
    %swap3A_45 = vector.shape_cast %swap3A_44 : vector<1x1024x64xf32> to vector<1024x64xf32>
    %swap3A_46 = vector.shape_cast %slice3A_40 : vector<1024x64xf32> to vector<1x1024x64xf32>
    tpu.vector_store %arg7[%swap3A_41, %swap3A_42, %swap3A_43], %swap3A_46 {strides = array<i32>} : memref<2x1024x64xf32, #tpu.memory_space<vmem>>, vector<1x1024x64xf32>,
    return
  }
  func.func @transform_0(%arg0: i32) -> (i32, i32, i32) {
    %c0_i32 = arith.constant 0 : i32
    %c0_i32_0 = arith.constant 0 : i32
    %c0_i32_1 = arith.constant 0 : i32
    return %c0_i32, %arg0, %c0_i32_0 : i32, i32, i32
  }
  func.func @transform_1(%arg0: i32) -> (i32, i32) {
    %c0_i32 = arith.constant 0 : i32
    %c0_i32_0 = arith.constant 0 : i32
    return %arg0, %c0_i32 : i32, i32
  }
  func.func @transform_2(%arg0: i32) -> (i32, i32) {
    %c0_i32 = arith.constant 0 : i32
    %c0_i32_0 = arith.constant 0 : i32
    return %arg0, %c0_i32 : i32, i32
  }
  func.func @transform_3(%arg0: i32) -> (i32, i32) {
    %c0_i32 = arith.constant 0 : i32
    %c0_i32_0 = arith.constant 0 : i32
    %c0_i32_1 = arith.constant 0 : i32
    return %c0_i32, %c0_i32_0 : i32, i32
  }
  func.func @transform_4(%arg0: i32) -> (i32, i32) {
    %c0_i32 = arith.constant 0 : i32
    %c0_i32_0 = arith.constant 0 : i32
    %c0_i32_1 = arith.constant 0 : i32
    return %c0_i32, %c0_i32_0 : i32, i32
  }
  func.func @transform_5(%arg0: i32) -> (i32, i32) {
    %c0_i32 = arith.constant 0 : i32
    %c0_i32_0 = arith.constant 0 : i32
    return %arg0, %c0_i32 : i32, i32
  }
  func.func @transform_6(%arg0: i32) -> (i32, i32, i32) {
    %c0_i32 = arith.constant 0 : i32
    %c0_i32_0 = arith.constant 0 : i32
    %c0_i32_1 = arith.constant 0 : i32
    return %c0_i32, %arg0, %c0_i32_0 : i32, i32, i32
  }
}

module attributes {stable_mosaic.version = 14 : i64} {
  func.func @_gmeta_body(%arg0: memref<64x64xf32, #tpu.memory_space<vmem>>, %arg1: memref<1x64xf32, #tpu.memory_space<vmem>>, %arg2: memref<1x64xf32, #tpu.memory_space<vmem>>, %arg3: memref<64x1xf32, #tpu.memory_space<vmem>>) attributes {dimension_semantics = [], scalar_prefetch = 0 : i64, scratch_operands = 0 : i64, tpu.core_type = #tpu.core_type<tc>} {
    %get3A = arith.constant 0 : index
    %get3A_0 = arith.constant 0 : index
    %get3A_1 = vector.load %arg0[%get3A, %get3A_0] : memref<64x64xf32, #tpu.memory_space<vmem>>, vector<64x64xf32>
    %slice3A = vector.extract_strided_slice %get3A_1 {offsets = [0, 0], sizes = [64, 1], strides = [1, 1]} : vector<64x64xf32> to vector<64x1xf32>
    %iota3A = tpu.iota {dimensions = array<i32: 0>} : vector<64x64xi32>
    %iota3A_2 = tpu.iota {dimensions = array<i32: 1>} : vector<64x64xi32>
    %broadcast_in_dim3A = vector.shape_cast %slice3A : vector<64x1xf32> to vector<64x1xf32>
    %broadcast_in_dim3A_3 = vector.broadcast %broadcast_in_dim3A : vector<64x1xf32> to vector<64x64xf32>
    %eq3A = arith.cmpi eq, %iota3A, %iota3A_2 : vector<64x64xi32>
    %jit3A = arith.constant 0.000000e+00 : f32
    %broadcast_in_dim3A_4 = vector.broadcast %jit3A : f32 to vector<64x64xf32>
    %select_n3A = arith.select %eq3A, %broadcast_in_dim3A_3, %broadcast_in_dim3A_4 : vector<64x64xi1>, vector<64x64xf32>
    %reduce_sum3A = arith.constant dense<0.000000e+00> : vector<64xf32>
    %reduce_sum3A_5 = vector.multi_reduction <add>, %select_n3A, %reduce_sum3A [0] : vector<64x64xf32> to vector<64xf32>
    %broadcast_in_dim3A_6 = vector.shape_cast %reduce_sum3A_5 : vector<64xf32> to vector<1x64xf32>
    %lt3A = arith.cmpi slt, %iota3A, %iota3A_2 : vector<64x64xi32>
    %jit3A_7 = arith.constant 0.000000e+00 : f32
    %broadcast_in_dim3A_8 = vector.broadcast %jit3A_7 : f32 to vector<64x64xf32>
    %select_n3A_9 = arith.select %lt3A, %broadcast_in_dim3A_3, %broadcast_in_dim3A_8 : vector<64x64xi1>, vector<64x64xf32>
    %reduce_sum3A_10 = arith.constant dense<0.000000e+00> : vector<64xf32>
    %reduce_sum3A_11 = vector.multi_reduction <add>, %select_n3A_9, %reduce_sum3A_10 [0] : vector<64x64xf32> to vector<64xf32>
    %broadcast_in_dim3A_12 = vector.shape_cast %reduce_sum3A_11 : vector<64xf32> to vector<1x64xf32>
    %swap3A = arith.constant 0 : index
    %swap3A_13 = arith.constant 0 : index
    %swap3A_14 = vector.load %arg1[%swap3A, %swap3A_13] : memref<1x64xf32, #tpu.memory_space<vmem>>, vector<1x64xf32>
    tpu.vector_store %arg1[%swap3A, %swap3A_13], %broadcast_in_dim3A_12 {strides = array<i32>} : memref<1x64xf32, #tpu.memory_space<vmem>>, vector<1x64xf32>,
    %add3A = arith.constant 7.000000e+00 : f32
    %add3A_15 = vector.broadcast %add3A : f32 to vector<1x64xf32>
    %add3A_16 = arith.addf %broadcast_in_dim3A_6, %add3A_15 : vector<1x64xf32>
    %div3A = arith.constant 8.000000e+00 : f32
    %div3A_17 = vector.broadcast %div3A : f32 to vector<1x64xf32>
    %div3A_18 = arith.divf %add3A_16, %div3A_17 : vector<1x64xf32>
    %floor3A = math.floor %div3A_18 : vector<1x64xf32>
    %sub3A = arith.constant 1.000000e+00 : f32
    %sub3A_19 = vector.broadcast %sub3A : f32 to vector<1x64xf32>
    %sub3A_20 = arith.subf %floor3A, %sub3A_19 : vector<1x64xf32>
    %max3A = arith.constant 1.000000e+00 : f32
    %max3A_21 = vector.broadcast %max3A : f32 to vector<1x64xf32>
    %max3A_22 = arith.maximumf %sub3A_20, %max3A_21 : vector<1x64xf32>
    %div3A_23 = arith.constant -1.000000e+00 : f32
    %div3A_24 = vector.broadcast %div3A_23 : f32 to vector<1x64xf32>
    %div3A_25 = arith.divf %div3A_24, %max3A_22 : vector<1x64xf32>
    %swap3A_26 = arith.constant 0 : index
    %swap3A_27 = arith.constant 0 : index
    %swap3A_28 = vector.load %arg2[%swap3A_26, %swap3A_27] : memref<1x64xf32, #tpu.memory_space<vmem>>, vector<1x64xf32>
    tpu.vector_store %arg2[%swap3A_26, %swap3A_27], %div3A_25 {strides = array<i32>} : memref<1x64xf32, #tpu.memory_space<vmem>>, vector<1x64xf32>,
    %lt3A_29 = arith.constant 8.000000e+00 : f32
    %lt3A_30 = vector.broadcast %lt3A_29 : f32 to vector<64x1xf32>
    %lt3A_31 = arith.cmpf olt, %slice3A, %lt3A_30 : vector<64x1xf32>
    %convert_element_type3A = arith.extui %lt3A_31 : vector<64x1xi1> to vector<64x1xi32>
    %convert_element_type3A_32 = arith.sitofp %convert_element_type3A : vector<64x1xi32> to vector<64x1xf32>
    %swap3A_33 = arith.constant 0 : index
    %swap3A_34 = arith.constant 0 : index
    %swap3A_35 = vector.load %arg3[%swap3A_33, %swap3A_34] : memref<64x1xf32, #tpu.memory_space<vmem>>, vector<64x1xf32>
    tpu.vector_store %arg3[%swap3A_33, %swap3A_34], %convert_element_type3A_32 {strides = array<i32>} : memref<64x1xf32, #tpu.memory_space<vmem>>, vector<64x1xf32>,
    return
  }
}

module attributes {stable_mosaic.version = 14 : i64} {
  func.func @_comb2_body(%arg0: i32, %arg1: memref<2x1024x64xf32, #tpu.memory_space<vmem>>, %arg2: memref<1024x128xf32, #tpu.memory_space<vmem>>, %arg3: memref<1024x1xf32, #tpu.memory_space<vmem>>, %arg4: memref<1x128xf32, #tpu.memory_space<vmem>>, %arg5: memref<1024x1xi32, #tpu.memory_space<vmem>>, %arg6: memref<1x64xf32, #tpu.memory_space<vmem>>, %arg7: memref<1x64xf32, #tpu.memory_space<vmem>>, %arg8: memref<1024x128xf32, #tpu.memory_space<vmem>>, %arg9: memref<1024x128xf32, #tpu.memory_space<vmem>>, %arg10: memref<1024x1xi32, #tpu.memory_space<vmem>>, %arg11: memref<1024x1xi32, #tpu.memory_space<vmem>>) attributes {dimension_semantics = [#tpu.dimension_semantics<arbitrary>], iteration_bounds = array<i64: 10>, scalar_prefetch = 0 : i64, scratch_operands = 0 : i64, tpu.core_type = #tpu.core_type<tc>, window_params = [{transform_indices = @transform_0, window_bounds = array<i64: 2, 1024, 64>}, {transform_indices = @transform_1, window_bounds = array<i64: 1024, 128>}, {transform_indices = @transform_2, window_bounds = array<i64: 1024, 1>}, {pipeline_mode = #tpu.pipeline_mode<synchronous>, transform_indices = @transform_3, window_bounds = array<i64: 1, 128>}, {transform_indices = @transform_4, window_bounds = array<i64: 1024, 1>}, {pipeline_mode = #tpu.pipeline_mode<synchronous>, transform_indices = @transform_5, window_bounds = array<i64: 1, 64>}, {pipeline_mode = #tpu.pipeline_mode<synchronous>, transform_indices = @transform_6, window_bounds = array<i64: 1, 64>}, {transform_indices = @transform_7, window_bounds = array<i64: 1024, 128>}, {transform_indices = @transform_8, window_bounds = array<i64: 1024, 128>}, {transform_indices = @transform_9, window_bounds = array<i64: 1024, 1>}, {transform_indices = @transform_10, window_bounds = array<i64: 1024, 1>}]} {
    %get3A = arith.constant 0 : index
    %get3A_0 = arith.constant 0 : index
    %get3A_1 = vector.load %arg3[%get3A, %get3A_0] : memref<1024x1xf32, #tpu.memory_space<vmem>>, vector<1024x1xf32>
    %get3A_2 = arith.constant 0 : index
    %get3A_3 = arith.constant 0 : index
    %get3A_4 = arith.constant 0 : index
    %get3A_5 = vector.load %arg1[%get3A_2, %get3A_3, %get3A_4] : memref<2x1024x64xf32, #tpu.memory_space<vmem>>, vector<1x1024x64xf32>
    %get3A_6 = vector.shape_cast %get3A_5 : vector<1x1024x64xf32> to vector<1024x64xf32>
    %get3A_7 = arith.constant 1 : index
    %get3A_8 = arith.constant 0 : index
    %get3A_9 = arith.constant 0 : index
    %get3A_10 = vector.load %arg1[%get3A_7, %get3A_8, %get3A_9] : memref<2x1024x64xf32, #tpu.memory_space<vmem>>, vector<1x1024x64xf32>
    %get3A_11 = vector.shape_cast %get3A_10 : vector<1x1024x64xf32> to vector<1024x64xf32>
    %concatenate3A = tpu.concatenate %get3A_6, %get3A_11 in 1 : vector<1024x64xf32>, vector<1024x64xf32> -> vector<1024x128xf32>
    %mul3A = vector.broadcast %get3A_1 : vector<1024x1xf32> to vector<1024x128xf32>
    %mul3A_12 = arith.mulf %concatenate3A, %mul3A : vector<1024x128xf32>
    %mul3A_13 = arith.mulf %get3A_1, %get3A_1 : vector<1024x1xf32>
    %get3A_14 = arith.constant 0 : index
    %get3A_15 = arith.constant 0 : index
    %get3A_16 = vector.load %arg2[%get3A_14, %get3A_15] : memref<1024x128xf32, #tpu.memory_space<vmem>>, vector<1024x128xf32>
    %mul3A_17 = vector.broadcast %mul3A_13 : vector<1024x1xf32> to vector<1024x128xf32>
    %mul3A_18 = arith.mulf %mul3A_17, %get3A_16 : vector<1024x128xf32>
    %add3A = arith.addf %mul3A_12, %mul3A_18 : vector<1024x128xf32>
    %get3A_19 = arith.constant 0 : index
    %get3A_20 = arith.constant 0 : index
    %get3A_21 = vector.load %arg4[%get3A_19, %get3A_20] : memref<1x128xf32, #tpu.memory_space<vmem>>, vector<1x128xf32>
    %add3A_22 = vector.broadcast %get3A_21 : vector<1x128xf32> to vector<1024x128xf32>
    %add3A_23 = arith.addf %add3A, %add3A_22 : vector<1024x128xf32>
    %swap3A = arith.constant 0 : index
    %swap3A_24 = arith.constant 0 : index
    %swap3A_25 = vector.load %arg8[%swap3A, %swap3A_24] : memref<1024x128xf32, #tpu.memory_space<vmem>>, vector<1024x128xf32>
    tpu.vector_store %arg8[%swap3A, %swap3A_24], %add3A_23 {strides = array<i32>} : memref<1024x128xf32, #tpu.memory_space<vmem>>, vector<1024x128xf32>,
    %get3A_26 = arith.constant 0 : index
    %get3A_27 = arith.constant 0 : index
    %get3A_28 = vector.load %arg5[%get3A_26, %get3A_27] : memref<1024x1xi32, #tpu.memory_space<vmem>>, vector<1024x1xi32>
    %iota3A = tpu.iota {dimensions = array<i32: 1>} : vector<1024x64xi32>
    %eq3A = vector.broadcast %get3A_28 : vector<1024x1xi32> to vector<1024x64xi32>
    %eq3A_29 = arith.cmpi eq, %eq3A, %iota3A : vector<1024x64xi32>
    %convert_element_type3A = arith.extui %eq3A_29 : vector<1024x64xi1> to vector<1024x64xi32>
    %convert_element_type3A_30 = arith.sitofp %convert_element_type3A : vector<1024x64xi32> to vector<1024x64xf32>
    %get3A_31 = arith.constant 0 : index
    %get3A_32 = arith.constant 0 : index
    %get3A_33 = vector.load %arg6[%get3A_31, %get3A_32] : memref<1x64xf32, #tpu.memory_space<vmem>>, vector<1x64xf32>
    %mul3A_34 = vector.broadcast %get3A_33 : vector<1x64xf32> to vector<1024x64xf32>
    %mul3A_35 = arith.mulf %convert_element_type3A_30, %mul3A_34 : vector<1024x64xf32>
    %reduce_sum3A = arith.constant dense<0.000000e+00> : vector<1024xf32>
    %reduce_sum3A_36 = vector.multi_reduction <add>, %mul3A_35, %reduce_sum3A [1] : vector<1024x64xf32> to vector<1024xf32>
    %broadcast_in_dim3A = vector.shape_cast %reduce_sum3A_36 : vector<1024xf32> to vector<1024x1xf32>
    %get3A_37 = arith.constant 0 : index
    %get3A_38 = arith.constant 0 : index
    %get3A_39 = vector.load %arg7[%get3A_37, %get3A_38] : memref<1x64xf32, #tpu.memory_space<vmem>>, vector<1x64xf32>
    %mul3A_40 = vector.broadcast %get3A_39 : vector<1x64xf32> to vector<1024x64xf32>
    %mul3A_41 = arith.mulf %convert_element_type3A_30, %mul3A_40 : vector<1024x64xf32>
    %reduce_sum3A_42 = arith.constant dense<0.000000e+00> : vector<1024xf32>
    %reduce_sum3A_43 = vector.multi_reduction <add>, %mul3A_41, %reduce_sum3A_42 [1] : vector<1024x64xf32> to vector<1024xf32>
    %broadcast_in_dim3A_44 = vector.shape_cast %reduce_sum3A_43 : vector<1024xf32> to vector<1024x1xf32>
    %mul3A_45 = arith.constant 1024 : i32
    %mul3A_46 = arith.muli %arg0, %mul3A_45 : i32
    %iota3A_47 = tpu.iota {dimensions = array<i32: 0>} : vector<1024x1xi32>
    %add3A_48 = vector.broadcast %mul3A_46 : i32 to vector<1024x1xi32>
    %add3A_49 = arith.addi %add3A_48, %iota3A_47 : vector<1024x1xi32>
    %convert_element_type3A_50 = arith.sitofp %add3A_49 : vector<1024x1xi32> to vector<1024x1xf32>
    %sub3A = arith.subf %convert_element_type3A_50, %broadcast_in_dim3A : vector<1024x1xf32>
    %mul3A_51 = arith.constant 1.250000e-01 : f32
    %mul3A_52 = vector.broadcast %mul3A_51 : f32 to vector<1024x1xf32>
    %mul3A_53 = arith.mulf %sub3A, %mul3A_52 : vector<1024x1xf32>
    %floor3A = math.floor %mul3A_53 : vector<1024x1xf32>
    %mul3A_54 = arith.constant 8.000000e+00 : f32
    %mul3A_55 = vector.broadcast %mul3A_54 : f32 to vector<1024x1xf32>
    %mul3A_56 = arith.mulf %mul3A_55, %floor3A : vector<1024x1xf32>
    %sub3A_57 = arith.subf %sub3A, %mul3A_56 : vector<1024x1xf32>
    %mul3A_58 = arith.mulf %floor3A, %broadcast_in_dim3A_44 : vector<1024x1xf32>
    %add3A_59 = arith.constant 1.000000e+00 : f32
    %add3A_60 = vector.broadcast %add3A_59 : f32 to vector<1024x1xf32>
    %add3A_61 = arith.addf %add3A_60, %mul3A_58 : vector<1024x1xf32>
    %mul3A_62 = vector.broadcast %add3A_61 : vector<1024x1xf32> to vector<1024x128xf32>
    %mul3A_63 = arith.mulf %mul3A_62, %add3A_23 : vector<1024x128xf32>
    %swap3A_64 = arith.constant 0 : index
    %swap3A_65 = arith.constant 0 : index
    %swap3A_66 = vector.load %arg9[%swap3A_64, %swap3A_65] : memref<1024x128xf32, #tpu.memory_space<vmem>>, vector<1024x128xf32>
    tpu.vector_store %arg9[%swap3A_64, %swap3A_65], %mul3A_63 {strides = array<i32>} : memref<1024x128xf32, #tpu.memory_space<vmem>>, vector<1024x128xf32>,
    %convert_element_type3A_67 = arith.fptosi %sub3A_57 : vector<1024x1xf32> to vector<1024x1xi32>
    %ge3A = arith.constant 64 : i32
    %ge3A_68 = vector.broadcast %ge3A : i32 to vector<1024x1xi32>
    %ge3A_69 = arith.cmpi sge, %get3A_28, %ge3A_68 : vector<1024x1xi32>
    %mul3A_70 = arith.constant 64 : i32
    %mul3A_71 = vector.broadcast %mul3A_70 : i32 to vector<1024x1xi32>
    %mul3A_72 = arith.muli %convert_element_type3A_67, %mul3A_71 : vector<1024x1xi32>
    %add3A_73 = arith.addi %mul3A_72, %get3A_28 : vector<1024x1xi32>
    %jit3A = arith.constant 639 : i32
    %broadcast_in_dim3A_74 = vector.broadcast %jit3A : i32 to vector<1024x1xi32>
    %select_n3A = arith.select %ge3A_69, %broadcast_in_dim3A_74, %add3A_73 : vector<1024x1xi1>, vector<1024x1xi32>
    %swap3A_75 = arith.constant 0 : index
    %swap3A_76 = arith.constant 0 : index
    %swap3A_77 = vector.load %arg10[%swap3A_75, %swap3A_76] : memref<1024x1xi32, #tpu.memory_space<vmem>>, vector<1024x1xi32>
    tpu.vector_store %arg10[%swap3A_75, %swap3A_76], %select_n3A {strides = array<i32>} : memref<1024x1xi32, #tpu.memory_space<vmem>>, vector<1024x1xi32>,
    %ge3A_78 = arith.constant 64 : i32
    %ge3A_79 = vector.broadcast %ge3A_78 : i32 to vector<1024x1xi32>
    %ge3A_80 = arith.cmpi sge, %get3A_28, %ge3A_79 : vector<1024x1xi32>
    %add3A_81 = arith.constant 512 : i32
    %add3A_82 = vector.broadcast %add3A_81 : i32 to vector<1024x1xi32>
    %add3A_83 = arith.addi %add3A_82, %get3A_28 : vector<1024x1xi32>
    %jit3A_84 = arith.constant 639 : i32
    %broadcast_in_dim3A_85 = vector.broadcast %jit3A_84 : i32 to vector<1024x1xi32>
    %select_n3A_86 = arith.select %ge3A_80, %broadcast_in_dim3A_85, %add3A_83 : vector<1024x1xi1>, vector<1024x1xi32>
    %swap3A_87 = arith.constant 0 : index
    %swap3A_88 = arith.constant 0 : index
    %swap3A_89 = vector.load %arg11[%swap3A_87, %swap3A_88] : memref<1024x1xi32, #tpu.memory_space<vmem>>, vector<1024x1xi32>
    tpu.vector_store %arg11[%swap3A_87, %swap3A_88], %select_n3A_86 {strides = array<i32>} : memref<1024x1xi32, #tpu.memory_space<vmem>>, vector<1024x1xi32>,
    return
  }
  func.func @transform_0(%arg0: i32) -> (i32, i32, i32) {
    %c0_i32 = arith.constant 0 : i32
    %c0_i32_0 = arith.constant 0 : i32
    %c0_i32_1 = arith.constant 0 : i32
    return %c0_i32, %arg0, %c0_i32_0 : i32, i32, i32
  }
  func.func @transform_1(%arg0: i32) -> (i32, i32) {
    %c0_i32 = arith.constant 0 : i32
    %c0_i32_0 = arith.constant 0 : i32
    return %arg0, %c0_i32 : i32, i32
  }
  func.func @transform_2(%arg0: i32) -> (i32, i32) {
    %c0_i32 = arith.constant 0 : i32
    %c0_i32_0 = arith.constant 0 : i32
    return %arg0, %c0_i32 : i32, i32
  }
  func.func @transform_3(%arg0: i32) -> (i32, i32) {
    %c0_i32 = arith.constant 0 : i32
    %c0_i32_0 = arith.constant 0 : i32
    %c0_i32_1 = arith.constant 0 : i32
    return %c0_i32, %c0_i32_0 : i32, i32
  }
  func.func @transform_4(%arg0: i32) -> (i32, i32) {
    %c0_i32 = arith.constant 0 : i32
    %c0_i32_0 = arith.constant 0 : i32
    return %arg0, %c0_i32 : i32, i32
  }
  func.func @transform_5(%arg0: i32) -> (i32, i32) {
    %c0_i32 = arith.constant 0 : i32
    %c0_i32_0 = arith.constant 0 : i32
    %c0_i32_1 = arith.constant 0 : i32
    return %c0_i32, %c0_i32_0 : i32, i32
  }
  func.func @transform_6(%arg0: i32) -> (i32, i32) {
    %c0_i32 = arith.constant 0 : i32
    %c0_i32_0 = arith.constant 0 : i32
    %c0_i32_1 = arith.constant 0 : i32
    return %c0_i32, %c0_i32_0 : i32, i32
  }
  func.func @transform_7(%arg0: i32) -> (i32, i32) {
    %c0_i32 = arith.constant 0 : i32
    %c0_i32_0 = arith.constant 0 : i32
    return %arg0, %c0_i32 : i32, i32
  }
  func.func @transform_8(%arg0: i32) -> (i32, i32) {
    %c0_i32 = arith.constant 0 : i32
    %c0_i32_0 = arith.constant 0 : i32
    return %arg0, %c0_i32 : i32, i32
  }
  func.func @transform_9(%arg0: i32) -> (i32, i32) {
    %c0_i32 = arith.constant 0 : i32
    %c0_i32_0 = arith.constant 0 : i32
    return %arg0, %c0_i32 : i32, i32
  }
  func.func @transform_10(%arg0: i32) -> (i32, i32) {
    %c0_i32 = arith.constant 0 : i32
    %c0_i32_0 = arith.constant 0 : i32
    return %arg0, %c0_i32 : i32, i32
  }
}

module attributes {stable_mosaic.version = 14 : i64} {
  func.func @_clf_body(%arg0: memref<2x640x128xf32, #tpu.memory_space<vmem>>, %arg1: memref<64x1xf32, #tpu.memory_space<vmem>>, %arg2: memref<1024x128xf32, #tpu.memory_space<vmem>>, %arg3: memref<1x128xf32, #tpu.memory_space<vmem>>, %arg4: memref<128x128xf32, #tpu.memory_space<vmem>>, %arg5: memref<1x128xf32, #tpu.memory_space<vmem>>, %arg6: memref<128x128xf32, #tpu.memory_space<vmem>>, %arg7: memref<1x128xf32, #tpu.memory_space<vmem>>, %arg8: memref<64x128xf32, #tpu.memory_space<vmem>>) attributes {dimension_semantics = [], scalar_prefetch = 0 : i64, scratch_operands = 0 : i64, tpu.core_type = #tpu.core_type<tc>} {
    %get3A = arith.constant 0 : index
    %get3A_0 = arith.constant 0 : index
    %get3A_1 = arith.constant 0 : index
    %get3A_2 = vector.load %arg0[%get3A, %get3A_0, %get3A_1] : memref<2x640x128xf32, #tpu.memory_space<vmem>>, vector<1x640x128xf32>
    %get3A_3 = vector.shape_cast %get3A_2 : vector<1x640x128xf32> to vector<640x128xf32>
    %get3A_4 = arith.constant 1 : index
    %get3A_5 = arith.constant 0 : index
    %get3A_6 = arith.constant 0 : index
    %get3A_7 = vector.load %arg0[%get3A_4, %get3A_5, %get3A_6] : memref<2x640x128xf32, #tpu.memory_space<vmem>>, vector<1x640x128xf32>
    %get3A_8 = vector.shape_cast %get3A_7 : vector<1x640x128xf32> to vector<640x128xf32>
    %add3A = arith.addf %get3A_3, %get3A_8 : vector<640x128xf32>
    %slice3A = vector.extract_strided_slice %add3A {offsets = [512, 0], sizes = [64, 128], strides = [1, 1]} : vector<640x128xf32> to vector<64x128xf32>
    %get3A_9 = arith.constant 0 : index
    %get3A_10 = arith.constant 0 : index
    %get3A_11 = vector.load %arg1[%get3A_9, %get3A_10] : memref<64x1xf32, #tpu.memory_space<vmem>>, vector<64x1xf32>
    %get3A_12 = arith.constant 0 : index
    %get3A_13 = arith.constant 0 : index
    %get3A_14 = vector.load %arg3[%get3A_12, %get3A_13] : memref<1x128xf32, #tpu.memory_space<vmem>>, vector<1x128xf32>
    %broadcast_in_dim3A = vector.shape_cast %get3A_14 : vector<1x128xf32> to vector<1x128xf32>
    %broadcast_in_dim3A_15 = vector.broadcast %broadcast_in_dim3A : vector<1x128xf32> to vector<64x128xf32>
    %slice3A_16 = vector.extract_strided_slice %add3A {offsets = [0, 0], sizes = [64, 128], strides = [1, 1]} : vector<640x128xf32> to vector<64x128xf32>
    %mul3A = arith.constant 1.000000e+00 : f32
    %mul3A_17 = vector.broadcast %mul3A : f32 to vector<64x128xf32>
    %mul3A_18 = arith.mulf %mul3A_17, %slice3A : vector<64x128xf32>
    %gt3A = arith.constant 0.000000e+00 : f32
    %gt3A_19 = vector.broadcast %gt3A : f32 to vector<64x1xf32>
    %gt3A_20 = arith.cmpf ogt, %get3A_11, %gt3A_19 : vector<64x1xf32>
    %broadcast_in_dim3A_21 = vector.shape_cast %gt3A_20 : vector<64x1xi1> to vector<64x1xi1>
    %broadcast_in_dim3A_22 = vector.broadcast %broadcast_in_dim3A_21 : vector<64x1xi1> to vector<64x128xi1>
    %select_n3A = arith.select %broadcast_in_dim3A_22, %mul3A_18, %slice3A_16 : vector<64x128xi1>, vector<64x128xf32>
    %get3A_23 = arith.constant 0 : index
    %get3A_24 = arith.constant 0 : index
    %get3A_25 = vector.load %arg2[%get3A_23, %get3A_24] : memref<1024x128xf32, #tpu.memory_space<vmem>>, vector<128x128xf32>
    %dot_general3A = arith.constant dense<0.000000e+00> : vector<64x128xf32>
    %dot_general3A_26 = tpu.matmul %select_n3A, %get3A_25, %dot_general3A {dimension_numbers = #tpu.dot_dimension_numbers<[1], [0], [0], [1], [0, 0, 1, 1], [], []>, transpose_lhs_hint = false} : vector<64x128xf32>, vector<128x128xf32>, vector<64x128xf32> -> vector<64x128xf32>
    %add3A_27 = arith.addf %broadcast_in_dim3A_15, %dot_general3A_26 : vector<64x128xf32>
    %slice3A_28 = vector.extract_strided_slice %add3A {offsets = [64, 0], sizes = [64, 128], strides = [1, 1]} : vector<640x128xf32> to vector<64x128xf32>
    %mul3A_29 = arith.constant 0.857142865 : f32
    %mul3A_30 = vector.broadcast %mul3A_29 : f32 to vector<64x128xf32>
    %mul3A_31 = arith.mulf %mul3A_30, %slice3A : vector<64x128xf32>
    %gt3A_32 = arith.constant 0.000000e+00 : f32
    %gt3A_33 = vector.broadcast %gt3A_32 : f32 to vector<64x1xf32>
    %gt3A_34 = arith.cmpf ogt, %get3A_11, %gt3A_33 : vector<64x1xf32>
    %broadcast_in_dim3A_35 = vector.shape_cast %gt3A_34 : vector<64x1xi1> to vector<64x1xi1>
    %broadcast_in_dim3A_36 = vector.broadcast %broadcast_in_dim3A_35 : vector<64x1xi1> to vector<64x128xi1>
    %select_n3A_37 = arith.select %broadcast_in_dim3A_36, %mul3A_31, %slice3A_28 : vector<64x128xi1>, vector<64x128xf32>
    %get3A_38 = arith.constant 128 : index
    %get3A_39 = arith.constant 0 : index
    %get3A_40 = vector.load %arg2[%get3A_38, %get3A_39] : memref<1024x128xf32, #tpu.memory_space<vmem>>, vector<128x128xf32>
    %dot_general3A_41 = arith.constant dense<0.000000e+00> : vector<64x128xf32>
    %dot_general3A_42 = tpu.matmul %select_n3A_37, %get3A_40, %dot_general3A_41 {dimension_numbers = #tpu.dot_dimension_numbers<[1], [0], [0], [1], [0, 0, 1, 1], [], []>, transpose_lhs_hint = false} : vector<64x128xf32>, vector<128x128xf32>, vector<64x128xf32> -> vector<64x128xf32>
    %add3A_43 = arith.addf %add3A_27, %dot_general3A_42 : vector<64x128xf32>
    %slice3A_44 = vector.extract_strided_slice %add3A {offsets = [128, 0], sizes = [64, 128], strides = [1, 1]} : vector<640x128xf32> to vector<64x128xf32>
    %mul3A_45 = arith.constant 0.714285731 : f32
    %mul3A_46 = vector.broadcast %mul3A_45 : f32 to vector<64x128xf32>
    %mul3A_47 = arith.mulf %mul3A_46, %slice3A : vector<64x128xf32>
    %gt3A_48 = arith.constant 0.000000e+00 : f32
    %gt3A_49 = vector.broadcast %gt3A_48 : f32 to vector<64x1xf32>
    %gt3A_50 = arith.cmpf ogt, %get3A_11, %gt3A_49 : vector<64x1xf32>
    %broadcast_in_dim3A_51 = vector.shape_cast %gt3A_50 : vector<64x1xi1> to vector<64x1xi1>
    %broadcast_in_dim3A_52 = vector.broadcast %broadcast_in_dim3A_51 : vector<64x1xi1> to vector<64x128xi1>
    %select_n3A_53 = arith.select %broadcast_in_dim3A_52, %mul3A_47, %slice3A_44 : vector<64x128xi1>, vector<64x128xf32>
    %get3A_54 = arith.constant 256 : index
    %get3A_55 = arith.constant 0 : index
    %get3A_56 = vector.load %arg2[%get3A_54, %get3A_55] : memref<1024x128xf32, #tpu.memory_space<vmem>>, vector<128x128xf32>
    %dot_general3A_57 = arith.constant dense<0.000000e+00> : vector<64x128xf32>
    %dot_general3A_58 = tpu.matmul %select_n3A_53, %get3A_56, %dot_general3A_57 {dimension_numbers = #tpu.dot_dimension_numbers<[1], [0], [0], [1], [0, 0, 1, 1], [], []>, transpose_lhs_hint = false} : vector<64x128xf32>, vector<128x128xf32>, vector<64x128xf32> -> vector<64x128xf32>
    %add3A_59 = arith.addf %add3A_43, %dot_general3A_58 : vector<64x128xf32>
    %slice3A_60 = vector.extract_strided_slice %add3A {offsets = [192, 0], sizes = [64, 128], strides = [1, 1]} : vector<640x128xf32> to vector<64x128xf32>
    %mul3A_61 = arith.constant 0.571428597 : f32
    %mul3A_62 = vector.broadcast %mul3A_61 : f32 to vector<64x128xf32>
    %mul3A_63 = arith.mulf %mul3A_62, %slice3A : vector<64x128xf32>
    %gt3A_64 = arith.constant 0.000000e+00 : f32
    %gt3A_65 = vector.broadcast %gt3A_64 : f32 to vector<64x1xf32>
    %gt3A_66 = arith.cmpf ogt, %get3A_11, %gt3A_65 : vector<64x1xf32>
    %broadcast_in_dim3A_67 = vector.shape_cast %gt3A_66 : vector<64x1xi1> to vector<64x1xi1>
    %broadcast_in_dim3A_68 = vector.broadcast %broadcast_in_dim3A_67 : vector<64x1xi1> to vector<64x128xi1>
    %select_n3A_69 = arith.select %broadcast_in_dim3A_68, %mul3A_63, %slice3A_60 : vector<64x128xi1>, vector<64x128xf32>
    %get3A_70 = arith.constant 384 : index
    %get3A_71 = arith.constant 0 : index
    %get3A_72 = vector.load %arg2[%get3A_70, %get3A_71] : memref<1024x128xf32, #tpu.memory_space<vmem>>, vector<128x128xf32>
    %dot_general3A_73 = arith.constant dense<0.000000e+00> : vector<64x128xf32>
    %dot_general3A_74 = tpu.matmul %select_n3A_69, %get3A_72, %dot_general3A_73 {dimension_numbers = #tpu.dot_dimension_numbers<[1], [0], [0], [1], [0, 0, 1, 1], [], []>, transpose_lhs_hint = false} : vector<64x128xf32>, vector<128x128xf32>, vector<64x128xf32> -> vector<64x128xf32>
    %add3A_75 = arith.addf %add3A_59, %dot_general3A_74 : vector<64x128xf32>
    %slice3A_76 = vector.extract_strided_slice %add3A {offsets = [256, 0], sizes = [64, 128], strides = [1, 1]} : vector<640x128xf32> to vector<64x128xf32>
    %mul3A_77 = arith.constant 0.428571433 : f32
    %mul3A_78 = vector.broadcast %mul3A_77 : f32 to vector<64x128xf32>
    %mul3A_79 = arith.mulf %mul3A_78, %slice3A : vector<64x128xf32>
    %gt3A_80 = arith.constant 0.000000e+00 : f32
    %gt3A_81 = vector.broadcast %gt3A_80 : f32 to vector<64x1xf32>
    %gt3A_82 = arith.cmpf ogt, %get3A_11, %gt3A_81 : vector<64x1xf32>
    %broadcast_in_dim3A_83 = vector.shape_cast %gt3A_82 : vector<64x1xi1> to vector<64x1xi1>
    %broadcast_in_dim3A_84 = vector.broadcast %broadcast_in_dim3A_83 : vector<64x1xi1> to vector<64x128xi1>
    %select_n3A_85 = arith.select %broadcast_in_dim3A_84, %mul3A_79, %slice3A_76 : vector<64x128xi1>, vector<64x128xf32>
    %get3A_86 = arith.constant 512 : index
    %get3A_87 = arith.constant 0 : index
    %get3A_88 = vector.load %arg2[%get3A_86, %get3A_87] : memref<1024x128xf32, #tpu.memory_space<vmem>>, vector<128x128xf32>
    %dot_general3A_89 = arith.constant dense<0.000000e+00> : vector<64x128xf32>
    %dot_general3A_90 = tpu.matmul %select_n3A_85, %get3A_88, %dot_general3A_89 {dimension_numbers = #tpu.dot_dimension_numbers<[1], [0], [0], [1], [0, 0, 1, 1], [], []>, transpose_lhs_hint = false} : vector<64x128xf32>, vector<128x128xf32>, vector<64x128xf32> -> vector<64x128xf32>
    %add3A_91 = arith.addf %add3A_75, %dot_general3A_90 : vector<64x128xf32>
    %slice3A_92 = vector.extract_strided_slice %add3A {offsets = [320, 0], sizes = [64, 128], strides = [1, 1]} : vector<640x128xf32> to vector<64x128xf32>
    %mul3A_93 = arith.constant 0.285714298 : f32
    %mul3A_94 = vector.broadcast %mul3A_93 : f32 to vector<64x128xf32>
    %mul3A_95 = arith.mulf %mul3A_94, %slice3A : vector<64x128xf32>
    %gt3A_96 = arith.constant 0.000000e+00 : f32
    %gt3A_97 = vector.broadcast %gt3A_96 : f32 to vector<64x1xf32>
    %gt3A_98 = arith.cmpf ogt, %get3A_11, %gt3A_97 : vector<64x1xf32>
    %broadcast_in_dim3A_99 = vector.shape_cast %gt3A_98 : vector<64x1xi1> to vector<64x1xi1>
    %broadcast_in_dim3A_100 = vector.broadcast %broadcast_in_dim3A_99 : vector<64x1xi1> to vector<64x128xi1>
    %select_n3A_101 = arith.select %broadcast_in_dim3A_100, %mul3A_95, %slice3A_92 : vector<64x128xi1>, vector<64x128xf32>
    %get3A_102 = arith.constant 640 : index
    %get3A_103 = arith.constant 0 : index
    %get3A_104 = vector.load %arg2[%get3A_102, %get3A_103] : memref<1024x128xf32, #tpu.memory_space<vmem>>, vector<128x128xf32>
    %dot_general3A_105 = arith.constant dense<0.000000e+00> : vector<64x128xf32>
    %dot_general3A_106 = tpu.matmul %select_n3A_101, %get3A_104, %dot_general3A_105 {dimension_numbers = #tpu.dot_dimension_numbers<[1], [0], [0], [1], [0, 0, 1, 1], [], []>, transpose_lhs_hint = false} : vector<64x128xf32>, vector<128x128xf32>, vector<64x128xf32> -> vector<64x128xf32>
    %add3A_107 = arith.addf %add3A_91, %dot_general3A_106 : vector<64x128xf32>
    %slice3A_108 = vector.extract_strided_slice %add3A {offsets = [384, 0], sizes = [64, 128], strides = [1, 1]} : vector<640x128xf32> to vector<64x128xf32>
    %mul3A_109 = arith.constant 0.142857149 : f32
    %mul3A_110 = vector.broadcast %mul3A_109 : f32 to vector<64x128xf32>
    %mul3A_111 = arith.mulf %mul3A_110, %slice3A : vector<64x128xf32>
    %gt3A_112 = arith.constant 0.000000e+00 : f32
    %gt3A_113 = vector.broadcast %gt3A_112 : f32 to vector<64x1xf32>
    %gt3A_114 = arith.cmpf ogt, %get3A_11, %gt3A_113 : vector<64x1xf32>
    %broadcast_in_dim3A_115 = vector.shape_cast %gt3A_114 : vector<64x1xi1> to vector<64x1xi1>
    %broadcast_in_dim3A_116 = vector.broadcast %broadcast_in_dim3A_115 : vector<64x1xi1> to vector<64x128xi1>
    %select_n3A_117 = arith.select %broadcast_in_dim3A_116, %mul3A_111, %slice3A_108 : vector<64x128xi1>, vector<64x128xf32>
    %get3A_118 = arith.constant 768 : index
    %get3A_119 = arith.constant 0 : index
    %get3A_120 = vector.load %arg2[%get3A_118, %get3A_119] : memref<1024x128xf32, #tpu.memory_space<vmem>>, vector<128x128xf32>
    %dot_general3A_121 = arith.constant dense<0.000000e+00> : vector<64x128xf32>
    %dot_general3A_122 = tpu.matmul %select_n3A_117, %get3A_120, %dot_general3A_121 {dimension_numbers = #tpu.dot_dimension_numbers<[1], [0], [0], [1], [0, 0, 1, 1], [], []>, transpose_lhs_hint = false} : vector<64x128xf32>, vector<128x128xf32>, vector<64x128xf32> -> vector<64x128xf32>
    %add3A_123 = arith.addf %add3A_107, %dot_general3A_122 : vector<64x128xf32>
    %slice3A_124 = vector.extract_strided_slice %add3A {offsets = [448, 0], sizes = [64, 128], strides = [1, 1]} : vector<640x128xf32> to vector<64x128xf32>
    %mul3A_125 = arith.constant 0.000000e+00 : f32
    %mul3A_126 = vector.broadcast %mul3A_125 : f32 to vector<64x128xf32>
    %mul3A_127 = arith.mulf %mul3A_126, %slice3A : vector<64x128xf32>
    %gt3A_128 = arith.constant 0.000000e+00 : f32
    %gt3A_129 = vector.broadcast %gt3A_128 : f32 to vector<64x1xf32>
    %gt3A_130 = arith.cmpf ogt, %get3A_11, %gt3A_129 : vector<64x1xf32>
    %broadcast_in_dim3A_131 = vector.shape_cast %gt3A_130 : vector<64x1xi1> to vector<64x1xi1>
    %broadcast_in_dim3A_132 = vector.broadcast %broadcast_in_dim3A_131 : vector<64x1xi1> to vector<64x128xi1>
    %select_n3A_133 = arith.select %broadcast_in_dim3A_132, %mul3A_127, %slice3A_124 : vector<64x128xi1>, vector<64x128xf32>
    %get3A_134 = arith.constant 896 : index
    %get3A_135 = arith.constant 0 : index
    %get3A_136 = vector.load %arg2[%get3A_134, %get3A_135] : memref<1024x128xf32, #tpu.memory_space<vmem>>, vector<128x128xf32>
    %dot_general3A_137 = arith.constant dense<0.000000e+00> : vector<64x128xf32>
    %dot_general3A_138 = tpu.matmul %select_n3A_133, %get3A_136, %dot_general3A_137 {dimension_numbers = #tpu.dot_dimension_numbers<[1], [0], [0], [1], [0, 0, 1, 1], [], []>, transpose_lhs_hint = false} : vector<64x128xf32>, vector<128x128xf32>, vector<64x128xf32> -> vector<64x128xf32>
    %add3A_139 = arith.addf %add3A_123, %dot_general3A_138 : vector<64x128xf32>
    %broadcast_in_dim3A_140 = arith.constant 0.000000e+00 : f32
    %broadcast_in_dim3A_141 = vector.broadcast %broadcast_in_dim3A_140 : f32 to vector<64x128xf32>
    %broadcast_in_dim3A_142 = arith.constant 0.000000e+00 : f32
    %broadcast_in_dim3A_143 = vector.broadcast %broadcast_in_dim3A_142 : f32 to vector<64x128xf32>
    %gt3A_144 = arith.constant 1.000000e+00 : f32
    %gt3A_145 = vector.broadcast %gt3A_144 : f32 to vector<64x128xf32>
    %gt3A_146 = arith.cmpf ogt, %broadcast_in_dim3A_141, %gt3A_145 : vector<64x128xf32>
    %convert_element_type3A = arith.extui %gt3A_146 : vector<64x128xi1> to vector<64x128xi32>
    %convert_element_type3A_147 = arith.sitofp %convert_element_type3A : vector<64x128xi32> to vector<64x128xf32>
    %mul3A_148 = arith.constant 0.899999976 : f32
    %mul3A_149 = vector.broadcast %mul3A_148 : f32 to vector<64x128xf32>
    %mul3A_150 = arith.mulf %mul3A_149, %broadcast_in_dim3A_141 : vector<64x128xf32>
    %add3A_151 = arith.addf %mul3A_150, %add3A_139 : vector<64x128xf32>
    %mul3A_152 = arith.constant 1.000000e+00 : f32
    %mul3A_153 = vector.broadcast %mul3A_152 : f32 to vector<64x128xf32>
    %mul3A_154 = arith.mulf %convert_element_type3A_147, %mul3A_153 : vector<64x128xf32>
    %sub3A = arith.subf %add3A_151, %mul3A_154 : vector<64x128xf32>
    %gt3A_155 = arith.constant 1.000000e+00 : f32
    %gt3A_156 = vector.broadcast %gt3A_155 : f32 to vector<64x128xf32>
    %gt3A_157 = arith.cmpf ogt, %sub3A, %gt3A_156 : vector<64x128xf32>
    %convert_element_type3A_158 = arith.extui %gt3A_157 : vector<64x128xi1> to vector<64x128xi32>
    %convert_element_type3A_159 = arith.sitofp %convert_element_type3A_158 : vector<64x128xi32> to vector<64x128xf32>
    %add3A_160 = arith.addf %broadcast_in_dim3A_143, %convert_element_type3A_159 : vector<64x128xf32>
    %gt3A_161 = arith.constant 1.000000e+00 : f32
    %gt3A_162 = vector.broadcast %gt3A_161 : f32 to vector<64x128xf32>
    %gt3A_163 = arith.cmpf ogt, %sub3A, %gt3A_162 : vector<64x128xf32>
    %convert_element_type3A_164 = arith.extui %gt3A_163 : vector<64x128xi1> to vector<64x128xi32>
    %convert_element_type3A_165 = arith.sitofp %convert_element_type3A_164 : vector<64x128xi32> to vector<64x128xf32>
    %mul3A_166 = arith.constant 0.899999976 : f32
    %mul3A_167 = vector.broadcast %mul3A_166 : f32 to vector<64x128xf32>
    %mul3A_168 = arith.mulf %mul3A_167, %sub3A : vector<64x128xf32>
    %add3A_169 = arith.addf %mul3A_168, %add3A_139 : vector<64x128xf32>
    %mul3A_170 = arith.constant 1.000000e+00 : f32
    %mul3A_171 = vector.broadcast %mul3A_170 : f32 to vector<64x128xf32>
    %mul3A_172 = arith.mulf %convert_element_type3A_165, %mul3A_171 : vector<64x128xf32>
    %sub3A_173 = arith.subf %add3A_169, %mul3A_172 : vector<64x128xf32>
    %gt3A_174 = arith.constant 1.000000e+00 : f32
    %gt3A_175 = vector.broadcast %gt3A_174 : f32 to vector<64x128xf32>
    %gt3A_176 = arith.cmpf ogt, %sub3A_173, %gt3A_175 : vector<64x128xf32>
    %convert_element_type3A_177 = arith.extui %gt3A_176 : vector<64x128xi1> to vector<64x128xi32>
    %convert_element_type3A_178 = arith.sitofp %convert_element_type3A_177 : vector<64x128xi32> to vector<64x128xf32>
    %add3A_179 = arith.addf %add3A_160, %convert_element_type3A_178 : vector<64x128xf32>
    %gt3A_180 = arith.constant 1.000000e+00 : f32
    %gt3A_181 = vector.broadcast %gt3A_180 : f32 to vector<64x128xf32>
    %gt3A_182 = arith.cmpf ogt, %sub3A_173, %gt3A_181 : vector<64x128xf32>
    %convert_element_type3A_183 = arith.extui %gt3A_182 : vector<64x128xi1> to vector<64x128xi32>
    %convert_element_type3A_184 = arith.sitofp %convert_element_type3A_183 : vector<64x128xi32> to vector<64x128xf32>
    %mul3A_185 = arith.constant 0.899999976 : f32
    %mul3A_186 = vector.broadcast %mul3A_185 : f32 to vector<64x128xf32>
    %mul3A_187 = arith.mulf %mul3A_186, %sub3A_173 : vector<64x128xf32>
    %add3A_188 = arith.addf %mul3A_187, %add3A_139 : vector<64x128xf32>
    %mul3A_189 = arith.constant 1.000000e+00 : f32
    %mul3A_190 = vector.broadcast %mul3A_189 : f32 to vector<64x128xf32>
    %mul3A_191 = arith.mulf %convert_element_type3A_184, %mul3A_190 : vector<64x128xf32>
    %sub3A_192 = arith.subf %add3A_188, %mul3A_191 : vector<64x128xf32>
    %gt3A_193 = arith.constant 1.000000e+00 : f32
    %gt3A_194 = vector.broadcast %gt3A_193 : f32 to vector<64x128xf32>
    %gt3A_195 = arith.cmpf ogt, %sub3A_192, %gt3A_194 : vector<64x128xf32>
    %convert_element_type3A_196 = arith.extui %gt3A_195 : vector<64x128xi1> to vector<64x128xi32>
    %convert_element_type3A_197 = arith.sitofp %convert_element_type3A_196 : vector<64x128xi32> to vector<64x128xf32>
    %add3A_198 = arith.addf %add3A_179, %convert_element_type3A_197 : vector<64x128xf32>
    %gt3A_199 = arith.constant 1.000000e+00 : f32
    %gt3A_200 = vector.broadcast %gt3A_199 : f32 to vector<64x128xf32>
    %gt3A_201 = arith.cmpf ogt, %sub3A_192, %gt3A_200 : vector<64x128xf32>
    %convert_element_type3A_202 = arith.extui %gt3A_201 : vector<64x128xi1> to vector<64x128xi32>
    %convert_element_type3A_203 = arith.sitofp %convert_element_type3A_202 : vector<64x128xi32> to vector<64x128xf32>
    %mul3A_204 = arith.constant 0.899999976 : f32
    %mul3A_205 = vector.broadcast %mul3A_204 : f32 to vector<64x128xf32>
    %mul3A_206 = arith.mulf %mul3A_205, %sub3A_192 : vector<64x128xf32>
    %add3A_207 = arith.addf %mul3A_206, %add3A_139 : vector<64x128xf32>
    %mul3A_208 = arith.constant 1.000000e+00 : f32
    %mul3A_209 = vector.broadcast %mul3A_208 : f32 to vector<64x128xf32>
    %mul3A_210 = arith.mulf %convert_element_type3A_203, %mul3A_209 : vector<64x128xf32>
    %sub3A_211 = arith.subf %add3A_207, %mul3A_210 : vector<64x128xf32>
    %gt3A_212 = arith.constant 1.000000e+00 : f32
    %gt3A_213 = vector.broadcast %gt3A_212 : f32 to vector<64x128xf32>
    %gt3A_214 = arith.cmpf ogt, %sub3A_211, %gt3A_213 : vector<64x128xf32>
    %convert_element_type3A_215 = arith.extui %gt3A_214 : vector<64x128xi1> to vector<64x128xi32>
    %convert_element_type3A_216 = arith.sitofp %convert_element_type3A_215 : vector<64x128xi32> to vector<64x128xf32>
    %add3A_217 = arith.addf %add3A_198, %convert_element_type3A_216 : vector<64x128xf32>
    %mul3A_218 = arith.constant 2.500000e-01 : f32
    %mul3A_219 = vector.broadcast %mul3A_218 : f32 to vector<64x128xf32>
    %mul3A_220 = arith.mulf %add3A_217, %mul3A_219 : vector<64x128xf32>
    %get3A_221 = arith.constant 0 : index
    %get3A_222 = arith.constant 0 : index
    %get3A_223 = vector.load %arg4[%get3A_221, %get3A_222] : memref<128x128xf32, #tpu.memory_space<vmem>>, vector<128x128xf32>
    %dot_general3A_224 = arith.constant dense<0.000000e+00> : vector<64x128xf32>
    %dot_general3A_225 = tpu.matmul %mul3A_220, %get3A_223, %dot_general3A_224 {dimension_numbers = #tpu.dot_dimension_numbers<[1], [0], [0], [1], [0, 0, 1, 1], [], []>, transpose_lhs_hint = false} : vector<64x128xf32>, vector<128x128xf32>, vector<64x128xf32> -> vector<64x128xf32>
    %get3A_226 = arith.constant 0 : index
    %get3A_227 = arith.constant 0 : index
    %get3A_228 = vector.load %arg5[%get3A_226, %get3A_227] : memref<1x128xf32, #tpu.memory_space<vmem>>, vector<1x128xf32>
    %add3A_229 = vector.broadcast %get3A_228 : vector<1x128xf32> to vector<64x128xf32>
    %add3A_230 = arith.addf %dot_general3A_225, %add3A_229 : vector<64x128xf32>
    %broadcast_in_dim3A_231 = arith.constant 0.000000e+00 : f32
    %broadcast_in_dim3A_232 = vector.broadcast %broadcast_in_dim3A_231 : f32 to vector<64x128xf32>
    %broadcast_in_dim3A_233 = arith.constant 0.000000e+00 : f32
    %broadcast_in_dim3A_234 = vector.broadcast %broadcast_in_dim3A_233 : f32 to vector<64x128xf32>
    %gt3A_235 = arith.constant 1.000000e+00 : f32
    %gt3A_236 = vector.broadcast %gt3A_235 : f32 to vector<64x128xf32>
    %gt3A_237 = arith.cmpf ogt, %broadcast_in_dim3A_232, %gt3A_236 : vector<64x128xf32>
    %convert_element_type3A_238 = arith.extui %gt3A_237 : vector<64x128xi1> to vector<64x128xi32>
    %convert_element_type3A_239 = arith.sitofp %convert_element_type3A_238 : vector<64x128xi32> to vector<64x128xf32>
    %mul3A_240 = arith.constant 0.899999976 : f32
    %mul3A_241 = vector.broadcast %mul3A_240 : f32 to vector<64x128xf32>
    %mul3A_242 = arith.mulf %mul3A_241, %broadcast_in_dim3A_232 : vector<64x128xf32>
    %add3A_243 = arith.addf %mul3A_242, %add3A_230 : vector<64x128xf32>
    %mul3A_244 = arith.constant 1.000000e+00 : f32
    %mul3A_245 = vector.broadcast %mul3A_244 : f32 to vector<64x128xf32>
    %mul3A_246 = arith.mulf %convert_element_type3A_239, %mul3A_245 : vector<64x128xf32>
    %sub3A_247 = arith.subf %add3A_243, %mul3A_246 : vector<64x128xf32>
    %gt3A_248 = arith.constant 1.000000e+00 : f32
    %gt3A_249 = vector.broadcast %gt3A_248 : f32 to vector<64x128xf32>
    %gt3A_250 = arith.cmpf ogt, %sub3A_247, %gt3A_249 : vector<64x128xf32>
    %convert_element_type3A_251 = arith.extui %gt3A_250 : vector<64x128xi1> to vector<64x128xi32>
    %convert_element_type3A_252 = arith.sitofp %convert_element_type3A_251 : vector<64x128xi32> to vector<64x128xf32>
    %add3A_253 = arith.addf %broadcast_in_dim3A_234, %convert_element_type3A_252 : vector<64x128xf32>
    %gt3A_254 = arith.constant 1.000000e+00 : f32
    %gt3A_255 = vector.broadcast %gt3A_254 : f32 to vector<64x128xf32>
    %gt3A_256 = arith.cmpf ogt, %sub3A_247, %gt3A_255 : vector<64x128xf32>
    %convert_element_type3A_257 = arith.extui %gt3A_256 : vector<64x128xi1> to vector<64x128xi32>
    %convert_element_type3A_258 = arith.sitofp %convert_element_type3A_257 : vector<64x128xi32> to vector<64x128xf32>
    %mul3A_259 = arith.constant 0.899999976 : f32
    %mul3A_260 = vector.broadcast %mul3A_259 : f32 to vector<64x128xf32>
    %mul3A_261 = arith.mulf %mul3A_260, %sub3A_247 : vector<64x128xf32>
    %add3A_262 = arith.addf %mul3A_261, %add3A_230 : vector<64x128xf32>
    %mul3A_263 = arith.constant 1.000000e+00 : f32
    %mul3A_264 = vector.broadcast %mul3A_263 : f32 to vector<64x128xf32>
    %mul3A_265 = arith.mulf %convert_element_type3A_258, %mul3A_264 : vector<64x128xf32>
    %sub3A_266 = arith.subf %add3A_262, %mul3A_265 : vector<64x128xf32>
    %gt3A_267 = arith.constant 1.000000e+00 : f32
    %gt3A_268 = vector.broadcast %gt3A_267 : f32 to vector<64x128xf32>
    %gt3A_269 = arith.cmpf ogt, %sub3A_266, %gt3A_268 : vector<64x128xf32>
    %convert_element_type3A_270 = arith.extui %gt3A_269 : vector<64x128xi1> to vector<64x128xi32>
    %convert_element_type3A_271 = arith.sitofp %convert_element_type3A_270 : vector<64x128xi32> to vector<64x128xf32>
    %add3A_272 = arith.addf %add3A_253, %convert_element_type3A_271 : vector<64x128xf32>
    %gt3A_273 = arith.constant 1.000000e+00 : f32
    %gt3A_274 = vector.broadcast %gt3A_273 : f32 to vector<64x128xf32>
    %gt3A_275 = arith.cmpf ogt, %sub3A_266, %gt3A_274 : vector<64x128xf32>
    %convert_element_type3A_276 = arith.extui %gt3A_275 : vector<64x128xi1> to vector<64x128xi32>
    %convert_element_type3A_277 = arith.sitofp %convert_element_type3A_276 : vector<64x128xi32> to vector<64x128xf32>
    %mul3A_278 = arith.constant 0.899999976 : f32
    %mul3A_279 = vector.broadcast %mul3A_278 : f32 to vector<64x128xf32>
    %mul3A_280 = arith.mulf %mul3A_279, %sub3A_266 : vector<64x128xf32>
    %add3A_281 = arith.addf %mul3A_280, %add3A_230 : vector<64x128xf32>
    %mul3A_282 = arith.constant 1.000000e+00 : f32
    %mul3A_283 = vector.broadcast %mul3A_282 : f32 to vector<64x128xf32>
    %mul3A_284 = arith.mulf %convert_element_type3A_277, %mul3A_283 : vector<64x128xf32>
    %sub3A_285 = arith.subf %add3A_281, %mul3A_284 : vector<64x128xf32>
    %gt3A_286 = arith.constant 1.000000e+00 : f32
    %gt3A_287 = vector.broadcast %gt3A_286 : f32 to vector<64x128xf32>
    %gt3A_288 = arith.cmpf ogt, %sub3A_285, %gt3A_287 : vector<64x128xf32>
    %convert_element_type3A_289 = arith.extui %gt3A_288 : vector<64x128xi1> to vector<64x128xi32>
    %convert_element_type3A_290 = arith.sitofp %convert_element_type3A_289 : vector<64x128xi32> to vector<64x128xf32>
    %add3A_291 = arith.addf %add3A_272, %convert_element_type3A_290 : vector<64x128xf32>
    %gt3A_292 = arith.constant 1.000000e+00 : f32
    %gt3A_293 = vector.broadcast %gt3A_292 : f32 to vector<64x128xf32>
    %gt3A_294 = arith.cmpf ogt, %sub3A_285, %gt3A_293 : vector<64x128xf32>
    %convert_element_type3A_295 = arith.extui %gt3A_294 : vector<64x128xi1> to vector<64x128xi32>
    %convert_element_type3A_296 = arith.sitofp %convert_element_type3A_295 : vector<64x128xi32> to vector<64x128xf32>
    %mul3A_297 = arith.constant 0.899999976 : f32
    %mul3A_298 = vector.broadcast %mul3A_297 : f32 to vector<64x128xf32>
    %mul3A_299 = arith.mulf %mul3A_298, %sub3A_285 : vector<64x128xf32>
    %add3A_300 = arith.addf %mul3A_299, %add3A_230 : vector<64x128xf32>
    %mul3A_301 = arith.constant 1.000000e+00 : f32
    %mul3A_302 = vector.broadcast %mul3A_301 : f32 to vector<64x128xf32>
    %mul3A_303 = arith.mulf %convert_element_type3A_296, %mul3A_302 : vector<64x128xf32>
    %sub3A_304 = arith.subf %add3A_300, %mul3A_303 : vector<64x128xf32>
    %gt3A_305 = arith.constant 1.000000e+00 : f32
    %gt3A_306 = vector.broadcast %gt3A_305 : f32 to vector<64x128xf32>
    %gt3A_307 = arith.cmpf ogt, %sub3A_304, %gt3A_306 : vector<64x128xf32>
    %convert_element_type3A_308 = arith.extui %gt3A_307 : vector<64x128xi1> to vector<64x128xi32>
    %convert_element_type3A_309 = arith.sitofp %convert_element_type3A_308 : vector<64x128xi32> to vector<64x128xf32>
    %add3A_310 = arith.addf %add3A_291, %convert_element_type3A_309 : vector<64x128xf32>
    %mul3A_311 = arith.constant 2.500000e-01 : f32
    %mul3A_312 = vector.broadcast %mul3A_311 : f32 to vector<64x128xf32>
    %mul3A_313 = arith.mulf %add3A_310, %mul3A_312 : vector<64x128xf32>
    %get3A_314 = arith.constant 0 : index
    %get3A_315 = arith.constant 0 : index
    %get3A_316 = vector.load %arg6[%get3A_314, %get3A_315] : memref<128x128xf32, #tpu.memory_space<vmem>>, vector<128x128xf32>
    %dot_general3A_317 = arith.constant dense<0.000000e+00> : vector<64x128xf32>
    %dot_general3A_318 = tpu.matmul %mul3A_313, %get3A_316, %dot_general3A_317 {dimension_numbers = #tpu.dot_dimension_numbers<[1], [0], [0], [1], [0, 0, 1, 1], [], []>, transpose_lhs_hint = false} : vector<64x128xf32>, vector<128x128xf32>, vector<64x128xf32> -> vector<64x128xf32>
    %get3A_319 = arith.constant 0 : index
    %get3A_320 = arith.constant 0 : index
    %get3A_321 = vector.load %arg7[%get3A_319, %get3A_320] : memref<1x128xf32, #tpu.memory_space<vmem>>, vector<1x128xf32>
    %add3A_322 = vector.broadcast %get3A_321 : vector<1x128xf32> to vector<64x128xf32>
    %add3A_323 = arith.addf %dot_general3A_318, %add3A_322 : vector<64x128xf32>
    %swap3A = arith.constant 0 : index
    %swap3A_324 = arith.constant 0 : index
    %swap3A_325 = vector.load %arg8[%swap3A, %swap3A_324] : memref<64x128xf32, #tpu.memory_space<vmem>>, vector<64x128xf32>
    tpu.vector_store %arg8[%swap3A, %swap3A_324], %add3A_323 {strides = array<i32>} : memref<64x128xf32, #tpu.memory_space<vmem>>, vector<64x128xf32>,
    return
  }
}

</mosaic_0001>

<sc_bundles>
// kernel: _run.12.cloned.1.call-start
scs
__scs_entry_jumppad:
0x0: {  	(pc) =	sbr.rel $0x88, $3  }
0x1: {  	(tag) =	ssettag $0x0;
	lr =	simm.s32 $0x1  }
0x2: {  	[smem:$0x3F94] =	sst lr;
	_ =	strace $0xD0000000  }
0x3: {  	_ = 	snop  }
0x4: {  	_ = 	snop  }
0x5: {  	_ = 	snop  }
0x6: {  	_ = 	snop  }
0x7: {  	_ = 	snop  }
__scs_overlays_trampoline_lowered:
0x8: {  	[smem:$0x3FA3] =	sst s0  }
0x9: {  	[smem:$0x3FA4] =	sst s1  }
0xa: {  	[smem:$0x3FA5] =	sst s2  }
0xb: {  	[smem:$0x3FA6] =	sst s3  }
0xc: {  	[smem:$0x3FA7] =	sst s4  }
0xd: {  	[smem:$0x3FA8] =	sst s5  }
0xe: {  	[smem:$0x3FA9] =	sst s6  }
0xf: {  	[smem:$0x3FAA] =	sst s7  }
0x10: {  	[smem:$0x3FAB] =	sst s8  }
0x11: {  	[smem:$0x3FAC] =	sst s9;
	s0 =	simm.s32 @!p0 $0x0  }
0x12: {  	s1 =	sld [smem:$0x3F92];
	s0 =	simm.s32 @p0 $0x1  }
0x13: {  	[smem:$0x3FAD] =	sst s0;
	s0 =	simm.s32 @!p1 $0x0  }
0x14: {  	s2 =	sld [smem:$0x3F91];
	s0 =	simm.s32 @p1 $0x1  }
0x15: {  	[smem:$0x3FAE] =	sst s0;
	s0 =	simm.s32 @!p2 $0x0  }
0x16: {  	s3 =	sld [smem:$0x3FDB];
	s0 =	simm.s32 @p2 $0x1  }
0x17: {  	s4 =	simm.s32 $0x1BF5;
	[smem:$0x3FB0] =	sst s0  }
0x18: {  	s0 =	sld [smem:$0x3F93];
	_ =	swait.ge [sflag:s4], $0x0  }
0x19: {  	s7 =	sld [smem:$0x3F94]  }
0x1a: {  	s8 =	sadd.s32 $0xFFFFE003, lr  }
0x1b: {  	s9 =	sadd.s32 $0xFFFFFEF7, lr;
	s5 =	simm.s32 $0xFFFFFFFF;
	p2 =	slt.u32 s8, $0xFFFFF086  }
0x1c: {  	p1 =	slt.u32 s9, $0xF7A;
	s5 =	simm.s32 @!p2 $0x0  }
0x1d: {  	s5 =	simm.s32 @p1 $0x1;
	p0 =	seq.s32 s7, s2  }
0x1e: {  	s7 =	smul.u32 @!p0 $0xF7A, s2;
	p2 =	seq.s32 @!p0 s5, $0x0  }
0x1f: {  	s9 =	smul.u32 $0xF7A, s1;
	s8 =	simm.s32 @!p0 $0x1BF5;
	p2 =	por !p2, p0  }
0x20: {  	[sflag:s8] =	ssyncset.s32 @!p0 $0xFFFFF086;
	s6 =	sadd.s32 @!p0 s3, s7;
	s7 =	simm.s32 @!p0 $0x108  }
0x21: {  	s3 =	sadd.s32 s3, s9;
	s6 =	sadd.s32 @!p0 $0x88, s6;
	s7 =	simm.s32 @p2 $0x1082  }
0x22: {  	[simem:s7], [sflag:s8] =	dma.local @!p0 [hbm:s6], $0xF7A  }
0x23: {  	s9 =	sor.u32 $0xD0000000, s2;
	s6 =	simm.s32 $0x108;
	_ =	swait.ge @!p0 [sflag:s8], $0x0  }
0x24: {  	s3 =	sadd.s32 $0x88, s3;
	s6 =	simm.s32 @!p1 $0x1082;
	[sflag:s4] =	ssyncset.s32 $0xFFFFF086  }
0x25: {  	[simem:s6], [sflag:s4] =	dma.local [hbm:s3], $0xF7A  }
0x26: {  	[smem:$0x3F94] =	sst s1;
	(tag) =	ssettag s2;
	_ =	strace s9  }
0x27: {  	s1 =	sld [smem:$0x3FA4]  }
0x28: {  	s2 =	sld [smem:$0x3FA5]  }
0x29: {  	s4 =	sld [smem:$0x3FA7]  }
0x2a: {  	p0 =	seq.s32 s5, $0x0;
	s5 =	sld [smem:$0x3FA8]  }
0x2b: {  	s6 =	sld [smem:$0x3FA9]  }
0x2c: {  	s7 =	sld [smem:$0x3FAA]  }
0x2d: {  	s3 =	simm.s32 $0x108;
	s8 =	sld [smem:$0x3FAB]  }
0x2e: {  	s3 =	simm.s32 @!p0 $0x1082;
	s9 =	sld [smem:$0x3FAC]  }
0x2f: {  	lr =	sadd.s32 s0, s3;
	s0 =	sld [smem:$0x3FA3]  }
0x30: {  	s3 =	sld [smem:$0x3FA6]  }
0x31: {  	[smem:$0x3FAF] =	sst s10  }
0x32: {  	s10 =	sld [smem:$0x3FAD];
	_ =	sdelay $0x3  }
0x33: {  	p0 =	seq.s32 s10, $0x1;
	s10 =	sld [smem:$0x3FAF];
	_ =	sdelay $0x3  }
0x34: {  	[smem:$0x3FAF] =	sst s10  }
0x35: {  	s10 =	sld [smem:$0x3FAE];
	_ =	sdelay $0x3  }
0x36: {  	p1 =	seq.s32 s10, $0x1;
	s10 =	sld [smem:$0x3FAF];
	_ =	sdelay $0x3  }
0x37: {  	[smem:$0x3FAF] =	sst s10  }
0x38: {  	s10 =	sld [smem:$0x3FB0]  }
0x39: {  	_ = 	snop;
	(pc) =	sbr.ind lr, $3  }
0x3a: {  	_ = 	snop  }
0x3b: {  	_ = 	snop  }
0x3c: {  	p2 =	seq.s32 s10, $0x1;
	s10 =	sld [smem:$0x3FAF]  }
0x3d: {  	_ =	shalt  }
0x3e: {  	_ =	shalt  }
0x3f: {  	_ =	shalt  }
0x40: {  	_ =	shalt  }
0x41: {  	_ =	shalt  }
0x42: {  	_ =	shalt  }
0x43: {  	_ =	shalt  }
0x44: {  	_ =	shalt  }
0x45: {  	_ =	shalt  }
0x46: {  	_ =	shalt  }
0x47: {  	_ =	shalt  }
0x48: {  	_ =	shalt  }
0x49: {  	_ =	shalt  }
0x4a: {  	_ =	shalt  }
0x4b: {  	_ =	shalt  }
0x4c: {  	_ =	shalt  }
0x4d: {  	_ =	shalt  }
0x4e: {  	_ =	shalt  }
0x4f: {  	_ =	shalt  }
0x50: {  	_ =	shalt  }
0x51: {  	_ =	shalt  }
0x52: {  	_ =	shalt  }
0x53: {  	_ =	shalt  }
0x54: {  	_ =	shalt  }
0x55: {  	_ =	shalt  }
0x56: {  	_ =	shalt  }
0x57: {  	_ =	shalt  }
0x58: {  	_ =	shalt  }
0x59: {  	_ =	shalt  }
0x5a: {  	_ =	shalt  }
0x5b: {  	_ =	shalt  }
0x5c: {  	_ =	shalt  }
0x5d: {  	_ =	shalt  }
0x5e: {  	_ =	shalt  }
0x5f: {  	_ =	shalt  }
0x60: {  	_ =	shalt  }
0x61: {  	_ =	shalt  }
0x62: {  	_ =	shalt  }
0x63: {  	_ =	shalt  }
0x64: {  	_ =	shalt  }
0x65: {  	_ =	shalt  }
0x66: {  	_ =	shalt  }
0x67: {  	_ =	shalt  }
0x68: {  	_ =	shalt  }
0x69: {  	_ =	shalt  }
0x6a: {  	_ =	shalt  }
0x6b: {  	_ =	shalt  }
0x6c: {  	_ =	shalt  }
0x6d: {  	_ =	shalt  }
0x6e: {  	_ =	shalt  }
0x6f: {  	_ =	shalt  }
0x70: {  	_ =	shalt  }
0x71: {  	_ =	shalt  }
0x72: {  	_ =	shalt  }
0x73: {  	_ =	shalt  }
0x74: {  	_ =	shalt  }
0x75: {  	_ =	shalt  }
0x76: {  	_ =	shalt  }
0x77: {  	_ =	shalt  }
0x78: {  	_ =	shalt  }
0x79: {  	_ =	shalt  }
0x7a: {  	_ =	shalt  }
0x7b: {  	_ =	shalt  }
0x7c: {  	_ =	shalt  }
0x7d: {  	_ =	shalt  }
0x7e: {  	_ =	shalt  }
0x7f: {  	_ =	shalt  }
0x80: {  	_ =	shalt  }
0x81: {  	_ =	shalt  }
0x82: {  	_ =	shalt  }
0x83: {  	_ =	shalt  }
0x84: {  	_ =	shalt  }
0x85: {  	_ =	shalt  }
0x86: {  	_ =	shalt  }
0x87: {  	_ =	shalt  }
.Lfunc_end0:
.L_simem_size_0:
called_computation_lowered:
.L_overlay_start_0:
0x88: {  	s2 =	sld [smem:$0x3FD9]  }
0x89: {  	s3 =	sld [smem:$0x3FFE];
	_ =	sdelay $0x1  }
0x8a: {  	s1 =	srdreg.scid  }
0x8b: {  	s0 =	sand.u32 $0x1, s1  }
0x8c: {  	s16 =	sshll.u32 s0, $0xA;
	s2 =	sadd.s32 s3, s2  }
0x8d: {  	s2 =	sadd.s32 s2, s16  }
0x8e: {  	[smem:$0x3FBB] =	sst s2  }
0x8f: {  	_ = 	snop  }
0x90: {  	(tm) =	ssettm $0x1  }
0x91: {  	s17 =	sld [smem:$0x3FFB];
	_ =	sdelay $0x3  }
0x92: {  	_ =	strace s17  }
0x93: {  	s2 =	sld [smem:$0x3FFC];
	_ =	sdelay $0x3  }
0x94: {  	_ =	strace s2  }
0x95: {  	s2 =	sld [smem:$0x3FFD];
	_ =	sdelay $0x3  }
0x96: {  	_ =	strace s2  }
0x97: {  	_ =	strace $0x8FFFFFFF  }
0x98: {  	s18 =	sld [smem:$0x3FDB];
	_ =	sdelay $0x1  }
0x99: {  	s19 =	simm.s32 $_scs_section_size  }
0x9a: {  	s4 =	simm.s32 $_size__tile_overlayer_lowered;
	s5 =	simm.s32 $_tile_overlayer_lowered  }
0x9b: {  	s22 =	simm.s32 $0x1BFF;
	s21 =	sshll.u32 s5, $0x1;
	s2 =	sadd.s32 s19, s18  }
0x9c: {  	s6 =	simm.s32 $0x0;
	s20 =	sshll.u32 s4, $0x1;
	s4 =	sadd.s32 s21, s2  }
0x9d: {  	[timem:s6], [sflag:s22] =	dma.local [hbm:s4], s20  }
0x9e: {  	_ =	swait.ge [sflag:s22], s20  }
0x9f: {  	s3 =	ssub.s32 $0x0, s20;
	[sflag:s22] =	ssyncset.done $0x0  }
0xa0: {  	[sflag:s22] =	ssyncadd.s32 s3;
	_ =	sdelay $0x1  }
0xa1: {  	s23 =	simm.s32 $0x1B8B  }
0xa2: {  	_ =	swait.ge [sflag:s23], $0x1  }
0xa3: {  	[sflag:s23] =	ssyncset.done $0x0  }
0xa4: {  	s25 =	simm.s32 $0x1B8E;
	s24 =	sld [smem:$0x3FFE];
	[sflag:s23] =	ssyncadd.s32 $0xFFFFFFFF  }
0xa5: {  	s26 =	simm.s32 $execute0_lowered;
	[smem:$0x3FD2] =	sst s25  }
0xa6: {  	s4 =	sshll.u32 s26, $0x1;
	_ =	strace $0x80000046;
	[dreg:$0x1] =	wrdreg $0xFFFFFFFF  }
0xa7: {  	s28 =	simm.s32 $_size_execute0_lowered;
	s2 =	sadd.s32 s2, s4;
	[dreg:$0x0] =	wrdreg $0x0  }
0xa8: {  	s4 =	sshll.u32 s28, $0x1;
	[dreg:$0x2] =	wrdreg s2  }
0xa9: {  	[dreg:$0x3] =	wrdreg s4  }
0xaa: {  	[dreg:$0x4] =	wrdreg $0xC0  }
0xab: {  	_ =	task [dreg:s6], $0x5FFFF  }
0xac: {  	[dreg:$0x1] =	wrdreg $0xFFFFFFFF  }
0xad: {  	[dreg:$0x0] =	wrdreg $0x60  }
0xae: {  	[dreg:$0x2] =	wrdreg s24  }
0xaf: {  	[dreg:$0x3] =	wrdreg $0xC4400  }
0xb0: {  	[dreg:$0x4] =	wrdreg $0x9  }
0xb1: {  	_ =	task.clear_ibuf [dreg:s6], $0x5FFFF;
	_ =	strace $0x90000046  }
0xb2: {  	s29 =	simm.s32 $0x9;
	_ =	strace $0x80000048  }
0xb3: {  	_ =	swait.ge [sflag:s29], $0x1  }
0xb4: {  	[sflag:s29] =	ssyncadd.s32 $0xFFFFFFFF  }
0xb5: {  	_ =	strace $0x90000048  }
0xb6: {  	_ =	sfence  }
0xb7: {  	s30 =	sld [smem:$0x0];
	_ =	sdelay $0x2  }
0xb8: {  	s31 =	sshll.u32 s1, $0xD;
	s1 =	sshrl.u32 s1, $0x2  }
0xb9: {  	s3 =	sand.u32 $0x4000, s31;
	s1 =	sadd.s32 s1, s30  }
0xba: {  	s0 =	sor.u32 s3, s0;
	s1 =	sshll.u32 s1, $0x11  }
0xbb: {  	s0 =	sor.u32 s1, s0  }
0xbc: {  	s0 =	sadd.s32 $0x8F2B, s0  }
0xbd: {  	[sflag:s0] =	ssyncadd.remote.s32 $0x1  }
0xbe: {  	_ =	sfence.sel $0xFFFF  }
0xbf: {  	[dreg:$0x0] =	wrdreg $0xFFFFFFFF;
	(pc) =	sbr.abs _section_cstart, $3  }
0xc0: {  	[dreg:$0x1] =	wrdreg $0xFFFFFFFF  }
0xc1: {  	_ =	task.clear_ibuf [dreg:s6], $0x2FFFF;
	_ =	strace $0x9FFFFFFF  }
0xc2: {  	(tm) =	ssettm $0x7FFFFFFF  }
0xc3: {  	_ =	shalt  }
tec
execute0_lowered:
.L_overlay_start_1:
0x0: {  	(tag) =	ssettag $0x1  }
0x1: {  	s6 =	rddreg [dreg:$0x0]  }
0x2: {  	s0 =	srdreg.scid;
	s1 =	rddreg [dreg:$0x1]  }
0x3: {  	s3 =	simm.s32 $0x0;
	s2 =	stileid.u32;
	s16 =	simm.s32 $0x1  }
0x4: {  	s17 =	simm.s32 $0x2;
	s18 =	simm.s32 $0x50;
	s8 =	smul.u32 $0xA40, s2  }
0x5: {  	s19 =	simm.s32 $0x7010;
	s20 =	simm.s32 $0x7060;
	s12 =	smul.u32 $0x14800, s2  }
0x6: {  	s21 =	simm.s32 $0x70B0;
	s22 =	simm.s32 $0x7100;
	s13 =	smul.u32 $0xA10, s2  }
0x7: {  	s23 =	simm.s32 $0x7150;
	s7 =	sand.u32 $0x1, s0;
	s15 =	smul.u32 $0x50, s2  }
0x8: {  	s24 =	simm.s32 $0x71A0;
	s25 =	simm.s32 $0x71F0;
	s4 =	smul.u32 $0xA100, s7  }
0x9: {  	s26 =	simm.s32 $0x0;
	[smem:$0x7FF] =	sst s3;
	s5 =	smul.u32 $0x500, s7  }
0xa: {  	_ =	strace $0x80000047;
	s9 =	smul.u32 $0xA400, s7;
	s7 =	ssub.s32 $0x2, s7  }
0xb: {  	s30 =	sshrl.u32 s7, $0x1;
	s12 =	sshrl.u32 s12, $0x2;
	s10 =	sadd.s32 s4, s6  }
0xc: {  	s11 =	sadd.s32 s5, s6;
	s4 =	sadd.s32 $0x17C00, s6;
	s8 =	sadd.s32 s8, s9  }
0xd: {  	s5 =	sadd.s32 $0x17000, s6;
	s9 =	ssub.s32 s7, s30;
	s8 =	sadd.s32 s8, s6  }
0xe: {  	s6 =	sadd.s32 s12, s1;
	s31 =	sadd.s32 $0x2400, s10;
	s14 =	sadd.s32 $0x16600, s11  }
0xf: {  	s10 =	simm.s32 $0x3;
	s12 =	simm.s32 $0x1F40;
	s7 =	sadd.s32 $0x18000, s8  }
0x10: {  	s8 =	smax.u32 s9, $0x1;
	s9 =	simm.s32 $0x7240;
	s11 =	sadd.s32 s13, s31  }
0x11: {  	s13 =	sadd.s32 s15, s14;
	s14 =	simm.s32 $0x6FC0;
	s15 =	simm.s32 $0x7D  }
.LBB2_1:
0x12: {  	[tilespmem:s9], [sflag:$0x3] =	stream.linear.gather [hbm4b:s5+s3], $0x5200, $0x38;
	[tilespmem:$0x11640] =	vst v63  }
0x13: {  	_ =	swait.ge [sflag:s10], $0x5200  }
0x14: {  	[sflag:s10] =	ssyncset.done $0x0  }
0x15: {  	[sflag:s10] =	ssyncadd.s32 $0xFFFFAE00  }
0x16: {  	[spmem:s6] =	stream.linear.scatter [tilespmem:s9], [sflag:$0x3], $0x5200, $0x38;
	[tilespmem:$0x11640] =	vst v63  }
0x17: {  	_ =	swait.ge [sflag:s10], $0x5200  }
0x18: {  	[sflag:s10] =	ssyncset.done $0x0  }
0x19: {  	[sflag:s10] =	ssyncadd.s32 $0xFFFFAE00  }
0x1a: {  	[tilespmem:s3], [sflag:$0x3] =	stream.linear.gather [hbm4b:s4+s3], $0x1F40, $0x38;
	[tilespmem:$0x11640] =	vst v63  }
0x1b: {  	_ =	swait.ge [sflag:s10], $0x1F40  }
0x1c: {  	[sflag:s10] =	ssyncset.done $0x0  }
0x1d: {  	[sflag:s10] =	ssyncadd.s32 $0xFFFFE0C0  }
0x1e: {  	[tilespmem:s12], [sflag:$0x3] =	stream.linear.gather [hbm4b:s11+s3], $0x5080, $0x38;
	[tilespmem:$0x11640] =	vst v63  }
0x1f: {  	_ =	swait.ge [sflag:s10], $0x5080  }
0x20: {  	[sflag:s10] =	ssyncset.done $0x0  }
0x21: {  	[sflag:s10] =	ssyncadd.s32 $0xFFFFAF80  }
0x22: {  	[tilespmem:s14], [sflag:$0x3] =	stream.linear.gather [hbm4b:s13+s3], $0x280, $0x38;
	[tilespmem:$0x11640] =	vst v63  }
0x23: {  	_ =	swait.ge [sflag:s10], $0x280  }
0x24: {  	[sflag:s10] =	ssyncset.done $0x0  }
0x25: {  	[sflag:s10] =	ssyncadd.s32 $0xFFFFFD80  }
0x26: {  	[bflag:$0x0] =	sbarrier.arrive $0xFFFF  }
0x27: {  	[spmem:s1] =	stream.indirect.scatter.add.f32 [tilespmem:s3], [sflag:$0x1], $0x40, s12, s15, $0xb8;
	[tilespmem:$0x11640] =	vst v63  }
0x28: {  	s28 =	simm.s32 $0x1FC0  }
0x29: {  	[spmem:s1] =	stream.indirect.scatter.add.f32 [tilespmem:s3], [sflag:$0x2], $0x40, s28, s15, $0xb8;
	[tilespmem:$0x11640] =	vst v63  }
0x2a: {  	_ =	swait.ge [sflag:s16], $0x1F40  }
0x2b: {  	[sflag:s16] =	ssyncset.done $0x0  }
0x2c: {  	s28 =	simm.s32 $0x2040;
	[sflag:s16] =	ssyncadd.s32 $0xFFFFE0C0  }
0x2d: {  	[spmem:s1] =	stream.indirect.scatter.add.f32 [tilespmem:s3], [sflag:$0x1], $0x40, s28, s15, $0xb8;
	[tilespmem:$0x11640] =	vst v63  }
0x2e: {  	_ =	swait.ge [sflag:s17], $0x1F40  }
0x2f: {  	s29 =	simm.s32 $0xFFFEC800;
	s28 =	simm.s32 $0xFFFFB100;
	[sflag:s17] =	ssyncset.done $0x0  }
.LBB2_2:
0x30: {  	s30 =	sadd.s32 $0x6FC0, s28  }
0x31: {  	[sflag:s17] =	ssyncadd.s32 $0xFFFFE0C0;
	s31 =	smov.u32 s29;
	s0 =	sadd.s32 $0x400, s29  }
0x32: {  	[spmem:s1] =	stream.indirect.scatter.add.f32 [tilespmem:s3], [sflag:$0x2], $0x40, s30, s15, $0xb8;
	[tilespmem:$0x11640] =	vst v63  }
0x33: {  	p0 =	sne.s32 s29, $0xFFFFFC00;
	_ =	swait.ge [sflag:s16], $0x1F40  }
.Ltmp0:
0x34: {  	[sflag:s16] =	ssyncset.done $0x0;
	(pc) =	sbr.rel @p0 .LBB2_2-.Ltmp0, $4  }
0x35: {  	s28 =	sadd.s32 $0x7040, s28;
	[sflag:s16] =	ssyncadd.s32 $0xFFFFE0C0  }
0x36: {  	[spmem:s1] =	stream.indirect.scatter.add.f32 [tilespmem:s3], [sflag:$0x1], $0x40, s28, s15, $0xb8;
	[tilespmem:$0x11640] =	vst v63  }
0x37: {  	_ =	swait.ge [sflag:s17], $0x1F40  }
0x38: {  	s29 =	smov.u32 s0;
	s28 =	sshra.s32 s31, $0x2;
	[sflag:s17] =	ssyncset.done $0x0  }
0x39: {  	s0 =	sadd.s32 $0x6FC0, s28;
	[sflag:s17] =	ssyncadd.s32 $0xFFFFE0C0  }
0x3a: {  	[spmem:s1] =	stream.indirect.scatter.add.f32 [tilespmem:s3], [sflag:$0x2], $0x40, s0, s15, $0xb8;
	[tilespmem:$0x11640] =	vst v63  }
0x3b: {  	_ =	swait.ge [sflag:s16], $0x1F40  }
0x3c: {  	[sflag:s16] =	ssyncset.done $0x0  }
0x3d: {  	s31 =	sadd.s32 $0x7040, s28;
	[sflag:s16] =	ssyncadd.s32 $0xFFFFE0C0  }
0x3e: {  	[spmem:s1] =	stream.indirect.scatter.add.f32 [tilespmem:s3], [sflag:$0x1], $0x40, s31, s15, $0xb8;
	[tilespmem:$0x11640] =	vst v63  }
0x3f: {  	_ =	swait.ge [sflag:s17], $0x1F40  }
0x40: {  	[sflag:s17] =	ssyncset.done $0x0  }
0x41: {  	[sflag:s17] =	ssyncadd.s32 $0xFFFFE0C0  }
0x42: {  	_ =	swait.ge [sflag:s16], $0x1F40  }
0x43: {  	[sflag:s16] =	ssyncset.done $0x0  }
0x44: {  	[sflag:s16] =	ssyncadd.s32 $0xFFFFE0C0  }
0x45: {  	[spmem:s1] =	stream.indirect.scatter.add.f32 [tilespmem:s3], [sflag:$0x3], $0x40, s14, s18, $0xb8;
	[tilespmem:$0x11640] =	vst v63  }
0x46: {  	_ =	swait.ge [sflag:s10], $0x1400  }
0x47: {  	[sflag:s10] =	ssyncset.done $0x0  }
0x48: {  	[sflag:s10] =	ssyncadd.s32 $0xFFFFEC00  }
0x49: {  	[spmem:s1] =	stream.indirect.scatter.add.f32 [tilespmem:s3], [sflag:$0x3], $0x40, s19, s18, $0xb8;
	[tilespmem:$0x11640] =	vst v63  }
0x4a: {  	_ =	swait.ge [sflag:s10], $0x1400  }
0x4b: {  	[sflag:s10] =	ssyncset.done $0x0  }
0x4c: {  	[sflag:s10] =	ssyncadd.s32 $0xFFFFEC00  }
0x4d: {  	[spmem:s1] =	stream.indirect.scatter.add.f32 [tilespmem:s3], [sflag:$0x3], $0x40, s20, s18, $0xb8;
	[tilespmem:$0x11640] =	vst v63  }
0x4e: {  	_ =	swait.ge [sflag:s10], $0x1400  }
0x4f: {  	[sflag:s10] =	ssyncset.done $0x0  }
0x50: {  	[sflag:s10] =	ssyncadd.s32 $0xFFFFEC00  }
0x51: {  	[spmem:s1] =	stream.indirect.scatter.add.f32 [tilespmem:s3], [sflag:$0x3], $0x40, s21, s18, $0xb8;
	[tilespmem:$0x11640] =	vst v63  }
0x52: {  	_ =	swait.ge [sflag:s10], $0x1400  }
0x53: {  	[sflag:s10] =	ssyncset.done $0x0  }
0x54: {  	[sflag:s10] =	ssyncadd.s32 $0xFFFFEC00  }
0x55: {  	[spmem:s1] =	stream.indirect.scatter.add.f32 [tilespmem:s3], [sflag:$0x3], $0x40, s22, s18, $0xb8;
	[tilespmem:$0x11640] =	vst v63  }
0x56: {  	_ =	swait.ge [sflag:s10], $0x1400  }
0x57: {  	[sflag:s10] =	ssyncset.done $0x0  }
0x58: {  	[sflag:s10] =	ssyncadd.s32 $0xFFFFEC00  }
0x59: {  	[spmem:s1] =	stream.indirect.scatter.add.f32 [tilespmem:s3], [sflag:$0x3], $0x40, s23, s18, $0xb8;
	[tilespmem:$0x11640] =	vst v63  }
0x5a: {  	_ =	swait.ge [sflag:s10], $0x1400  }
0x5b: {  	[sflag:s10] =	ssyncset.done $0x0  }
0x5c: {  	[sflag:s10] =	ssyncadd.s32 $0xFFFFEC00  }
0x5d: {  	[spmem:s1] =	stream.indirect.scatter.add.f32 [tilespmem:s3], [sflag:$0x3], $0x40, s24, s18, $0xb8;
	[tilespmem:$0x11640] =	vst v63  }
0x5e: {  	_ =	swait.ge [sflag:s10], $0x1400  }
0x5f: {  	[sflag:s10] =	ssyncset.done $0x0  }
0x60: {  	[sflag:s10] =	ssyncadd.s32 $0xFFFFEC00  }
0x61: {  	[spmem:s1] =	stream.indirect.scatter.add.f32 [tilespmem:s3], [sflag:$0x3], $0x40, s25, s18, $0xb8;
	[tilespmem:$0x11640] =	vst v63  }
0x62: {  	_ =	swait.ge [sflag:s10], $0x1400  }
0x63: {  	[sflag:s10] =	ssyncset.done $0x0  }
0x64: {  	[sflag:s10] =	ssyncadd.s32 $0xFFFFEC00  }
0x65: {  	[bflag:$0x0] =	sbarrier.arrive $0xFFFF  }
0x66: {  	[tilespmem:s9], [sflag:$0x3] =	stream.linear.gather [spmem:s6], $0x5200, $0x38;
	[tilespmem:$0x11640] =	vst v63  }
0x67: {  	s26 =	sadd.s32 $0x1, s26;
	_ =	swait.ge [sflag:s10], $0x5200  }
0x68: {  	p0 =	sne.s32 s26, s8;
	[sflag:s10] =	ssyncset.done $0x0  }
.Ltmp1:
0x69: {  	[sflag:s10] =	ssyncadd.s32 $0xFFFFAE00;
	(pc) =	sbr.rel @p0 .LBB2_1-.Ltmp1, $4  }
0x6a: {  	[hbm4b:s7+s3] =	stream.linear.scatter [tilespmem:s9], [sflag:$0x3], $0x5200, $0x38;
	[tilespmem:$0x11640] =	vst v63  }
0x6b: {  	_ =	swait.ge [sflag:s10], $0x5200  }
0x6c: {  	[sflag:s10] =	ssyncset.done $0x0  }
0x6d: {  	[sflag:s10] =	ssyncadd.s32 $0xFFFFAE00  }
0x6e: {  	_ =	sfence.sel $0x180000  }
0x6f: {  	[bflag:$0x0] =	sbarrier.arrive $0xFFFF  }
0x70: {  	_ =	strace $0x90000047  }
0x71: {  	[bflag:$0x2] =	sbarrier.arrive $0xFFFF  }
0x72: {  	p0 =	sne.s32 s2, $0x0;
	s0 =	rddreg [dreg:$0x2]  }
0x73: {  	s0 =	sadd.s32 @!p0 $0x100000, s0  }
0x74: {  	[sflag:s0] =	ssyncadd.tile.s32 @!p0 $0x1;
	_ =	shalt  }
.Lfunc_end2:
_tile_overlayer_lowered:
.L_overlay_start_2:
0x75: {  	(tag) =	ssettag $0x2  }
0x76: {  	s0 =	rddreg [dreg:$0x0];
	s2 =	stileid.u32  }
0x77: {  	s1 =	rddreg [dreg:$0x1];
	p0 =	sne.s32 s2, $0x0  }
0x78: {  	s3 =	rddreg [dreg:$0x2];
	[bflag:$0x3] =	sbarrier.arrive $0xFFFF;
	s2 =	simm.s32 @!p0 $0x1C03  }
0x79: {  	[timem:s3], [sflag:s2] =	dma.local @!p0 [hbm:s0], s1  }
0x7a: {  	s0 =	simm.s32 @!p0 $0x3  }
0x7b: {  	_ =	swait.ge @!p0 [sflag:s0], s1  }
0x7c: {  	s1 =	ssub.s32 @!p0 $0x0, s1;
	[sflag:s0] =	ssyncset.done @!p0 $0x0  }
0x7d: {  	[sflag:s0] =	ssyncadd.s32 @!p0 s1  }
0x7e: {  	[bflag:$0x3] =	sbarrier.arrive $0xFFFF  }
0x7f: {  	_ =	shalt  }

// kernel: _run.15.cloned.1.call-start
scs
__scs_entry_jumppad:
0x0: {  	(pc) =	sbr.rel $0x88, $3  }
0x1: {  	(tag) =	ssettag $0x0;
	lr =	simm.s32 $0x1  }
0x2: {  	[smem:$0x3F94] =	sst lr;
	_ =	strace $0xD0000000  }
0x3: {  	_ = 	snop  }
0x4: {  	_ = 	snop  }
0x5: {  	_ = 	snop  }
0x6: {  	_ = 	snop  }
0x7: {  	_ = 	snop  }
__scs_overlays_trampoline_lowered:
0x8: {  	[smem:$0x3FA3] =	sst s0  }
0x9: {  	[smem:$0x3FA4] =	sst s1  }
0xa: {  	[smem:$0x3FA5] =	sst s2  }
0xb: {  	[smem:$0x3FA6] =	sst s3  }
0xc: {  	[smem:$0x3FA7] =	sst s4  }
0xd: {  	[smem:$0x3FA8] =	sst s5  }
0xe: {  	[smem:$0x3FA9] =	sst s6  }
0xf: {  	[smem:$0x3FAA] =	sst s7  }
0x10: {  	[smem:$0x3FAB] =	sst s8  }
0x11: {  	[smem:$0x3FAC] =	sst s9;
	s0 =	simm.s32 @!p0 $0x0  }
0x12: {  	s1 =	sld [smem:$0x3F92];
	s0 =	simm.s32 @p0 $0x1  }
0x13: {  	[smem:$0x3FAD] =	sst s0;
	s0 =	simm.s32 @!p1 $0x0  }
0x14: {  	s2 =	sld [smem:$0x3F91];
	s0 =	simm.s32 @p1 $0x1  }
0x15: {  	[smem:$0x3FAE] =	sst s0;
	s0 =	simm.s32 @!p2 $0x0  }
0x16: {  	s3 =	sld [smem:$0x3FDB];
	s0 =	simm.s32 @p2 $0x1  }
0x17: {  	s4 =	simm.s32 $0x1BF5;
	[smem:$0x3FB0] =	sst s0  }
0x18: {  	s0 =	sld [smem:$0x3F93];
	_ =	swait.ge [sflag:s4], $0x0  }
0x19: {  	s7 =	sld [smem:$0x3F94]  }
0x1a: {  	s8 =	sadd.s32 $0xFFFFE003, lr  }
0x1b: {  	s9 =	sadd.s32 $0xFFFFFEF7, lr;
	s5 =	simm.s32 $0xFFFFFFFF;
	p2 =	slt.u32 s8, $0xFFFFF086  }
0x1c: {  	p1 =	slt.u32 s9, $0xF7A;
	s5 =	simm.s32 @!p2 $0x0  }
0x1d: {  	s5 =	simm.s32 @p1 $0x1;
	p0 =	seq.s32 s7, s2  }
0x1e: {  	s7 =	smul.u32 @!p0 $0xF7A, s2;
	p2 =	seq.s32 @!p0 s5, $0x0  }
0x1f: {  	s9 =	smul.u32 $0xF7A, s1;
	s8 =	simm.s32 @!p0 $0x1BF5;
	p2 =	por !p2, p0  }
0x20: {  	[sflag:s8] =	ssyncset.s32 @!p0 $0xFFFFF086;
	s6 =	sadd.s32 @!p0 s3, s7;
	s7 =	simm.s32 @!p0 $0x108  }
0x21: {  	s3 =	sadd.s32 s3, s9;
	s6 =	sadd.s32 @!p0 $0x88, s6;
	s7 =	simm.s32 @p2 $0x1082  }
0x22: {  	[simem:s7], [sflag:s8] =	dma.local @!p0 [hbm:s6], $0xF7A  }
0x23: {  	s9 =	sor.u32 $0xD0000000, s2;
	s6 =	simm.s32 $0x108;
	_ =	swait.ge @!p0 [sflag:s8], $0x0  }
0x24: {  	s3 =	sadd.s32 $0x88, s3;
	s6 =	simm.s32 @!p1 $0x1082;
	[sflag:s4] =	ssyncset.s32 $0xFFFFF086  }
0x25: {  	[simem:s6], [sflag:s4] =	dma.local [hbm:s3], $0xF7A  }
0x26: {  	[smem:$0x3F94] =	sst s1;
	(tag) =	ssettag s2;
	_ =	strace s9  }
0x27: {  	s1 =	sld [smem:$0x3FA4]  }
0x28: {  	s2 =	sld [smem:$0x3FA5]  }
0x29: {  	s4 =	sld [smem:$0x3FA7]  }
0x2a: {  	p0 =	seq.s32 s5, $0x0;
	s5 =	sld [smem:$0x3FA8]  }
0x2b: {  	s6 =	sld [smem:$0x3FA9]  }
0x2c: {  	s7 =	sld [smem:$0x3FAA]  }
0x2d: {  	s3 =	simm.s32 $0x108;
	s8 =	sld [smem:$0x3FAB]  }
0x2e: {  	s3 =	simm.s32 @!p0 $0x1082;
	s9 =	sld [smem:$0x3FAC]  }
0x2f: {  	lr =	sadd.s32 s0, s3;
	s0 =	sld [smem:$0x3FA3]  }
0x30: {  	s3 =	sld [smem:$0x3FA6]  }
0x31: {  	[smem:$0x3FAF] =	sst s10  }
0x32: {  	s10 =	sld [smem:$0x3FAD];
	_ =	sdelay $0x3  }
0x33: {  	p0 =	seq.s32 s10, $0x1;
	s10 =	sld [smem:$0x3FAF];
	_ =	sdelay $0x3  }
0x34: {  	[smem:$0x3FAF] =	sst s10  }
0x35: {  	s10 =	sld [smem:$0x3FAE];
	_ =	sdelay $0x3  }
0x36: {  	p1 =	seq.s32 s10, $0x1;
	s10 =	sld [smem:$0x3FAF];
	_ =	sdelay $0x3  }
0x37: {  	[smem:$0x3FAF] =	sst s10  }
0x38: {  	s10 =	sld [smem:$0x3FB0]  }
0x39: {  	_ = 	snop;
	(pc) =	sbr.ind lr, $3  }
0x3a: {  	_ = 	snop  }
0x3b: {  	_ = 	snop  }
0x3c: {  	p2 =	seq.s32 s10, $0x1;
	s10 =	sld [smem:$0x3FAF]  }
0x3d: {  	_ =	shalt  }
0x3e: {  	_ =	shalt  }
0x3f: {  	_ =	shalt  }
0x40: {  	_ =	shalt  }
0x41: {  	_ =	shalt  }
0x42: {  	_ =	shalt  }
0x43: {  	_ =	shalt  }
0x44: {  	_ =	shalt  }
0x45: {  	_ =	shalt  }
0x46: {  	_ =	shalt  }
0x47: {  	_ =	shalt  }
0x48: {  	_ =	shalt  }
0x49: {  	_ =	shalt  }
0x4a: {  	_ =	shalt  }
0x4b: {  	_ =	shalt  }
0x4c: {  	_ =	shalt  }
0x4d: {  	_ =	shalt  }
0x4e: {  	_ =	shalt  }
0x4f: {  	_ =	shalt  }
0x50: {  	_ =	shalt  }
0x51: {  	_ =	shalt  }
0x52: {  	_ =	shalt  }
0x53: {  	_ =	shalt  }
0x54: {  	_ =	shalt  }
0x55: {  	_ =	shalt  }
0x56: {  	_ =	shalt  }
0x57: {  	_ =	shalt  }
0x58: {  	_ =	shalt  }
0x59: {  	_ =	shalt  }
0x5a: {  	_ =	shalt  }
0x5b: {  	_ =	shalt  }
0x5c: {  	_ =	shalt  }
0x5d: {  	_ =	shalt  }
0x5e: {  	_ =	shalt  }
0x5f: {  	_ =	shalt  }
0x60: {  	_ =	shalt  }
0x61: {  	_ =	shalt  }
0x62: {  	_ =	shalt  }
0x63: {  	_ =	shalt  }
0x64: {  	_ =	shalt  }
0x65: {  	_ =	shalt  }
0x66: {  	_ =	shalt  }
0x67: {  	_ =	shalt  }
0x68: {  	_ =	shalt  }
0x69: {  	_ =	shalt  }
0x6a: {  	_ =	shalt  }
0x6b: {  	_ =	shalt  }
0x6c: {  	_ =	shalt  }
0x6d: {  	_ =	shalt  }
0x6e: {  	_ =	shalt  }
0x6f: {  	_ =	shalt  }
0x70: {  	_ =	shalt  }
0x71: {  	_ =	shalt  }
0x72: {  	_ =	shalt  }
0x73: {  	_ =	shalt  }
0x74: {  	_ =	shalt  }
0x75: {  	_ =	shalt  }
0x76: {  	_ =	shalt  }
0x77: {  	_ =	shalt  }
0x78: {  	_ =	shalt  }
0x79: {  	_ =	shalt  }
0x7a: {  	_ =	shalt  }
0x7b: {  	_ =	shalt  }
0x7c: {  	_ =	shalt  }
0x7d: {  	_ =	shalt  }
0x7e: {  	_ =	shalt  }
0x7f: {  	_ =	shalt  }
0x80: {  	_ =	shalt  }
0x81: {  	_ =	shalt  }
0x82: {  	_ =	shalt  }
0x83: {  	_ =	shalt  }
0x84: {  	_ =	shalt  }
0x85: {  	_ =	shalt  }
0x86: {  	_ =	shalt  }
0x87: {  	_ =	shalt  }
.Lfunc_end0:
.L_simem_size_0:
called_computation.1_lowered:
.L_overlay_start_0:
0x88: {  	s2 =	sld [smem:$0x3FD9]  }
0x89: {  	s3 =	sld [smem:$0x3FFE];
	_ =	sdelay $0x1  }
0x8a: {  	s1 =	srdreg.scid  }
0x8b: {  	s0 =	sand.u32 $0x1, s1  }
0x8c: {  	s16 =	sshll.u32 s0, $0xA;
	s2 =	sadd.s32 s3, s2  }
0x8d: {  	s2 =	sadd.s32 s2, s16  }
0x8e: {  	[smem:$0x3FBB] =	sst s2  }
0x8f: {  	_ = 	snop  }
0x90: {  	(tm) =	ssettm $0x1  }
0x91: {  	s17 =	sld [smem:$0x3FFB];
	_ =	sdelay $0x3  }
0x92: {  	_ =	strace s17  }
0x93: {  	s2 =	sld [smem:$0x3FFC];
	_ =	sdelay $0x3  }
0x94: {  	_ =	strace s2  }
0x95: {  	s2 =	sld [smem:$0x3FFD];
	_ =	sdelay $0x3  }
0x96: {  	_ =	strace s2  }
0x97: {  	_ =	strace $0x8FFFFFFF  }
0x98: {  	s18 =	sld [smem:$0x3FDB];
	_ =	sdelay $0x1  }
0x99: {  	s19 =	simm.s32 $_scs_section_size  }
0x9a: {  	s4 =	simm.s32 $_size__tile_overlayer_lowered;
	s5 =	simm.s32 $_tile_overlayer_lowered  }
0x9b: {  	s22 =	simm.s32 $0x1BFF;
	s21 =	sshll.u32 s5, $0x1;
	s2 =	sadd.s32 s19, s18  }
0x9c: {  	s6 =	simm.s32 $0x0;
	s20 =	sshll.u32 s4, $0x1;
	s4 =	sadd.s32 s21, s2  }
0x9d: {  	[timem:s6], [sflag:s22] =	dma.local [hbm:s4], s20  }
0x9e: {  	_ =	swait.ge [sflag:s22], s20  }
0x9f: {  	s3 =	ssub.s32 $0x0, s20;
	[sflag:s22] =	ssyncset.done $0x0  }
0xa0: {  	[sflag:s22] =	ssyncadd.s32 s3;
	_ =	sdelay $0x1  }
0xa1: {  	s23 =	simm.s32 $0x1B8B  }
0xa2: {  	_ =	swait.ge [sflag:s23], $0x1  }
0xa3: {  	[sflag:s23] =	ssyncset.done $0x0  }
0xa4: {  	s25 =	simm.s32 $0x1B8E;
	s24 =	sld [smem:$0x3FFE];
	[sflag:s23] =	ssyncadd.s32 $0xFFFFFFFF  }
0xa5: {  	s26 =	simm.s32 $execute0_lowered;
	[smem:$0x3FD2] =	sst s25  }
0xa6: {  	s4 =	sshll.u32 s26, $0x1;
	_ =	strace $0x80000049;
	[dreg:$0x1] =	wrdreg $0xFFFFFFFF  }
0xa7: {  	s28 =	simm.s32 $_size_execute0_lowered;
	s2 =	sadd.s32 s2, s4;
	[dreg:$0x0] =	wrdreg $0x0  }
0xa8: {  	s4 =	sshll.u32 s28, $0x1;
	[dreg:$0x2] =	wrdreg s2  }
0xa9: {  	[dreg:$0x3] =	wrdreg s4  }
0xaa: {  	[dreg:$0x4] =	wrdreg $0xC0  }
0xab: {  	_ =	task [dreg:s6], $0x5FFFF  }
0xac: {  	[dreg:$0x1] =	wrdreg $0xFFFFFFFF  }
0xad: {  	[dreg:$0x0] =	wrdreg $0x60  }
0xae: {  	[dreg:$0x2] =	wrdreg s24  }
0xaf: {  	[dreg:$0x3] =	wrdreg $0xDF000  }
0xb0: {  	[dreg:$0x4] =	wrdreg $0x9  }
0xb1: {  	_ =	task.clear_ibuf [dreg:s6], $0x5FFFF;
	_ =	strace $0x90000049  }
0xb2: {  	s29 =	simm.s32 $0x9;
	_ =	strace $0x8000004B  }
0xb3: {  	_ =	swait.ge [sflag:s29], $0x1  }
0xb4: {  	[sflag:s29] =	ssyncadd.s32 $0xFFFFFFFF  }
0xb5: {  	_ =	strace $0x9000004B  }
0xb6: {  	_ =	sfence  }
0xb7: {  	s30 =	sld [smem:$0x0];
	_ =	sdelay $0x2  }
0xb8: {  	s31 =	sshll.u32 s1, $0xD;
	s1 =	sshrl.u32 s1, $0x2  }
0xb9: {  	s3 =	sand.u32 $0x4000, s31;
	s1 =	sadd.s32 s1, s30  }
0xba: {  	s0 =	sor.u32 s3, s0;
	s1 =	sshll.u32 s1, $0x11  }
0xbb: {  	s0 =	sor.u32 s1, s0  }
0xbc: {  	s0 =	sadd.s32 $0x8F2B, s0  }
0xbd: {  	[sflag:s0] =	ssyncadd.remote.s32 $0x1  }
0xbe: {  	_ =	sfence.sel $0xFFFF  }
0xbf: {  	[dreg:$0x0] =	wrdreg $0xFFFFFFFF;
	(pc) =	sbr.abs _section_cstart, $3  }
0xc0: {  	[dreg:$0x1] =	wrdreg $0xFFFFFFFF  }
0xc1: {  	_ =	task.clear_ibuf [dreg:s6], $0x2FFFF;
	_ =	strace $0x9FFFFFFF  }
0xc2: {  	(tm) =	ssettm $0x7FFFFFFF  }
0xc3: {  	_ =	shalt  }
tec
execute0_lowered:
.L_overlay_start_1:
0x0: {  	(tag) =	ssettag $0x1  }
0x1: {  	s10 =	stileid.u32  }
0x2: {  	s0 =	srdreg.scid;
	s5 =	smul.u32 $0xA10, s10  }
0x3: {  	s4 =	rddreg [dreg:$0x0];
	s6 =	smul.u32 $0xA00, s10  }
0x4: {  	s2 =	rddreg [dreg:$0x1];
	s7 =	smul.u32 $0x280, s10  }
0x5: {  	s3 =	simm.s32 $0x0;
	s0 =	sand.u32 $0x1, s0;
	s19 =	smul.u32 $0x28000, s10  }
0x6: {  	s30 =	simm.s32 $0xA080;
	s31 =	simm.s32 $0x3;
	s1 =	smul.u32 $0x14000, s0  }
0x7: {  	[smem:$0x7FF] =	sst s3;
	s20 =	sadd.s32 $0x2A400, s4;
	s8 =	smul.u32 $0x2800, s0  }
0x8: {  	_ =	strace $0x8000004A;
	[dreg:$0x3] =	wrdreg s20;
	s0 =	ssub.s32 $0x2, s0  }
0x9: {  	s9 =	sadd.s32 s5, s4;
	s6 =	sadd.s32 s6, s4;
	s21 =	sshrl.u32 s0, $0x1  }
0xa: {  	s1 =	sadd.s32 s1, s4;
	s18 =	sadd.s32 s8, s7;
	s22 =	sadd.s32 $0x2C800, s9  }
0xb: {  	s7 =	sshrl.u32 s19, $0x2;
	s6 =	sadd.s32 $0x36A00, s6;
	[dreg:$0x4] =	wrdreg s22  }
0xc: {  	s0 =	ssub.s32 s0, s21;
	s5 =	sshll.u32 s18, $0x3;
	[dreg:$0x5] =	wrdreg s6  }
0xd: {  	s8 =	sadd.s32 $0x90A00, s1;
	s0 =	smax.u32 s0, $0x1;
	s1 =	simm.s32 $0xBFC0  }
0xe: {  	s6 =	simm.s32 $0x2;
	s4 =	sadd.s32 s5, s4;
	s5 =	sadd.s32 s7, s2  }
0xf: {  	[dreg:$0x6] =	wrdreg s0;
	s0 =	simm.s32 $0x7D;
	s7 =	simm.s32 $0x0  }
0x10: {  	s10 =	sadd.s32 $0x1000, s5;
	s11 =	sadd.s32 $0x2000, s5;
	s12 =	sadd.s32 $0x3000, s5  }
0x11: {  	s13 =	sadd.s32 $0x4000, s5;
	s14 =	sadd.s32 $0x5000, s5;
	s15 =	sadd.s32 $0x6000, s5  }
0x12: {  	s23 =	sadd.s32 $0x40A00, s4;
	s24 =	sadd.s32 $0x40C00, s4;
	s25 =	sadd.s32 $0x40E00, s4  }
0x13: {  	s26 =	sadd.s32 $0x41000, s4;
	s20 =	sadd.s32 $0x41200, s4;
	[dreg:$0x7] =	wrdreg s23  }
0x14: {  	s21 =	sadd.s32 $0x41400, s4;
	s22 =	sadd.s32 $0x41600, s4;
	[dreg:$0x8] =	wrdreg s24  }
0x15: {  	s28 =	sadd.s32 $0x8000, s5;
	s29 =	sadd.s32 $0x9000, s5;
	[dreg:$0x9] =	wrdreg s25  }
0x16: {  	[dreg:$0xa] =	wrdreg s26;
	s23 =	sadd.s32 $0x41800, s4;
	s24 =	sadd.s32 $0x41A00, s4  }
0x17: {  	s25 =	sadd.s32 $0x41C00, s4;
	s26 =	sadd.s32 $0x7000, s5;
	s4 =	simm.s32 $0x1  }
.LBB2_1:
0x18: {  	s9 =	rddreg [dreg:$0x3]  }
0x19: {  	[tilespmem:s30], [sflag:$0x3] =	stream.linear.gather [hbm4b:s9+s3], $0x1000, $0x38;
	[tilespmem:$0x17F00] =	vst v63  }
0x1a: {  	_ =	swait.ge [sflag:s31], $0x1000  }
0x1b: {  	[sflag:s31] =	ssyncset.done $0x0  }
0x1c: {  	[sflag:s31] =	ssyncadd.s32 $0xFFFFF000  }
0x1d: {  	[spmem:s5] =	stream.linear.scatter [tilespmem:s30], [sflag:$0x3], $0x1000, $0x38;
	[tilespmem:$0x17F00] =	vst v63  }
0x1e: {  	_ =	swait.ge [sflag:s31], $0x1000  }
0x1f: {  	[sflag:s31] =	ssyncset.done $0x0  }
0x20: {  	[sflag:s31] =	ssyncadd.s32 $0xFFFFF000  }
0x21: {  	[spmem:s10] =	stream.linear.scatter [tilespmem:s30], [sflag:$0x3], $0x1000, $0x38;
	[tilespmem:$0x17F00] =	vst v63  }
0x22: {  	_ =	swait.ge [sflag:s31], $0x1000  }
0x23: {  	[sflag:s31] =	ssyncset.done $0x0  }
0x24: {  	[sflag:s31] =	ssyncadd.s32 $0xFFFFF000  }
0x25: {  	[spmem:s11] =	stream.linear.scatter [tilespmem:s30], [sflag:$0x3], $0x1000, $0x38;
	[tilespmem:$0x17F00] =	vst v63  }
0x26: {  	_ =	swait.ge [sflag:s31], $0x1000  }
0x27: {  	[sflag:s31] =	ssyncset.done $0x0  }
0x28: {  	[sflag:s31] =	ssyncadd.s32 $0xFFFFF000  }
0x29: {  	[spmem:s12] =	stream.linear.scatter [tilespmem:s30], [sflag:$0x3], $0x1000, $0x38;
	[tilespmem:$0x17F00] =	vst v63  }
0x2a: {  	_ =	swait.ge [sflag:s31], $0x1000  }
0x2b: {  	[sflag:s31] =	ssyncset.done $0x0  }
0x2c: {  	[sflag:s31] =	ssyncadd.s32 $0xFFFFF000  }
0x2d: {  	[spmem:s13] =	stream.linear.scatter [tilespmem:s30], [sflag:$0x3], $0x1000, $0x38;
	[tilespmem:$0x17F00] =	vst v63  }
0x2e: {  	_ =	swait.ge [sflag:s31], $0x1000  }
0x2f: {  	[sflag:s31] =	ssyncset.done $0x0  }
0x30: {  	[sflag:s31] =	ssyncadd.s32 $0xFFFFF000  }
0x31: {  	[spmem:s14] =	stream.linear.scatter [tilespmem:s30], [sflag:$0x3], $0x1000, $0x38;
	[tilespmem:$0x17F00] =	vst v63  }
0x32: {  	_ =	swait.ge [sflag:s31], $0x1000  }
0x33: {  	[sflag:s31] =	ssyncset.done $0x0  }
0x34: {  	[sflag:s31] =	ssyncadd.s32 $0xFFFFF000  }
0x35: {  	[spmem:s15] =	stream.linear.scatter [tilespmem:s30], [sflag:$0x3], $0x1000, $0x38;
	[tilespmem:$0x17F00] =	vst v63  }
0x36: {  	_ =	swait.ge [sflag:s31], $0x1000  }
0x37: {  	[sflag:s31] =	ssyncset.done $0x0  }
0x38: {  	[sflag:s31] =	ssyncadd.s32 $0xFFFFF000  }
0x39: {  	[spmem:s26] =	stream.linear.scatter [tilespmem:s30], [sflag:$0x3], $0x1000, $0x38;
	[tilespmem:$0x17F00] =	vst v63  }
0x3a: {  	_ =	swait.ge [sflag:s31], $0x1000  }
0x3b: {  	[sflag:s31] =	ssyncset.done $0x0  }
0x3c: {  	[sflag:s31] =	ssyncadd.s32 $0xFFFFF000  }
0x3d: {  	[spmem:s28] =	stream.linear.scatter [tilespmem:s30], [sflag:$0x3], $0x1000, $0x38;
	[tilespmem:$0x17F00] =	vst v63  }
0x3e: {  	_ =	swait.ge [sflag:s31], $0x1000  }
0x3f: {  	[sflag:s31] =	ssyncset.done $0x0  }
0x40: {  	[sflag:s31] =	ssyncadd.s32 $0xFFFFF000  }
0x41: {  	[spmem:s29] =	stream.linear.scatter [tilespmem:s30], [sflag:$0x3], $0x1000, $0x38;
	[tilespmem:$0x17F00] =	vst v63  }
0x42: {  	_ =	swait.ge [sflag:s31], $0x1000  }
0x43: {  	[sflag:s31] =	ssyncset.done $0x0  }
0x44: {  	s18 =	rddreg [dreg:$0x4];
	[sflag:s31] =	ssyncadd.s32 $0xFFFFF000  }
0x45: {  	[tilespmem:s3], [sflag:$0x3] =	stream.linear.gather [hbm4b:s18+s3], $0x5080, $0x38;
	[tilespmem:$0x17F00] =	vst v63  }
0x46: {  	_ =	swait.ge [sflag:s31], $0x5080  }
0x47: {  	[sflag:s31] =	ssyncset.done $0x0  }
0x48: {  	s16 =	simm.s32 $0x5080;
	s19 =	rddreg [dreg:$0x5];
	[sflag:s31] =	ssyncadd.s32 $0xFFFFAF80  }
0x49: {  	[tilespmem:s16], [sflag:$0x3] =	stream.linear.gather [hbm4b:s19+s3], $0x5000, $0x38;
	[tilespmem:$0x17F00] =	vst v63  }
0x4a: {  	_ =	swait.ge [sflag:s31], $0x5000  }
0x4b: {  	[sflag:s31] =	ssyncset.done $0x0  }
0x4c: {  	[sflag:s31] =	ssyncadd.s32 $0xFFFFB000  }
0x4d: {  	[bflag:$0x0] =	sbarrier.arrive $0xFFFF  }
0x4e: {  	[tilespmem:s30], [sflag:$0x1] =	stream.indirect.gather [hbm4b:s8+s0], $0x40, s3, s0, $0xb8;
	[tilespmem:$0x17F00] =	vst v63  }
0x4f: {  	s16 =	simm.s32 $0x80  }
0x50: {  	[tilespmem:s1], [sflag:$0x2] =	stream.indirect.gather [hbm4b:s8+s0], $0x40, s16, s0, $0xb8;
	[tilespmem:$0x17F00] =	vst v63  }
0x51: {  	_ =	swait.ge [sflag:s4], $0x1F40  }
0x52: {  	[sflag:s4] =	ssyncset.done $0x0  }
0x53: {  	s17 =	simm.s32 $0x5080;
	[sflag:s4] =	ssyncadd.s32 $0xFFFFE0C0  }
0x54: {  	[spmem:s2] =	stream.indirect.scatter.add.f32 [tilespmem:s30], [sflag:$0x3], $0x40, s17, s0, $0xb8;
	[tilespmem:$0x17F00] =	vst v63  }
0x55: {  	_ =	swait.ge [sflag:s31], $0x1F40  }
0x56: {  	[sflag:s31] =	ssyncset.done $0x0  }
0x57: {  	s18 =	simm.s32 $0x100;
	[sflag:s31] =	ssyncadd.s32 $0xFFFFE0C0  }
0x58: {  	[tilespmem:s30], [sflag:$0x1] =	stream.indirect.gather [hbm4b:s8+s0], $0x40, s18, s0, $0xb8;
	[tilespmem:$0x17F00] =	vst v63  }
0x59: {  	_ =	swait.ge [sflag:s6], $0x1F40  }
0x5a: {  	[sflag:s6] =	ssyncset.done $0x0  }
0x5b: {  	s19 =	simm.s32 $0x5100;
	[sflag:s6] =	ssyncadd.s32 $0xFFFFE0C0  }
0x5c: {  	[spmem:s2] =	stream.indirect.scatter.add.f32 [tilespmem:s1], [sflag:$0x3], $0x40, s19, s0, $0xb8;
	[tilespmem:$0x17F00] =	vst v63  }
0x5d: {  	_ =	swait.ge [sflag:s31], $0x1F40  }
0x5e: {  	s9 =	simm.s32 $0x100;
	s16 =	simm.s32 $0x800;
	[sflag:s31] =	ssyncset.done $0x0  }
.LBB2_2:
0x5f: {  	s17 =	sadd.s32 $0x80, s9  }
0x60: {  	[sflag:s31] =	ssyncadd.s32 $0xFFFFE0C0;
	s18 =	smov.u32 s16;
	s19 =	sadd.s32 $0x400, s16  }
0x61: {  	[tilespmem:s1], [sflag:$0x2] =	stream.indirect.gather [hbm4b:s8+s0], $0x40, s17, s0, $0xb8;
	[tilespmem:$0x17F00] =	vst v63  }
0x62: {  	p0 =	sne.s32 s16, $0x13C00;
	_ =	swait.ge [sflag:s4], $0x1F40  }
0x63: {  	[sflag:s4] =	ssyncset.done $0x0  }
0x64: {  	s16 =	sadd.s32 $0x5080, s9;
	[sflag:s4] =	ssyncadd.s32 $0xFFFFE0C0  }
0x65: {  	[spmem:s2] =	stream.indirect.scatter.add.f32 [tilespmem:s30], [sflag:$0x3], $0x40, s16, s0, $0xb8;
	[tilespmem:$0x17F00] =	vst v63  }
0x66: {  	_ =	swait.ge [sflag:s31], $0x1F40  }
0x67: {  	[sflag:s31] =	ssyncset.done $0x0  }
0x68: {  	s16 =	sadd.s32 $0x100, s9;
	[sflag:s31] =	ssyncadd.s32 $0xFFFFE0C0  }
0x69: {  	[tilespmem:s30], [sflag:$0x1] =	stream.indirect.gather [hbm4b:s8+s0], $0x40, s16, s0, $0xb8;
	[tilespmem:$0x17F00] =	vst v63  }
0x6a: {  	_ =	swait.ge [sflag:s6], $0x1F40  }
.Ltmp0:
0x6b: {  	[sflag:s6] =	ssyncset.done $0x0;
	(pc) =	sbr.rel @p0 .LBB2_2-.Ltmp0, $4  }
0x6c: {  	s9 =	sadd.s32 $0x5100, s9;
	[sflag:s6] =	ssyncadd.s32 $0xFFFFE0C0  }
0x6d: {  	[spmem:s2] =	stream.indirect.scatter.add.f32 [tilespmem:s1], [sflag:$0x3], $0x40, s9, s0, $0xb8;
	[tilespmem:$0x17F00] =	vst v63  }
0x6e: {  	_ =	swait.ge [sflag:s31], $0x1F40  }
0x6f: {  	s16 =	smov.u32 s19;
	s9 =	sshra.s32 s18, $0x2;
	[sflag:s31] =	ssyncset.done $0x0  }
0x70: {  	s16 =	sadd.s32 $0x80, s9;
	[sflag:s31] =	ssyncadd.s32 $0xFFFFE0C0  }
0x71: {  	[tilespmem:s1], [sflag:$0x2] =	stream.indirect.gather [hbm4b:s8+s0], $0x40, s16, s0, $0xb8;
	[tilespmem:$0x17F00] =	vst v63  }
0x72: {  	_ =	swait.ge [sflag:s4], $0x1F40  }
0x73: {  	[sflag:s4] =	ssyncset.done $0x0  }
0x74: {  	s19 =	sadd.s32 $0x5080, s9;
	[sflag:s4] =	ssyncadd.s32 $0xFFFFE0C0  }
0x75: {  	[spmem:s2] =	stream.indirect.scatter.add.f32 [tilespmem:s30], [sflag:$0x3], $0x40, s19, s0, $0xb8;
	[tilespmem:$0x17F00] =	vst v63  }
0x76: {  	_ =	swait.ge [sflag:s31], $0x1F40  }
0x77: {  	[sflag:s31] =	ssyncset.done $0x0  }
0x78: {  	s17 =	sadd.s32 $0x100, s9;
	[sflag:s31] =	ssyncadd.s32 $0xFFFFE0C0  }
0x79: {  	[tilespmem:s30], [sflag:$0x1] =	stream.indirect.gather [hbm4b:s8+s0], $0x40, s17, s0, $0xb8;
	[tilespmem:$0x17F00] =	vst v63  }
0x7a: {  	_ =	swait.ge [sflag:s6], $0x1F40  }
0x7b: {  	[sflag:s6] =	ssyncset.done $0x0  }
0x7c: {  	s18 =	sadd.s32 $0x5100, s9;
	[sflag:s6] =	ssyncadd.s32 $0xFFFFE0C0  }
0x7d: {  	[spmem:s2] =	stream.indirect.scatter.add.f32 [tilespmem:s1], [sflag:$0x3], $0x40, s18, s0, $0xb8;
	[tilespmem:$0x17F00] =	vst v63  }
0x7e: {  	_ =	swait.ge [sflag:s31], $0x1F40  }
0x7f: {  	[sflag:s31] =	ssyncset.done $0x0  }
0x80: {  	[sflag:s31] =	ssyncadd.s32 $0xFFFFE0C0  }
0x81: {  	_ =	swait.ge [sflag:s4], $0x1F40  }
0x82: {  	[sflag:s4] =	ssyncset.done $0x0  }
0x83: {  	[sflag:s4] =	ssyncadd.s32 $0xFFFFE0C0  }
0x84: {  	[bflag:$0x0] =	sbarrier.arrive $0xFFFF  }
0x85: {  	[tilespmem:s30], [sflag:$0x3] =	stream.linear.gather [spmem:s5], $0x1000, $0x38;
	[tilespmem:$0x17F00] =	vst v63  }
0x86: {  	_ =	swait.ge [sflag:s31], $0x1000  }
0x87: {  	[sflag:s31] =	ssyncset.done $0x0  }
0x88: {  	s19 =	rddreg [dreg:$0x7];
	[sflag:s31] =	ssyncadd.s32 $0xFFFFF000  }
0x89: {  	[hbm4b:s19+s3] =	stream.linear.scatter [tilespmem:s30], [sflag:$0x3], $0x1000, $0x38;
	[tilespmem:$0x17F00] =	vst v63  }
0x8a: {  	_ =	swait.ge [sflag:s31], $0x1000  }
0x8b: {  	[sflag:s31] =	ssyncset.done $0x0  }
0x8c: {  	[sflag:s31] =	ssyncadd.s32 $0xFFFFF000  }
0x8d: {  	[tilespmem:s30], [sflag:$0x3] =	stream.linear.gather [spmem:s10], $0x1000, $0x38;
	[tilespmem:$0x17F00] =	vst v63  }
0x8e: {  	_ =	swait.ge [sflag:s31], $0x1000  }
0x8f: {  	[sflag:s31] =	ssyncset.done $0x0  }
0x90: {  	s16 =	rddreg [dreg:$0x8];
	[sflag:s31] =	ssyncadd.s32 $0xFFFFF000  }
0x91: {  	[hbm4b:s16+s3] =	stream.linear.scatter [tilespmem:s30], [sflag:$0x3], $0x1000, $0x38;
	[tilespmem:$0x17F00] =	vst v63  }
0x92: {  	_ =	swait.ge [sflag:s31], $0x1000  }
0x93: {  	[sflag:s31] =	ssyncset.done $0x0  }
0x94: {  	[sflag:s31] =	ssyncadd.s32 $0xFFFFF000  }
0x95: {  	[tilespmem:s30], [sflag:$0x3] =	stream.linear.gather [spmem:s11], $0x1000, $0x38;
	[tilespmem:$0x17F00] =	vst v63  }
0x96: {  	_ =	swait.ge [sflag:s31], $0x1000  }
0x97: {  	[sflag:s31] =	ssyncset.done $0x0  }
0x98: {  	s17 =	rddreg [dreg:$0x9];
	[sflag:s31] =	ssyncadd.s32 $0xFFFFF000  }
0x99: {  	[hbm4b:s17+s3] =	stream.linear.scatter [tilespmem:s30], [sflag:$0x3], $0x1000, $0x38;
	[tilespmem:$0x17F00] =	vst v63  }
0x9a: {  	_ =	swait.ge [sflag:s31], $0x1000  }
0x9b: {  	[sflag:s31] =	ssyncset.done $0x0  }
0x9c: {  	[sflag:s31] =	ssyncadd.s32 $0xFFFFF000  }
0x9d: {  	[tilespmem:s30], [sflag:$0x3] =	stream.linear.gather [spmem:s12], $0x1000, $0x38;
	[tilespmem:$0x17F00] =	vst v63  }
0x9e: {  	_ =	swait.ge [sflag:s31], $0x1000  }
0x9f: {  	[sflag:s31] =	ssyncset.done $0x0  }
0xa0: {  	s18 =	rddreg [dreg:$0xa];
	[sflag:s31] =	ssyncadd.s32 $0xFFFFF000  }
0xa1: {  	[hbm4b:s18+s3] =	stream.linear.scatter [tilespmem:s30], [sflag:$0x3], $0x1000, $0x38;
	[tilespmem:$0x17F00] =	vst v63  }
0xa2: {  	_ =	swait.ge [sflag:s31], $0x1000  }
0xa3: {  	[sflag:s31] =	ssyncset.done $0x0  }
0xa4: {  	[sflag:s31] =	ssyncadd.s32 $0xFFFFF000  }
0xa5: {  	[tilespmem:s30], [sflag:$0x3] =	stream.linear.gather [spmem:s13], $0x1000, $0x38;
	[tilespmem:$0x17F00] =	vst v63  }
0xa6: {  	_ =	swait.ge [sflag:s31], $0x1000  }
0xa7: {  	[sflag:s31] =	ssyncset.done $0x0  }
0xa8: {  	[sflag:s31] =	ssyncadd.s32 $0xFFFFF000  }
0xa9: {  	[hbm4b:s20+s3] =	stream.linear.scatter [tilespmem:s30], [sflag:$0x3], $0x1000, $0x38;
	[tilespmem:$0x17F00] =	vst v63  }
0xaa: {  	_ =	swait.ge [sflag:s31], $0x1000  }
0xab: {  	[sflag:s31] =	ssyncset.done $0x0  }
0xac: {  	[sflag:s31] =	ssyncadd.s32 $0xFFFFF000  }
0xad: {  	[tilespmem:s30], [sflag:$0x3] =	stream.linear.gather [spmem:s14], $0x1000, $0x38;
	[tilespmem:$0x17F00] =	vst v63  }
0xae: {  	_ =	swait.ge [sflag:s31], $0x1000  }
0xaf: {  	[sflag:s31] =	ssyncset.done $0x0  }
0xb0: {  	[sflag:s31] =	ssyncadd.s32 $0xFFFFF000  }
0xb1: {  	[hbm4b:s21+s3] =	stream.linear.scatter [tilespmem:s30], [sflag:$0x3], $0x1000, $0x38;
	[tilespmem:$0x17F00] =	vst v63  }
0xb2: {  	_ =	swait.ge [sflag:s31], $0x1000  }
0xb3: {  	[sflag:s31] =	ssyncset.done $0x0  }
0xb4: {  	[sflag:s31] =	ssyncadd.s32 $0xFFFFF000  }
0xb5: {  	[tilespmem:s30], [sflag:$0x3] =	stream.linear.gather [spmem:s15], $0x1000, $0x38;
	[tilespmem:$0x17F00] =	vst v63  }
0xb6: {  	_ =	swait.ge [sflag:s31], $0x1000  }
0xb7: {  	[sflag:s31] =	ssyncset.done $0x0  }
0xb8: {  	[sflag:s31] =	ssyncadd.s32 $0xFFFFF000  }
0xb9: {  	[hbm4b:s22+s3] =	stream.linear.scatter [tilespmem:s30], [sflag:$0x3], $0x1000, $0x38;
	[tilespmem:$0x17F00] =	vst v63  }
0xba: {  	_ =	swait.ge [sflag:s31], $0x1000  }
0xbb: {  	[sflag:s31] =	ssyncset.done $0x0  }
0xbc: {  	[sflag:s31] =	ssyncadd.s32 $0xFFFFF000  }
0xbd: {  	[tilespmem:s30], [sflag:$0x3] =	stream.linear.gather [spmem:s26], $0x1000, $0x38;
	[tilespmem:$0x17F00] =	vst v63  }
0xbe: {  	_ =	swait.ge [sflag:s31], $0x1000  }
0xbf: {  	[sflag:s31] =	ssyncset.done $0x0  }
0xc0: {  	[sflag:s31] =	ssyncadd.s32 $0xFFFFF000  }
0xc1: {  	[hbm4b:s23+s3] =	stream.linear.scatter [tilespmem:s30], [sflag:$0x3], $0x1000, $0x38;
	[tilespmem:$0x17F00] =	vst v63  }
0xc2: {  	_ =	swait.ge [sflag:s31], $0x1000  }
0xc3: {  	[sflag:s31] =	ssyncset.done $0x0  }
0xc4: {  	[sflag:s31] =	ssyncadd.s32 $0xFFFFF000  }
0xc5: {  	[tilespmem:s30], [sflag:$0x3] =	stream.linear.gather [spmem:s28], $0x1000, $0x38;
	[tilespmem:$0x17F00] =	vst v63  }
0xc6: {  	_ =	swait.ge [sflag:s31], $0x1000  }
0xc7: {  	[sflag:s31] =	ssyncset.done $0x0  }
0xc8: {  	[sflag:s31] =	ssyncadd.s32 $0xFFFFF000  }
0xc9: {  	[hbm4b:s24+s3] =	stream.linear.scatter [tilespmem:s30], [sflag:$0x3], $0x1000, $0x38;
	[tilespmem:$0x17F00] =	vst v63  }
0xca: {  	_ =	swait.ge [sflag:s31], $0x1000  }
0xcb: {  	[sflag:s31] =	ssyncset.done $0x0  }
0xcc: {  	[sflag:s31] =	ssyncadd.s32 $0xFFFFF000  }
0xcd: {  	[tilespmem:s30], [sflag:$0x3] =	stream.linear.gather [spmem:s29], $0x1000, $0x38;
	[tilespmem:$0x17F00] =	vst v63  }
0xce: {  	_ =	swait.ge [sflag:s31], $0x1000  }
0xcf: {  	[sflag:s31] =	ssyncset.done $0x0  }
0xd0: {  	[sflag:s31] =	ssyncadd.s32 $0xFFFFF000  }
0xd1: {  	[hbm4b:s25+s3] =	stream.linear.scatter [tilespmem:s30], [sflag:$0x3], $0x1000, $0x38;
	[tilespmem:$0x17F00] =	vst v63  }
0xd2: {  	_ =	swait.ge [sflag:s31], $0x1000  }
0xd3: {  	s7 =	sadd.s32 $0x1, s7;
	s19 =	rddreg [dreg:$0x6]  }
0xd4: {  	p0 =	sne.s32 s7, s19  }
.Ltmp1:
0xd5: {  	_ = 	snop;
	(pc) =	sbr.rel @p0 .LBB2_1-.Ltmp1, $3  }
0xd6: {  	_ =	sdelay $0x1  }
0xd7: {  	[sflag:s31] =	ssyncset.done $0x0  }
0xd8: {  	[sflag:s31] =	ssyncadd.s32 $0xFFFFF000  }
0xd9: {  	_ =	sfence.sel $0x180000  }
0xda: {  	[bflag:$0x0] =	sbarrier.arrive $0xFFFF  }
0xdb: {  	_ =	strace $0x9000004A  }
0xdc: {  	s0 =	stileid.u32;
	[bflag:$0x2] =	sbarrier.arrive $0xFFFF  }
0xdd: {  	p0 =	sne.s32 s0, $0x0;
	s0 =	rddreg [dreg:$0x2]  }
0xde: {  	s0 =	sadd.s32 @!p0 $0x100000, s0  }
0xdf: {  	[sflag:s0] =	ssyncadd.tile.s32 @!p0 $0x1;
	_ =	shalt  }
.Lfunc_end2:
_tile_overlayer_lowered:
.L_overlay_start_2:
0xe0: {  	(tag) =	ssettag $0x2  }
0xe1: {  	s0 =	rddreg [dreg:$0x0];
	s2 =	stileid.u32  }
0xe2: {  	s1 =	rddreg [dreg:$0x1];
	p0 =	sne.s32 s2, $0x0  }
0xe3: {  	s3 =	rddreg [dreg:$0x2];
	[bflag:$0x3] =	sbarrier.arrive $0xFFFF;
	s2 =	simm.s32 @!p0 $0x1C03  }
0xe4: {  	[timem:s3], [sflag:s2] =	dma.local @!p0 [hbm:s0], s1  }
0xe5: {  	s0 =	simm.s32 @!p0 $0x3  }
0xe6: {  	_ =	swait.ge @!p0 [sflag:s0], s1  }
0xe7: {  	s1 =	ssub.s32 @!p0 $0x0, s1;
	[sflag:s0] =	ssyncset.done @!p0 $0x0  }
0xe8: {  	[sflag:s0] =	ssyncadd.s32 @!p0 s1  }
0xe9: {  	[bflag:$0x3] =	sbarrier.arrive $0xFFFF  }
0xea: {  	_ =	shalt  }

// kernel: _run.18.cloned.1.call-start
scs
__scs_entry_jumppad:
0x0: {  	(pc) =	sbr.rel $0x88, $3  }
0x1: {  	(tag) =	ssettag $0x0;
	lr =	simm.s32 $0x1  }
0x2: {  	[smem:$0x3F94] =	sst lr;
	_ =	strace $0xD0000000  }
0x3: {  	_ = 	snop  }
0x4: {  	_ = 	snop  }
0x5: {  	_ = 	snop  }
0x6: {  	_ = 	snop  }
0x7: {  	_ = 	snop  }
__scs_overlays_trampoline_lowered:
0x8: {  	[smem:$0x3FA3] =	sst s0  }
0x9: {  	[smem:$0x3FA4] =	sst s1  }
0xa: {  	[smem:$0x3FA5] =	sst s2  }
0xb: {  	[smem:$0x3FA6] =	sst s3  }
0xc: {  	[smem:$0x3FA7] =	sst s4  }
0xd: {  	[smem:$0x3FA8] =	sst s5  }
0xe: {  	[smem:$0x3FA9] =	sst s6  }
0xf: {  	[smem:$0x3FAA] =	sst s7  }
0x10: {  	[smem:$0x3FAB] =	sst s8  }
0x11: {  	[smem:$0x3FAC] =	sst s9;
	s0 =	simm.s32 @!p0 $0x0  }
0x12: {  	s1 =	sld [smem:$0x3F92];
	s0 =	simm.s32 @p0 $0x1  }
0x13: {  	[smem:$0x3FAD] =	sst s0;
	s0 =	simm.s32 @!p1 $0x0  }
0x14: {  	s2 =	sld [smem:$0x3F91];
	s0 =	simm.s32 @p1 $0x1  }
0x15: {  	[smem:$0x3FAE] =	sst s0;
	s0 =	simm.s32 @!p2 $0x0  }
0x16: {  	s3 =	sld [smem:$0x3FDB];
	s0 =	simm.s32 @p2 $0x1  }
0x17: {  	s4 =	simm.s32 $0x1BF5;
	[smem:$0x3FB0] =	sst s0  }
0x18: {  	s0 =	sld [smem:$0x3F93];
	_ =	swait.ge [sflag:s4], $0x0  }
0x19: {  	s7 =	sld [smem:$0x3F94]  }
0x1a: {  	s8 =	sadd.s32 $0xFFFFE003, lr  }
0x1b: {  	s9 =	sadd.s32 $0xFFFFFEF7, lr;
	s5 =	simm.s32 $0xFFFFFFFF;
	p2 =	slt.u32 s8, $0xFFFFF086  }
0x1c: {  	p1 =	slt.u32 s9, $0xF7A;
	s5 =	simm.s32 @!p2 $0x0  }
0x1d: {  	s5 =	simm.s32 @p1 $0x1;
	p0 =	seq.s32 s7, s2  }
0x1e: {  	s7 =	smul.u32 @!p0 $0xF7A, s2;
	p2 =	seq.s32 @!p0 s5, $0x0  }
0x1f: {  	s9 =	smul.u32 $0xF7A, s1;
	s8 =	simm.s32 @!p0 $0x1BF5;
	p2 =	por !p2, p0  }
0x20: {  	[sflag:s8] =	ssyncset.s32 @!p0 $0xFFFFF086;
	s6 =	sadd.s32 @!p0 s3, s7;
	s7 =	simm.s32 @!p0 $0x108  }
0x21: {  	s3 =	sadd.s32 s3, s9;
	s6 =	sadd.s32 @!p0 $0x88, s6;
	s7 =	simm.s32 @p2 $0x1082  }
0x22: {  	[simem:s7], [sflag:s8] =	dma.local @!p0 [hbm:s6], $0xF7A  }
0x23: {  	s9 =	sor.u32 $0xD0000000, s2;
	s6 =	simm.s32 $0x108;
	_ =	swait.ge @!p0 [sflag:s8], $0x0  }
0x24: {  	s3 =	sadd.s32 $0x88, s3;
	s6 =	simm.s32 @!p1 $0x1082;
	[sflag:s4] =	ssyncset.s32 $0xFFFFF086  }
0x25: {  	[simem:s6], [sflag:s4] =	dma.local [hbm:s3], $0xF7A  }
0x26: {  	[smem:$0x3F94] =	sst s1;
	(tag) =	ssettag s2;
	_ =	strace s9  }
0x27: {  	s1 =	sld [smem:$0x3FA4]  }
0x28: {  	s2 =	sld [smem:$0x3FA5]  }
0x29: {  	s4 =	sld [smem:$0x3FA7]  }
0x2a: {  	p0 =	seq.s32 s5, $0x0;
	s5 =	sld [smem:$0x3FA8]  }
0x2b: {  	s6 =	sld [smem:$0x3FA9]  }
0x2c: {  	s7 =	sld [smem:$0x3FAA]  }
0x2d: {  	s3 =	simm.s32 $0x108;
	s8 =	sld [smem:$0x3FAB]  }
0x2e: {  	s3 =	simm.s32 @!p0 $0x1082;
	s9 =	sld [smem:$0x3FAC]  }
0x2f: {  	lr =	sadd.s32 s0, s3;
	s0 =	sld [smem:$0x3FA3]  }
0x30: {  	s3 =	sld [smem:$0x3FA6]  }
0x31: {  	[smem:$0x3FAF] =	sst s10  }
0x32: {  	s10 =	sld [smem:$0x3FAD];
	_ =	sdelay $0x3  }
0x33: {  	p0 =	seq.s32 s10, $0x1;
	s10 =	sld [smem:$0x3FAF];
	_ =	sdelay $0x3  }
0x34: {  	[smem:$0x3FAF] =	sst s10  }
0x35: {  	s10 =	sld [smem:$0x3FAE];
	_ =	sdelay $0x3  }
0x36: {  	p1 =	seq.s32 s10, $0x1;
	s10 =	sld [smem:$0x3FAF];
	_ =	sdelay $0x3  }
0x37: {  	[smem:$0x3FAF] =	sst s10  }
0x38: {  	s10 =	sld [smem:$0x3FB0]  }
0x39: {  	_ = 	snop;
	(pc) =	sbr.ind lr, $3  }
0x3a: {  	_ = 	snop  }
0x3b: {  	_ = 	snop  }
0x3c: {  	p2 =	seq.s32 s10, $0x1;
	s10 =	sld [smem:$0x3FAF]  }
0x3d: {  	_ =	shalt  }
0x3e: {  	_ =	shalt  }
0x3f: {  	_ =	shalt  }
0x40: {  	_ =	shalt  }
0x41: {  	_ =	shalt  }
0x42: {  	_ =	shalt  }
0x43: {  	_ =	shalt  }
0x44: {  	_ =	shalt  }
0x45: {  	_ =	shalt  }
0x46: {  	_ =	shalt  }
0x47: {  	_ =	shalt  }
0x48: {  	_ =	shalt  }
0x49: {  	_ =	shalt  }
0x4a: {  	_ =	shalt  }
0x4b: {  	_ =	shalt  }
0x4c: {  	_ =	shalt  }
0x4d: {  	_ =	shalt  }
0x4e: {  	_ =	shalt  }
0x4f: {  	_ =	shalt  }
0x50: {  	_ =	shalt  }
0x51: {  	_ =	shalt  }
0x52: {  	_ =	shalt  }
0x53: {  	_ =	shalt  }
0x54: {  	_ =	shalt  }
0x55: {  	_ =	shalt  }
0x56: {  	_ =	shalt  }
0x57: {  	_ =	shalt  }
0x58: {  	_ =	shalt  }
0x59: {  	_ =	shalt  }
0x5a: {  	_ =	shalt  }
0x5b: {  	_ =	shalt  }
0x5c: {  	_ =	shalt  }
0x5d: {  	_ =	shalt  }
0x5e: {  	_ =	shalt  }
0x5f: {  	_ =	shalt  }
0x60: {  	_ =	shalt  }
0x61: {  	_ =	shalt  }
0x62: {  	_ =	shalt  }
0x63: {  	_ =	shalt  }
0x64: {  	_ =	shalt  }
0x65: {  	_ =	shalt  }
0x66: {  	_ =	shalt  }
0x67: {  	_ =	shalt  }
0x68: {  	_ =	shalt  }
0x69: {  	_ =	shalt  }
0x6a: {  	_ =	shalt  }
0x6b: {  	_ =	shalt  }
0x6c: {  	_ =	shalt  }
0x6d: {  	_ =	shalt  }
0x6e: {  	_ =	shalt  }
0x6f: {  	_ =	shalt  }
0x70: {  	_ =	shalt  }
0x71: {  	_ =	shalt  }
0x72: {  	_ =	shalt  }
0x73: {  	_ =	shalt  }
0x74: {  	_ =	shalt  }
0x75: {  	_ =	shalt  }
0x76: {  	_ =	shalt  }
0x77: {  	_ =	shalt  }
0x78: {  	_ =	shalt  }
0x79: {  	_ =	shalt  }
0x7a: {  	_ =	shalt  }
0x7b: {  	_ =	shalt  }
0x7c: {  	_ =	shalt  }
0x7d: {  	_ =	shalt  }
0x7e: {  	_ =	shalt  }
0x7f: {  	_ =	shalt  }
0x80: {  	_ =	shalt  }
0x81: {  	_ =	shalt  }
0x82: {  	_ =	shalt  }
0x83: {  	_ =	shalt  }
0x84: {  	_ =	shalt  }
0x85: {  	_ =	shalt  }
0x86: {  	_ =	shalt  }
0x87: {  	_ =	shalt  }
.Lfunc_end0:
.L_simem_size_0:
called_computation.2_lowered:
.L_overlay_start_0:
0x88: {  	s2 =	sld [smem:$0x3FD9]  }
0x89: {  	s3 =	sld [smem:$0x3FFE];
	_ =	sdelay $0x1  }
0x8a: {  	s1 =	srdreg.scid  }
0x8b: {  	s0 =	sand.u32 $0x1, s1  }
0x8c: {  	s16 =	sshll.u32 s0, $0xA;
	s2 =	sadd.s32 s3, s2  }
0x8d: {  	s2 =	sadd.s32 s2, s16  }
0x8e: {  	[smem:$0x3FBB] =	sst s2  }
0x8f: {  	_ = 	snop  }
0x90: {  	(tm) =	ssettm $0x1  }
0x91: {  	s17 =	sld [smem:$0x3FFB];
	_ =	sdelay $0x3  }
0x92: {  	_ =	strace s17  }
0x93: {  	s2 =	sld [smem:$0x3FFC];
	_ =	sdelay $0x3  }
0x94: {  	_ =	strace s2  }
0x95: {  	s2 =	sld [smem:$0x3FFD];
	_ =	sdelay $0x3  }
0x96: {  	_ =	strace s2  }
0x97: {  	_ =	strace $0x8FFFFFFF  }
0x98: {  	s18 =	sld [smem:$0x3FDB];
	_ =	sdelay $0x1  }
0x99: {  	s19 =	simm.s32 $_scs_section_size  }
0x9a: {  	s4 =	simm.s32 $_size__tile_overlayer_lowered;
	s5 =	simm.s32 $_tile_overlayer_lowered  }
0x9b: {  	s22 =	simm.s32 $0x1BFF;
	s21 =	sshll.u32 s5, $0x1;
	s2 =	sadd.s32 s19, s18  }
0x9c: {  	s6 =	simm.s32 $0x0;
	s20 =	sshll.u32 s4, $0x1;
	s4 =	sadd.s32 s21, s2  }
0x9d: {  	[timem:s6], [sflag:s22] =	dma.local [hbm:s4], s20  }
0x9e: {  	_ =	swait.ge [sflag:s22], s20  }
0x9f: {  	s3 =	ssub.s32 $0x0, s20;
	[sflag:s22] =	ssyncset.done $0x0  }
0xa0: {  	[sflag:s22] =	ssyncadd.s32 s3;
	_ =	sdelay $0x1  }
0xa1: {  	s23 =	simm.s32 $0x1B8B  }
0xa2: {  	_ =	swait.ge [sflag:s23], $0x1  }
0xa3: {  	[sflag:s23] =	ssyncset.done $0x0  }
0xa4: {  	s25 =	simm.s32 $0x1B8E;
	s24 =	sld [smem:$0x3FFE];
	[sflag:s23] =	ssyncadd.s32 $0xFFFFFFFF  }
0xa5: {  	s26 =	simm.s32 $execute0_lowered;
	[smem:$0x3FD2] =	sst s25  }
0xa6: {  	s4 =	sshll.u32 s26, $0x1;
	_ =	strace $0x8000004C;
	[dreg:$0x1] =	wrdreg $0xFFFFFFFF  }
0xa7: {  	s28 =	simm.s32 $_size_execute0_lowered;
	s2 =	sadd.s32 s2, s4;
	[dreg:$0x0] =	wrdreg $0x0  }
0xa8: {  	s4 =	sshll.u32 s28, $0x1;
	[dreg:$0x2] =	wrdreg s2  }
0xa9: {  	[dreg:$0x3] =	wrdreg s4  }
0xaa: {  	[dreg:$0x4] =	wrdreg $0xC0  }
0xab: {  	_ =	task [dreg:s6], $0x5FFFF  }
0xac: {  	[dreg:$0x1] =	wrdreg $0xFFFFFFFF  }
0xad: {  	[dreg:$0x0] =	wrdreg $0x60  }
0xae: {  	[dreg:$0x2] =	wrdreg s24  }
0xaf: {  	[dreg:$0x3] =	wrdreg $0xDF000  }
0xb0: {  	[dreg:$0x4] =	wrdreg $0x9  }
0xb1: {  	_ =	task.clear_ibuf [dreg:s6], $0x5FFFF;
	_ =	strace $0x9000004C  }
0xb2: {  	s29 =	simm.s32 $0x9;
	_ =	strace $0x8000004E  }
0xb3: {  	_ =	swait.ge [sflag:s29], $0x1  }
0xb4: {  	[sflag:s29] =	ssyncadd.s32 $0xFFFFFFFF  }
0xb5: {  	_ =	strace $0x9000004E  }
0xb6: {  	_ =	sfence  }
0xb7: {  	s30 =	sld [smem:$0x0];
	_ =	sdelay $0x2  }
0xb8: {  	s31 =	sshll.u32 s1, $0xD;
	s1 =	sshrl.u32 s1, $0x2  }
0xb9: {  	s3 =	sand.u32 $0x4000, s31;
	s1 =	sadd.s32 s1, s30  }
0xba: {  	s0 =	sor.u32 s3, s0;
	s1 =	sshll.u32 s1, $0x11  }
0xbb: {  	s0 =	sor.u32 s1, s0  }
0xbc: {  	s0 =	sadd.s32 $0x8F2B, s0  }
0xbd: {  	[sflag:s0] =	ssyncadd.remote.s32 $0x1  }
0xbe: {  	_ =	sfence.sel $0xFFFF  }
0xbf: {  	[dreg:$0x0] =	wrdreg $0xFFFFFFFF;
	(pc) =	sbr.abs _section_cstart, $3  }
0xc0: {  	[dreg:$0x1] =	wrdreg $0xFFFFFFFF  }
0xc1: {  	_ =	task.clear_ibuf [dreg:s6], $0x2FFFF;
	_ =	strace $0x9FFFFFFF  }
0xc2: {  	(tm) =	ssettm $0x7FFFFFFF  }
0xc3: {  	_ =	shalt  }
tec
execute0_lowered:
.L_overlay_start_1:
0x0: {  	(tag) =	ssettag $0x1  }
0x1: {  	s10 =	stileid.u32  }
0x2: {  	s0 =	srdreg.scid;
	s5 =	smul.u32 $0xA10, s10  }
0x3: {  	s4 =	rddreg [dreg:$0x0];
	s6 =	smul.u32 $0xA00, s10  }
0x4: {  	s2 =	rddreg [dreg:$0x1];
	s7 =	smul.u32 $0x280, s10  }
0x5: {  	s3 =	simm.s32 $0x0;
	s0 =	sand.u32 $0x1, s0;
	s19 =	smul.u32 $0x28000, s10  }
0x6: {  	s30 =	simm.s32 $0xA080;
	s31 =	simm.s32 $0x3;
	s1 =	smul.u32 $0x14000, s0  }
0x7: {  	[smem:$0x7FF] =	sst s3;
	s20 =	sadd.s32 $0x2A400, s4;
	s8 =	smul.u32 $0x2800, s0  }
0x8: {  	_ =	strace $0x8000004D;
	[dreg:$0x3] =	wrdreg s20;
	s0 =	ssub.s32 $0x2, s0  }
0x9: {  	s9 =	sadd.s32 s5, s4;
	s6 =	sadd.s32 s6, s4;
	s21 =	sshrl.u32 s0, $0x1  }
0xa: {  	s1 =	sadd.s32 s1, s4;
	s18 =	sadd.s32 s8, s7;
	s22 =	sadd.s32 $0x2C800, s9  }
0xb: {  	s7 =	sshrl.u32 s19, $0x2;
	s6 =	sadd.s32 $0x36A00, s6;
	[dreg:$0x4] =	wrdreg s22  }
0xc: {  	s0 =	ssub.s32 s0, s21;
	s5 =	sshll.u32 s18, $0x3;
	[dreg:$0x5] =	wrdreg s6  }
0xd: {  	s8 =	sadd.s32 $0x68A00, s1;
	s0 =	smax.u32 s0, $0x1;
	s1 =	simm.s32 $0xBFC0  }
0xe: {  	s6 =	simm.s32 $0x2;
	s4 =	sadd.s32 s5, s4;
	s5 =	sadd.s32 s7, s2  }
0xf: {  	[dreg:$0x6] =	wrdreg s0;
	s0 =	simm.s32 $0x7D;
	s7 =	simm.s32 $0x0  }
0x10: {  	s10 =	sadd.s32 $0x1000, s5;
	s11 =	sadd.s32 $0x2000, s5;
	s12 =	sadd.s32 $0x3000, s5  }
0x11: {  	s13 =	sadd.s32 $0x4000, s5;
	s14 =	sadd.s32 $0x5000, s5;
	s15 =	sadd.s32 $0x6000, s5  }
0x12: {  	s23 =	sadd.s32 $0x90A00, s4;
	s24 =	sadd.s32 $0x90C00, s4;
	s25 =	sadd.s32 $0x90E00, s4  }
0x13: {  	s26 =	sadd.s32 $0x91000, s4;
	s20 =	sadd.s32 $0x91200, s4;
	[dreg:$0x7] =	wrdreg s23  }
0x14: {  	s21 =	sadd.s32 $0x91400, s4;
	s22 =	sadd.s32 $0x91600, s4;
	[dreg:$0x8] =	wrdreg s24  }
0x15: {  	s28 =	sadd.s32 $0x8000, s5;
	s29 =	sadd.s32 $0x9000, s5;
	[dreg:$0x9] =	wrdreg s25  }
0x16: {  	[dreg:$0xa] =	wrdreg s26;
	s23 =	sadd.s32 $0x91800, s4;
	s24 =	sadd.s32 $0x91A00, s4  }
0x17: {  	s25 =	sadd.s32 $0x91C00, s4;
	s26 =	sadd.s32 $0x7000, s5;
	s4 =	simm.s32 $0x1  }
.LBB2_1:
0x18: {  	s9 =	rddreg [dreg:$0x3]  }
0x19: {  	[tilespmem:s30], [sflag:$0x3] =	stream.linear.gather [hbm4b:s9+s3], $0x1000, $0x38;
	[tilespmem:$0x17F00] =	vst v63  }
0x1a: {  	_ =	swait.ge [sflag:s31], $0x1000  }
0x1b: {  	[sflag:s31] =	ssyncset.done $0x0  }
0x1c: {  	[sflag:s31] =	ssyncadd.s32 $0xFFFFF000  }
0x1d: {  	[spmem:s5] =	stream.linear.scatter [tilespmem:s30], [sflag:$0x3], $0x1000, $0x38;
	[tilespmem:$0x17F00] =	vst v63  }
0x1e: {  	_ =	swait.ge [sflag:s31], $0x1000  }
0x1f: {  	[sflag:s31] =	ssyncset.done $0x0  }
0x20: {  	[sflag:s31] =	ssyncadd.s32 $0xFFFFF000  }
0x21: {  	[spmem:s10] =	stream.linear.scatter [tilespmem:s30], [sflag:$0x3], $0x1000, $0x38;
	[tilespmem:$0x17F00] =	vst v63  }
0x22: {  	_ =	swait.ge [sflag:s31], $0x1000  }
0x23: {  	[sflag:s31] =	ssyncset.done $0x0  }
0x24: {  	[sflag:s31] =	ssyncadd.s32 $0xFFFFF000  }
0x25: {  	[spmem:s11] =	stream.linear.scatter [tilespmem:s30], [sflag:$0x3], $0x1000, $0x38;
	[tilespmem:$0x17F00] =	vst v63  }
0x26: {  	_ =	swait.ge [sflag:s31], $0x1000  }
0x27: {  	[sflag:s31] =	ssyncset.done $0x0  }
0x28: {  	[sflag:s31] =	ssyncadd.s32 $0xFFFFF000  }
0x29: {  	[spmem:s12] =	stream.linear.scatter [tilespmem:s30], [sflag:$0x3], $0x1000, $0x38;
	[tilespmem:$0x17F00] =	vst v63  }
0x2a: {  	_ =	swait.ge [sflag:s31], $0x1000  }
0x2b: {  	[sflag:s31] =	ssyncset.done $0x0  }
0x2c: {  	[sflag:s31] =	ssyncadd.s32 $0xFFFFF000  }
0x2d: {  	[spmem:s13] =	stream.linear.scatter [tilespmem:s30], [sflag:$0x3], $0x1000, $0x38;
	[tilespmem:$0x17F00] =	vst v63  }
0x2e: {  	_ =	swait.ge [sflag:s31], $0x1000  }
0x2f: {  	[sflag:s31] =	ssyncset.done $0x0  }
0x30: {  	[sflag:s31] =	ssyncadd.s32 $0xFFFFF000  }
0x31: {  	[spmem:s14] =	stream.linear.scatter [tilespmem:s30], [sflag:$0x3], $0x1000, $0x38;
	[tilespmem:$0x17F00] =	vst v63  }
0x32: {  	_ =	swait.ge [sflag:s31], $0x1000  }
0x33: {  	[sflag:s31] =	ssyncset.done $0x0  }
0x34: {  	[sflag:s31] =	ssyncadd.s32 $0xFFFFF000  }
0x35: {  	[spmem:s15] =	stream.linear.scatter [tilespmem:s30], [sflag:$0x3], $0x1000, $0x38;
	[tilespmem:$0x17F00] =	vst v63  }
0x36: {  	_ =	swait.ge [sflag:s31], $0x1000  }
0x37: {  	[sflag:s31] =	ssyncset.done $0x0  }
0x38: {  	[sflag:s31] =	ssyncadd.s32 $0xFFFFF000  }
0x39: {  	[spmem:s26] =	stream.linear.scatter [tilespmem:s30], [sflag:$0x3], $0x1000, $0x38;
	[tilespmem:$0x17F00] =	vst v63  }
0x3a: {  	_ =	swait.ge [sflag:s31], $0x1000  }
0x3b: {  	[sflag:s31] =	ssyncset.done $0x0  }
0x3c: {  	[sflag:s31] =	ssyncadd.s32 $0xFFFFF000  }
0x3d: {  	[spmem:s28] =	stream.linear.scatter [tilespmem:s30], [sflag:$0x3], $0x1000, $0x38;
	[tilespmem:$0x17F00] =	vst v63  }
0x3e: {  	_ =	swait.ge [sflag:s31], $0x1000  }
0x3f: {  	[sflag:s31] =	ssyncset.done $0x0  }
0x40: {  	[sflag:s31] =	ssyncadd.s32 $0xFFFFF000  }
0x41: {  	[spmem:s29] =	stream.linear.scatter [tilespmem:s30], [sflag:$0x3], $0x1000, $0x38;
	[tilespmem:$0x17F00] =	vst v63  }
0x42: {  	_ =	swait.ge [sflag:s31], $0x1000  }
0x43: {  	[sflag:s31] =	ssyncset.done $0x0  }
0x44: {  	s18 =	rddreg [dreg:$0x4];
	[sflag:s31] =	ssyncadd.s32 $0xFFFFF000  }
0x45: {  	[tilespmem:s3], [sflag:$0x3] =	stream.linear.gather [hbm4b:s18+s3], $0x5080, $0x38;
	[tilespmem:$0x17F00] =	vst v63  }
0x46: {  	_ =	swait.ge [sflag:s31], $0x5080  }
0x47: {  	[sflag:s31] =	ssyncset.done $0x0  }
0x48: {  	s16 =	simm.s32 $0x5080;
	s19 =	rddreg [dreg:$0x5];
	[sflag:s31] =	ssyncadd.s32 $0xFFFFAF80  }
0x49: {  	[tilespmem:s16], [sflag:$0x3] =	stream.linear.gather [hbm4b:s19+s3], $0x5000, $0x38;
	[tilespmem:$0x17F00] =	vst v63  }
0x4a: {  	_ =	swait.ge [sflag:s31], $0x5000  }
0x4b: {  	[sflag:s31] =	ssyncset.done $0x0  }
0x4c: {  	[sflag:s31] =	ssyncadd.s32 $0xFFFFB000  }
0x4d: {  	[bflag:$0x0] =	sbarrier.arrive $0xFFFF  }
0x4e: {  	[tilespmem:s30], [sflag:$0x1] =	stream.indirect.gather [hbm4b:s8+s0], $0x40, s3, s0, $0xb8;
	[tilespmem:$0x17F00] =	vst v63  }
0x4f: {  	s16 =	simm.s32 $0x80  }
0x50: {  	[tilespmem:s1], [sflag:$0x2] =	stream.indirect.gather [hbm4b:s8+s0], $0x40, s16, s0, $0xb8;
	[tilespmem:$0x17F00] =	vst v63  }
0x51: {  	_ =	swait.ge [sflag:s4], $0x1F40  }
0x52: {  	[sflag:s4] =	ssyncset.done $0x0  }
0x53: {  	s17 =	simm.s32 $0x5080;
	[sflag:s4] =	ssyncadd.s32 $0xFFFFE0C0  }
0x54: {  	[spmem:s2] =	stream.indirect.scatter.add.f32 [tilespmem:s30], [sflag:$0x3], $0x40, s17, s0, $0xb8;
	[tilespmem:$0x17F00] =	vst v63  }
0x55: {  	_ =	swait.ge [sflag:s31], $0x1F40  }
0x56: {  	[sflag:s31] =	ssyncset.done $0x0  }
0x57: {  	s18 =	simm.s32 $0x100;
	[sflag:s31] =	ssyncadd.s32 $0xFFFFE0C0  }
0x58: {  	[tilespmem:s30], [sflag:$0x1] =	stream.indirect.gather [hbm4b:s8+s0], $0x40, s18, s0, $0xb8;
	[tilespmem:$0x17F00] =	vst v63  }
0x59: {  	_ =	swait.ge [sflag:s6], $0x1F40  }
0x5a: {  	[sflag:s6] =	ssyncset.done $0x0  }
0x5b: {  	s19 =	simm.s32 $0x5100;
	[sflag:s6] =	ssyncadd.s32 $0xFFFFE0C0  }
0x5c: {  	[spmem:s2] =	stream.indirect.scatter.add.f32 [tilespmem:s1], [sflag:$0x3], $0x40, s19, s0, $0xb8;
	[tilespmem:$0x17F00] =	vst v63  }
0x5d: {  	_ =	swait.ge [sflag:s31], $0x1F40  }
0x5e: {  	s9 =	simm.s32 $0x100;
	s16 =	simm.s32 $0x800;
	[sflag:s31] =	ssyncset.done $0x0  }
.LBB2_2:
0x5f: {  	s17 =	sadd.s32 $0x80, s9  }
0x60: {  	[sflag:s31] =	ssyncadd.s32 $0xFFFFE0C0;
	s18 =	smov.u32 s16;
	s19 =	sadd.s32 $0x400, s16  }
0x61: {  	[tilespmem:s1], [sflag:$0x2] =	stream.indirect.gather [hbm4b:s8+s0], $0x40, s17, s0, $0xb8;
	[tilespmem:$0x17F00] =	vst v63  }
0x62: {  	p0 =	sne.s32 s16, $0x13C00;
	_ =	swait.ge [sflag:s4], $0x1F40  }
0x63: {  	[sflag:s4] =	ssyncset.done $0x0  }
0x64: {  	s16 =	sadd.s32 $0x5080, s9;
	[sflag:s4] =	ssyncadd.s32 $0xFFFFE0C0  }
0x65: {  	[spmem:s2] =	stream.indirect.scatter.add.f32 [tilespmem:s30], [sflag:$0x3], $0x40, s16, s0, $0xb8;
	[tilespmem:$0x17F00] =	vst v63  }
0x66: {  	_ =	swait.ge [sflag:s31], $0x1F40  }
0x67: {  	[sflag:s31] =	ssyncset.done $0x0  }
0x68: {  	s16 =	sadd.s32 $0x100, s9;
	[sflag:s31] =	ssyncadd.s32 $0xFFFFE0C0  }
0x69: {  	[tilespmem:s30], [sflag:$0x1] =	stream.indirect.gather [hbm4b:s8+s0], $0x40, s16, s0, $0xb8;
	[tilespmem:$0x17F00] =	vst v63  }
0x6a: {  	_ =	swait.ge [sflag:s6], $0x1F40  }
.Ltmp0:
0x6b: {  	[sflag:s6] =	ssyncset.done $0x0;
	(pc) =	sbr.rel @p0 .LBB2_2-.Ltmp0, $4  }
0x6c: {  	s9 =	sadd.s32 $0x5100, s9;
	[sflag:s6] =	ssyncadd.s32 $0xFFFFE0C0  }
0x6d: {  	[spmem:s2] =	stream.indirect.scatter.add.f32 [tilespmem:s1], [sflag:$0x3], $0x40, s9, s0, $0xb8;
	[tilespmem:$0x17F00] =	vst v63  }
0x6e: {  	_ =	swait.ge [sflag:s31], $0x1F40  }
0x6f: {  	s16 =	smov.u32 s19;
	s9 =	sshra.s32 s18, $0x2;
	[sflag:s31] =	ssyncset.done $0x0  }
0x70: {  	s16 =	sadd.s32 $0x80, s9;
	[sflag:s31] =	ssyncadd.s32 $0xFFFFE0C0  }
0x71: {  	[tilespmem:s1], [sflag:$0x2] =	stream.indirect.gather [hbm4b:s8+s0], $0x40, s16, s0, $0xb8;
	[tilespmem:$0x17F00] =	vst v63  }
0x72: {  	_ =	swait.ge [sflag:s4], $0x1F40  }
0x73: {  	[sflag:s4] =	ssyncset.done $0x0  }
0x74: {  	s19 =	sadd.s32 $0x5080, s9;
	[sflag:s4] =	ssyncadd.s32 $0xFFFFE0C0  }
0x75: {  	[spmem:s2] =	stream.indirect.scatter.add.f32 [tilespmem:s30], [sflag:$0x3], $0x40, s19, s0, $0xb8;
	[tilespmem:$0x17F00] =	vst v63  }
0x76: {  	_ =	swait.ge [sflag:s31], $0x1F40  }
0x77: {  	[sflag:s31] =	ssyncset.done $0x0  }
0x78: {  	s17 =	sadd.s32 $0x100, s9;
	[sflag:s31] =	ssyncadd.s32 $0xFFFFE0C0  }
0x79: {  	[tilespmem:s30], [sflag:$0x1] =	stream.indirect.gather [hbm4b:s8+s0], $0x40, s17, s0, $0xb8;
	[tilespmem:$0x17F00] =	vst v63  }
0x7a: {  	_ =	swait.ge [sflag:s6], $0x1F40  }
0x7b: {  	[sflag:s6] =	ssyncset.done $0x0  }
0x7c: {  	s18 =	sadd.s32 $0x5100, s9;
	[sflag:s6] =	ssyncadd.s32 $0xFFFFE0C0  }
0x7d: {  	[spmem:s2] =	stream.indirect.scatter.add.f32 [tilespmem:s1], [sflag:$0x3], $0x40, s18, s0, $0xb8;
	[tilespmem:$0x17F00] =	vst v63  }
0x7e: {  	_ =	swait.ge [sflag:s31], $0x1F40  }
0x7f: {  	[sflag:s31] =	ssyncset.done $0x0  }
0x80: {  	[sflag:s31] =	ssyncadd.s32 $0xFFFFE0C0  }
0x81: {  	_ =	swait.ge [sflag:s4], $0x1F40  }
0x82: {  	[sflag:s4] =	ssyncset.done $0x0  }
0x83: {  	[sflag:s4] =	ssyncadd.s32 $0xFFFFE0C0  }
0x84: {  	[bflag:$0x0] =	sbarrier.arrive $0xFFFF  }
0x85: {  	[tilespmem:s30], [sflag:$0x3] =	stream.linear.gather [spmem:s5], $0x1000, $0x38;
	[tilespmem:$0x17F00] =	vst v63  }
0x86: {  	_ =	swait.ge [sflag:s31], $0x1000  }
0x87: {  	[sflag:s31] =	ssyncset.done $0x0  }
0x88: {  	s19 =	rddreg [dreg:$0x7];
	[sflag:s31] =	ssyncadd.s32 $0xFFFFF000  }
0x89: {  	[hbm4b:s19+s3] =	stream.linear.scatter [tilespmem:s30], [sflag:$0x3], $0x1000, $0x38;
	[tilespmem:$0x17F00] =	vst v63  }
0x8a: {  	_ =	swait.ge [sflag:s31], $0x1000  }
0x8b: {  	[sflag:s31] =	ssyncset.done $0x0  }
0x8c: {  	[sflag:s31] =	ssyncadd.s32 $0xFFFFF000  }
0x8d: {  	[tilespmem:s30], [sflag:$0x3] =	stream.linear.gather [spmem:s10], $0x1000, $0x38;
	[tilespmem:$0x17F00] =	vst v63  }
0x8e: {  	_ =	swait.ge [sflag:s31], $0x1000  }
0x8f: {  	[sflag:s31] =	ssyncset.done $0x0  }
0x90: {  	s16 =	rddreg [dreg:$0x8];
	[sflag:s31] =	ssyncadd.s32 $0xFFFFF000  }
0x91: {  	[hbm4b:s16+s3] =	stream.linear.scatter [tilespmem:s30], [sflag:$0x3], $0x1000, $0x38;
	[tilespmem:$0x17F00] =	vst v63  }
0x92: {  	_ =	swait.ge [sflag:s31], $0x1000  }
0x93: {  	[sflag:s31] =	ssyncset.done $0x0  }
0x94: {  	[sflag:s31] =	ssyncadd.s32 $0xFFFFF000  }
0x95: {  	[tilespmem:s30], [sflag:$0x3] =	stream.linear.gather [spmem:s11], $0x1000, $0x38;
	[tilespmem:$0x17F00] =	vst v63  }
0x96: {  	_ =	swait.ge [sflag:s31], $0x1000  }
0x97: {  	[sflag:s31] =	ssyncset.done $0x0  }
0x98: {  	s17 =	rddreg [dreg:$0x9];
	[sflag:s31] =	ssyncadd.s32 $0xFFFFF000  }
0x99: {  	[hbm4b:s17+s3] =	stream.linear.scatter [tilespmem:s30], [sflag:$0x3], $0x1000, $0x38;
	[tilespmem:$0x17F00] =	vst v63  }
0x9a: {  	_ =	swait.ge [sflag:s31], $0x1000  }
0x9b: {  	[sflag:s31] =	ssyncset.done $0x0  }
0x9c: {  	[sflag:s31] =	ssyncadd.s32 $0xFFFFF000  }
0x9d: {  	[tilespmem:s30], [sflag:$0x3] =	stream.linear.gather [spmem:s12], $0x1000, $0x38;
	[tilespmem:$0x17F00] =	vst v63  }
0x9e: {  	_ =	swait.ge [sflag:s31], $0x1000  }
0x9f: {  	[sflag:s31] =	ssyncset.done $0x0  }
0xa0: {  	s18 =	rddreg [dreg:$0xa];
	[sflag:s31] =	ssyncadd.s32 $0xFFFFF000  }
0xa1: {  	[hbm4b:s18+s3] =	stream.linear.scatter [tilespmem:s30], [sflag:$0x3], $0x1000, $0x38;
	[tilespmem:$0x17F00] =	vst v63  }
0xa2: {  	_ =	swait.ge [sflag:s31], $0x1000  }
0xa3: {  	[sflag:s31] =	ssyncset.done $0x0  }
0xa4: {  	[sflag:s31] =	ssyncadd.s32 $0xFFFFF000  }
0xa5: {  	[tilespmem:s30], [sflag:$0x3] =	stream.linear.gather [spmem:s13], $0x1000, $0x38;
	[tilespmem:$0x17F00] =	vst v63  }
0xa6: {  	_ =	swait.ge [sflag:s31], $0x1000  }
0xa7: {  	[sflag:s31] =	ssyncset.done $0x0  }
0xa8: {  	[sflag:s31] =	ssyncadd.s32 $0xFFFFF000  }
0xa9: {  	[hbm4b:s20+s3] =	stream.linear.scatter [tilespmem:s30], [sflag:$0x3], $0x1000, $0x38;
	[tilespmem:$0x17F00] =	vst v63  }
0xaa: {  	_ =	swait.ge [sflag:s31], $0x1000  }
0xab: {  	[sflag:s31] =	ssyncset.done $0x0  }
0xac: {  	[sflag:s31] =	ssyncadd.s32 $0xFFFFF000  }
0xad: {  	[tilespmem:s30], [sflag:$0x3] =	stream.linear.gather [spmem:s14], $0x1000, $0x38;
	[tilespmem:$0x17F00] =	vst v63  }
0xae: {  	_ =	swait.ge [sflag:s31], $0x1000  }
0xaf: {  	[sflag:s31] =	ssyncset.done $0x0  }
0xb0: {  	[sflag:s31] =	ssyncadd.s32 $0xFFFFF000  }
0xb1: {  	[hbm4b:s21+s3] =	stream.linear.scatter [tilespmem:s30], [sflag:$0x3], $0x1000, $0x38;
	[tilespmem:$0x17F00] =	vst v63  }
0xb2: {  	_ =	swait.ge [sflag:s31], $0x1000  }
0xb3: {  	[sflag:s31] =	ssyncset.done $0x0  }
0xb4: {  	[sflag:s31] =	ssyncadd.s32 $0xFFFFF000  }
0xb5: {  	[tilespmem:s30], [sflag:$0x3] =	stream.linear.gather [spmem:s15], $0x1000, $0x38;
	[tilespmem:$0x17F00] =	vst v63  }
0xb6: {  	_ =	swait.ge [sflag:s31], $0x1000  }
0xb7: {  	[sflag:s31] =	ssyncset.done $0x0  }
0xb8: {  	[sflag:s31] =	ssyncadd.s32 $0xFFFFF000  }
0xb9: {  	[hbm4b:s22+s3] =	stream.linear.scatter [tilespmem:s30], [sflag:$0x3], $0x1000, $0x38;
	[tilespmem:$0x17F00] =	vst v63  }
0xba: {  	_ =	swait.ge [sflag:s31], $0x1000  }
0xbb: {  	[sflag:s31] =	ssyncset.done $0x0  }
0xbc: {  	[sflag:s31] =	ssyncadd.s32 $0xFFFFF000  }
0xbd: {  	[tilespmem:s30], [sflag:$0x3] =	stream.linear.gather [spmem:s26], $0x1000, $0x38;
	[tilespmem:$0x17F00] =	vst v63  }
0xbe: {  	_ =	swait.ge [sflag:s31], $0x1000  }
0xbf: {  	[sflag:s31] =	ssyncset.done $0x0  }
0xc0: {  	[sflag:s31] =	ssyncadd.s32 $0xFFFFF000  }
0xc1: {  	[hbm4b:s23+s3] =	stream.linear.scatter [tilespmem:s30], [sflag:$0x3], $0x1000, $0x38;
	[tilespmem:$0x17F00] =	vst v63  }
0xc2: {  	_ =	swait.ge [sflag:s31], $0x1000  }
0xc3: {  	[sflag:s31] =	ssyncset.done $0x0  }
0xc4: {  	[sflag:s31] =	ssyncadd.s32 $0xFFFFF000  }
0xc5: {  	[tilespmem:s30], [sflag:$0x3] =	stream.linear.gather [spmem:s28], $0x1000, $0x38;
	[tilespmem:$0x17F00] =	vst v63  }
0xc6: {  	_ =	swait.ge [sflag:s31], $0x1000  }
0xc7: {  	[sflag:s31] =	ssyncset.done $0x0  }
0xc8: {  	[sflag:s31] =	ssyncadd.s32 $0xFFFFF000  }
0xc9: {  	[hbm4b:s24+s3] =	stream.linear.scatter [tilespmem:s30], [sflag:$0x3], $0x1000, $0x38;
	[tilespmem:$0x17F00] =	vst v63  }
0xca: {  	_ =	swait.ge [sflag:s31], $0x1000  }
0xcb: {  	[sflag:s31] =	ssyncset.done $0x0  }
0xcc: {  	[sflag:s31] =	ssyncadd.s32 $0xFFFFF000  }
0xcd: {  	[tilespmem:s30], [sflag:$0x3] =	stream.linear.gather [spmem:s29], $0x1000, $0x38;
	[tilespmem:$0x17F00] =	vst v63  }
0xce: {  	_ =	swait.ge [sflag:s31], $0x1000  }
0xcf: {  	[sflag:s31] =	ssyncset.done $0x0  }
0xd0: {  	[sflag:s31] =	ssyncadd.s32 $0xFFFFF000  }
0xd1: {  	[hbm4b:s25+s3] =	stream.linear.scatter [tilespmem:s30], [sflag:$0x3], $0x1000, $0x38;
	[tilespmem:$0x17F00] =	vst v63  }
0xd2: {  	_ =	swait.ge [sflag:s31], $0x1000  }
0xd3: {  	s7 =	sadd.s32 $0x1, s7;
	s19 =	rddreg [dreg:$0x6]  }
0xd4: {  	p0 =	sne.s32 s7, s19  }
.Ltmp1:
0xd5: {  	_ = 	snop;
	(pc) =	sbr.rel @p0 .LBB2_1-.Ltmp1, $3  }
0xd6: {  	_ =	sdelay $0x1  }
0xd7: {  	[sflag:s31] =	ssyncset.done $0x0  }
0xd8: {  	[sflag:s31] =	ssyncadd.s32 $0xFFFFF000  }
0xd9: {  	_ =	sfence.sel $0x180000  }
0xda: {  	[bflag:$0x0] =	sbarrier.arrive $0xFFFF  }
0xdb: {  	_ =	strace $0x9000004D  }
0xdc: {  	s0 =	stileid.u32;
	[bflag:$0x2] =	sbarrier.arrive $0xFFFF  }
0xdd: {  	p0 =	sne.s32 s0, $0x0;
	s0 =	rddreg [dreg:$0x2]  }
0xde: {  	s0 =	sadd.s32 @!p0 $0x100000, s0  }
0xdf: {  	[sflag:s0] =	ssyncadd.tile.s32 @!p0 $0x1;
	_ =	shalt  }
.Lfunc_end2:
_tile_overlayer_lowered:
.L_overlay_start_2:
0xe0: {  	(tag) =	ssettag $0x2  }
0xe1: {  	s0 =	rddreg [dreg:$0x0];
	s2 =	stileid.u32  }
0xe2: {  	s1 =	rddreg [dreg:$0x1];
	p0 =	sne.s32 s2, $0x0  }
0xe3: {  	s3 =	rddreg [dreg:$0x2];
	[bflag:$0x3] =	sbarrier.arrive $0xFFFF;
	s2 =	simm.s32 @!p0 $0x1C03  }
0xe4: {  	[timem:s3], [sflag:s2] =	dma.local @!p0 [hbm:s0], s1  }
0xe5: {  	s0 =	simm.s32 @!p0 $0x3  }
0xe6: {  	_ =	swait.ge @!p0 [sflag:s0], s1  }
0xe7: {  	s1 =	ssub.s32 @!p0 $0x0, s1;
	[sflag:s0] =	ssyncset.done @!p0 $0x0  }
0xe8: {  	[sflag:s0] =	ssyncadd.s32 @!p0 s1  }
0xe9: {  	[bflag:$0x3] =	sbarrier.arrive $0xFFFF  }
0xea: {  	_ =	shalt  }

// kernel: _run.21.cloned.1.call-start
scs
__scs_entry_jumppad:
0x0: {  	(pc) =	sbr.rel $0x88, $3  }
0x1: {  	(tag) =	ssettag $0x0;
	lr =	simm.s32 $0x1  }
0x2: {  	[smem:$0x3F94] =	sst lr;
	_ =	strace $0xD0000000  }
0x3: {  	_ = 	snop  }
0x4: {  	_ = 	snop  }
0x5: {  	_ = 	snop  }
0x6: {  	_ = 	snop  }
0x7: {  	_ = 	snop  }
__scs_overlays_trampoline_lowered:
0x8: {  	[smem:$0x3FA3] =	sst s0  }
0x9: {  	[smem:$0x3FA4] =	sst s1  }
0xa: {  	[smem:$0x3FA5] =	sst s2  }
0xb: {  	[smem:$0x3FA6] =	sst s3  }
0xc: {  	[smem:$0x3FA7] =	sst s4  }
0xd: {  	[smem:$0x3FA8] =	sst s5  }
0xe: {  	[smem:$0x3FA9] =	sst s6  }
0xf: {  	[smem:$0x3FAA] =	sst s7  }
0x10: {  	[smem:$0x3FAB] =	sst s8  }
0x11: {  	[smem:$0x3FAC] =	sst s9;
	s0 =	simm.s32 @!p0 $0x0  }
0x12: {  	s1 =	sld [smem:$0x3F92];
	s0 =	simm.s32 @p0 $0x1  }
0x13: {  	[smem:$0x3FAD] =	sst s0;
	s0 =	simm.s32 @!p1 $0x0  }
0x14: {  	s2 =	sld [smem:$0x3F91];
	s0 =	simm.s32 @p1 $0x1  }
0x15: {  	[smem:$0x3FAE] =	sst s0;
	s0 =	simm.s32 @!p2 $0x0  }
0x16: {  	s3 =	sld [smem:$0x3FDB];
	s0 =	simm.s32 @p2 $0x1  }
0x17: {  	s4 =	simm.s32 $0x1BF5;
	[smem:$0x3FB0] =	sst s0  }
0x18: {  	s0 =	sld [smem:$0x3F93];
	_ =	swait.ge [sflag:s4], $0x0  }
0x19: {  	s7 =	sld [smem:$0x3F94]  }
0x1a: {  	s8 =	sadd.s32 $0xFFFFE003, lr  }
0x1b: {  	s9 =	sadd.s32 $0xFFFFFEF7, lr;
	s5 =	simm.s32 $0xFFFFFFFF;
	p2 =	slt.u32 s8, $0xFFFFF086  }
0x1c: {  	p1 =	slt.u32 s9, $0xF7A;
	s5 =	simm.s32 @!p2 $0x0  }
0x1d: {  	s5 =	simm.s32 @p1 $0x1;
	p0 =	seq.s32 s7, s2  }
0x1e: {  	s7 =	smul.u32 @!p0 $0xF7A, s2;
	p2 =	seq.s32 @!p0 s5, $0x0  }
0x1f: {  	s9 =	smul.u32 $0xF7A, s1;
	s8 =	simm.s32 @!p0 $0x1BF5;
	p2 =	por !p2, p0  }
0x20: {  	[sflag:s8] =	ssyncset.s32 @!p0 $0xFFFFF086;
	s6 =	sadd.s32 @!p0 s3, s7;
	s7 =	simm.s32 @!p0 $0x108  }
0x21: {  	s3 =	sadd.s32 s3, s9;
	s6 =	sadd.s32 @!p0 $0x88, s6;
	s7 =	simm.s32 @p2 $0x1082  }
0x22: {  	[simem:s7], [sflag:s8] =	dma.local @!p0 [hbm:s6], $0xF7A  }
0x23: {  	s9 =	sor.u32 $0xD0000000, s2;
	s6 =	simm.s32 $0x108;
	_ =	swait.ge @!p0 [sflag:s8], $0x0  }
0x24: {  	s3 =	sadd.s32 $0x88, s3;
	s6 =	simm.s32 @!p1 $0x1082;
	[sflag:s4] =	ssyncset.s32 $0xFFFFF086  }
0x25: {  	[simem:s6], [sflag:s4] =	dma.local [hbm:s3], $0xF7A  }
0x26: {  	[smem:$0x3F94] =	sst s1;
	(tag) =	ssettag s2;
	_ =	strace s9  }
0x27: {  	s1 =	sld [smem:$0x3FA4]  }
0x28: {  	s2 =	sld [smem:$0x3FA5]  }
0x29: {  	s4 =	sld [smem:$0x3FA7]  }
0x2a: {  	p0 =	seq.s32 s5, $0x0;
	s5 =	sld [smem:$0x3FA8]  }
0x2b: {  	s6 =	sld [smem:$0x3FA9]  }
0x2c: {  	s7 =	sld [smem:$0x3FAA]  }
0x2d: {  	s3 =	simm.s32 $0x108;
	s8 =	sld [smem:$0x3FAB]  }
0x2e: {  	s3 =	simm.s32 @!p0 $0x1082;
	s9 =	sld [smem:$0x3FAC]  }
0x2f: {  	lr =	sadd.s32 s0, s3;
	s0 =	sld [smem:$0x3FA3]  }
0x30: {  	s3 =	sld [smem:$0x3FA6]  }
0x31: {  	[smem:$0x3FAF] =	sst s10  }
0x32: {  	s10 =	sld [smem:$0x3FAD];
	_ =	sdelay $0x3  }
0x33: {  	p0 =	seq.s32 s10, $0x1;
	s10 =	sld [smem:$0x3FAF];
	_ =	sdelay $0x3  }
0x34: {  	[smem:$0x3FAF] =	sst s10  }
0x35: {  	s10 =	sld [smem:$0x3FAE];
	_ =	sdelay $0x3  }
0x36: {  	p1 =	seq.s32 s10, $0x1;
	s10 =	sld [smem:$0x3FAF];
	_ =	sdelay $0x3  }
0x37: {  	[smem:$0x3FAF] =	sst s10  }
0x38: {  	s10 =	sld [smem:$0x3FB0]  }
0x39: {  	_ = 	snop;
	(pc) =	sbr.ind lr, $3  }
0x3a: {  	_ = 	snop  }
0x3b: {  	_ = 	snop  }
0x3c: {  	p2 =	seq.s32 s10, $0x1;
	s10 =	sld [smem:$0x3FAF]  }
0x3d: {  	_ =	shalt  }
0x3e: {  	_ =	shalt  }
0x3f: {  	_ =	shalt  }
0x40: {  	_ =	shalt  }
0x41: {  	_ =	shalt  }
0x42: {  	_ =	shalt  }
0x43: {  	_ =	shalt  }
0x44: {  	_ =	shalt  }
0x45: {  	_ =	shalt  }
0x46: {  	_ =	shalt  }
0x47: {  	_ =	shalt  }
0x48: {  	_ =	shalt  }
0x49: {  	_ =	shalt  }
0x4a: {  	_ =	shalt  }
0x4b: {  	_ =	shalt  }
0x4c: {  	_ =	shalt  }
0x4d: {  	_ =	shalt  }
0x4e: {  	_ =	shalt  }
0x4f: {  	_ =	shalt  }
0x50: {  	_ =	shalt  }
0x51: {  	_ =	shalt  }
0x52: {  	_ =	shalt  }
0x53: {  	_ =	shalt  }
0x54: {  	_ =	shalt  }
0x55: {  	_ =	shalt  }
0x56: {  	_ =	shalt  }
0x57: {  	_ =	shalt  }
0x58: {  	_ =	shalt  }
0x59: {  	_ =	shalt  }
0x5a: {  	_ =	shalt  }
0x5b: {  	_ =	shalt  }
0x5c: {  	_ =	shalt  }
0x5d: {  	_ =	shalt  }
0x5e: {  	_ =	shalt  }
0x5f: {  	_ =	shalt  }
0x60: {  	_ =	shalt  }
0x61: {  	_ =	shalt  }
0x62: {  	_ =	shalt  }
0x63: {  	_ =	shalt  }
0x64: {  	_ =	shalt  }
0x65: {  	_ =	shalt  }
0x66: {  	_ =	shalt  }
0x67: {  	_ =	shalt  }
0x68: {  	_ =	shalt  }
0x69: {  	_ =	shalt  }
0x6a: {  	_ =	shalt  }
0x6b: {  	_ =	shalt  }
0x6c: {  	_ =	shalt  }
0x6d: {  	_ =	shalt  }
0x6e: {  	_ =	shalt  }
0x6f: {  	_ =	shalt  }
0x70: {  	_ =	shalt  }
0x71: {  	_ =	shalt  }
0x72: {  	_ =	shalt  }
0x73: {  	_ =	shalt  }
0x74: {  	_ =	shalt  }
0x75: {  	_ =	shalt  }
0x76: {  	_ =	shalt  }
0x77: {  	_ =	shalt  }
0x78: {  	_ =	shalt  }
0x79: {  	_ =	shalt  }
0x7a: {  	_ =	shalt  }
0x7b: {  	_ =	shalt  }
0x7c: {  	_ =	shalt  }
0x7d: {  	_ =	shalt  }
0x7e: {  	_ =	shalt  }
0x7f: {  	_ =	shalt  }
0x80: {  	_ =	shalt  }
0x81: {  	_ =	shalt  }
0x82: {  	_ =	shalt  }
0x83: {  	_ =	shalt  }
0x84: {  	_ =	shalt  }
0x85: {  	_ =	shalt  }
0x86: {  	_ =	shalt  }
0x87: {  	_ =	shalt  }
.Lfunc_end0:
.L_simem_size_0:
called_computation.3_lowered:
.L_overlay_start_0:
0x88: {  	s2 =	sld [smem:$0x3FD9]  }
0x89: {  	s3 =	sld [smem:$0x3FFE];
	_ =	sdelay $0x1  }
0x8a: {  	s1 =	srdreg.scid  }
0x8b: {  	s0 =	sand.u32 $0x1, s1  }
0x8c: {  	s16 =	sshll.u32 s0, $0xA;
	s2 =	sadd.s32 s3, s2  }
0x8d: {  	s2 =	sadd.s32 s2, s16  }
0x8e: {  	[smem:$0x3FBB] =	sst s2  }
0x8f: {  	_ = 	snop  }
0x90: {  	(tm) =	ssettm $0x1  }
0x91: {  	s17 =	sld [smem:$0x3FFB];
	_ =	sdelay $0x3  }
0x92: {  	_ =	strace s17  }
0x93: {  	s2 =	sld [smem:$0x3FFC];
	_ =	sdelay $0x3  }
0x94: {  	_ =	strace s2  }
0x95: {  	s2 =	sld [smem:$0x3FFD];
	_ =	sdelay $0x3  }
0x96: {  	_ =	strace s2  }
0x97: {  	_ =	strace $0x8FFFFFFF  }
0x98: {  	s18 =	sld [smem:$0x3FDB];
	_ =	sdelay $0x1  }
0x99: {  	s19 =	simm.s32 $_scs_section_size  }
0x9a: {  	s4 =	simm.s32 $_size__tile_overlayer_lowered;
	s5 =	simm.s32 $_tile_overlayer_lowered  }
0x9b: {  	s22 =	simm.s32 $0x1BFF;
	s21 =	sshll.u32 s5, $0x1;
	s2 =	sadd.s32 s19, s18  }
0x9c: {  	s6 =	simm.s32 $0x0;
	s20 =	sshll.u32 s4, $0x1;
	s4 =	sadd.s32 s21, s2  }
0x9d: {  	[timem:s6], [sflag:s22] =	dma.local [hbm:s4], s20  }
0x9e: {  	_ =	swait.ge [sflag:s22], s20  }
0x9f: {  	s3 =	ssub.s32 $0x0, s20;
	[sflag:s22] =	ssyncset.done $0x0  }
0xa0: {  	[sflag:s22] =	ssyncadd.s32 s3;
	_ =	sdelay $0x1  }
0xa1: {  	s23 =	simm.s32 $0x1B8B  }
0xa2: {  	_ =	swait.ge [sflag:s23], $0x1  }
0xa3: {  	[sflag:s23] =	ssyncset.done $0x0  }
0xa4: {  	s25 =	simm.s32 $0x1B8E;
	s24 =	sld [smem:$0x3FFE];
	[sflag:s23] =	ssyncadd.s32 $0xFFFFFFFF  }
0xa5: {  	s26 =	simm.s32 $execute0_lowered;
	[smem:$0x3FD2] =	sst s25  }
0xa6: {  	s4 =	sshll.u32 s26, $0x1;
	_ =	strace $0x8000004F;
	[dreg:$0x1] =	wrdreg $0xFFFFFFFF  }
0xa7: {  	s28 =	simm.s32 $_size_execute0_lowered;
	s2 =	sadd.s32 s2, s4;
	[dreg:$0x0] =	wrdreg $0x0  }
0xa8: {  	s4 =	sshll.u32 s28, $0x1;
	[dreg:$0x2] =	wrdreg s2  }
0xa9: {  	[dreg:$0x3] =	wrdreg s4  }
0xaa: {  	[dreg:$0x4] =	wrdreg $0xC0  }
0xab: {  	_ =	task [dreg:s6], $0x5FFFF  }
0xac: {  	[dreg:$0x1] =	wrdreg $0xFFFFFFFF  }
0xad: {  	[dreg:$0x0] =	wrdreg $0x60  }
0xae: {  	[dreg:$0x2] =	wrdreg s24  }
0xaf: {  	[dreg:$0x3] =	wrdreg $0x40000  }
0xb0: {  	[dreg:$0x4] =	wrdreg $0x9  }
0xb1: {  	_ =	task.clear_ibuf [dreg:s6], $0x5FFFF;
	_ =	strace $0x9000004F  }
0xb2: {  	s29 =	simm.s32 $0x9;
	_ =	strace $0x80000051  }
0xb3: {  	_ =	swait.ge [sflag:s29], $0x1  }
0xb4: {  	[sflag:s29] =	ssyncadd.s32 $0xFFFFFFFF  }
0xb5: {  	_ =	strace $0x90000051  }
0xb6: {  	_ =	sfence  }
0xb7: {  	s30 =	sld [smem:$0x0];
	_ =	sdelay $0x2  }
0xb8: {  	s31 =	sshll.u32 s1, $0xD;
	s1 =	sshrl.u32 s1, $0x2  }
0xb9: {  	s3 =	sand.u32 $0x4000, s31;
	s1 =	sadd.s32 s1, s30  }
0xba: {  	s0 =	sor.u32 s3, s0;
	s1 =	sshll.u32 s1, $0x11  }
0xbb: {  	s0 =	sor.u32 s1, s0  }
0xbc: {  	s0 =	sadd.s32 $0x8F2B, s0  }
0xbd: {  	[sflag:s0] =	ssyncadd.remote.s32 $0x1  }
0xbe: {  	_ =	sfence.sel $0xFFFF  }
0xbf: {  	[dreg:$0x0] =	wrdreg $0xFFFFFFFF;
	(pc) =	sbr.abs _section_cstart, $3  }
0xc0: {  	[dreg:$0x1] =	wrdreg $0xFFFFFFFF  }
0xc1: {  	_ =	task.clear_ibuf [dreg:s6], $0x2FFFF;
	_ =	strace $0x9FFFFFFF  }
0xc2: {  	(tm) =	ssettm $0x7FFFFFFF  }
0xc3: {  	_ =	shalt  }
tec
execute0_lowered:
.L_overlay_start_1:
0x0: {  	(tag) =	ssettag $0x1  }
0x1: {  	s28 =	rddreg [dreg:$0x0]  }
0x2: {  	s1 =	rddreg [dreg:$0x1]  }
0x3: {  	s0 =	rddreg [dreg:$0x2]  }
0x4: {  	s3 =	simm.s32 $0x0;
	s7 =	srdreg.scid;
	s2 =	stileid.u32  }
0x5: {  	s6 =	simm.s32 $0x2C00;
	s5 =	simm.s32 $0x1;
	[smem:$0x7FF] =	sst s3  }
0x6: {  	s4 =	sadd.s32 $0x53400, s28;
	s8 =	smul.u32 $0x5000, s2;
	_ =	strace $0x80000050  }
0x7: {  	[tilespmem:s6], [sflag:$0x1] =	stream.linear.gather [hbm4b:s4+s3], $0x1400, $0x38;
	[tilespmem:$0x5400] =	vst v63  }
0x8: {  	s29 =	sand.u32 $0x1, s7;
	_ =	swait.ge [sflag:s5], $0x1400  }
0x9: {  	s7 =	sshll.u32 s29, $0x4;
	s8 =	sshrl.u32 s8, $0x2;
	[sflag:s5] =	ssyncset.done $0x0  }
0xa: {  	s11 =	sor.u32 s2, s7;
	s7 =	sadd.s32 s8, s1;
	[sflag:s5] =	ssyncadd.s32 $0xFFFFEC00  }
0xb: {  	[spmem:s7] =	stream.linear.scatter [tilespmem:s6], [sflag:$0x1], $0x1400, $0x38;
	[tilespmem:$0x5400] =	vst v63  }
0xc: {  	s31 =	sshll.u32 s11, $0x6;
	_ =	swait.ge [sflag:s5], $0x1400  }
0xd: {  	s9 =	sadd.s32 s31, s28;
	[sflag:s5] =	ssyncset.done $0x0  }
0xe: {  	s8 =	sadd.s32 $0x52400, s9;
	[sflag:s5] =	ssyncadd.s32 $0xFFFFEC00  }
0xf: {  	[tilespmem:s3], [sflag:$0x1] =	stream.linear.gather [hbm4b:s8+s3], $0x200, $0x38;
	[tilespmem:$0x5400] =	vst v63  }
0x10: {  	_ =	swait.ge [sflag:s5], $0x200  }
0x11: {  	[sflag:s5] =	ssyncset.done $0x0  }
0x12: {  	s10 =	simm.s32 $0x200;
	s9 =	sadd.s32 $0x52C00, s9;
	[sflag:s5] =	ssyncadd.s32 $0xFFFFFE00  }
0x13: {  	[tilespmem:s10], [sflag:$0x1] =	stream.linear.gather [hbm4b:s9+s3], $0x200, $0x38;
	[tilespmem:$0x5400] =	vst v63  }
0x14: {  	_ =	swait.ge [sflag:s5], $0x200  }
0x15: {  	s24 =	smul.u32 $0x1400, s11;
	[sflag:s5] =	ssyncset.done $0x0  }
0x16: {  	s23 =	sadd.s32 $0x2A400, s28;
	[sflag:s5] =	ssyncadd.s32 $0xFFFFFE00  }
0x17: {  	s12 =	simm.s32 $0x400;
	s11 =	sadd.s32 s23, s24;
	[bflag:$0x0] =	sbarrier.arrive $0xFFFF  }
0x18: {  	[tilespmem:s12], [sflag:$0x1] =	stream.linear.gather [hbm4b:s11+s3], $0x2800, $0x38;
	[tilespmem:$0x5400] =	vst v63  }
0x19: {  	_ =	swait.ge [sflag:s5], $0x2800  }
0x1a: {  	[sflag:s5] =	ssyncset.done $0x0  }
0x1b: {  	s13 =	simm.s32 $0x50;
	[sflag:s5] =	ssyncadd.s32 $0xFFFFD800  }
0x1c: {  	[spmem:s1] =	stream.indirect.scatter.add.f32 [tilespmem:s12], [sflag:$0x1], $0x80, s3, s13, $0xb8;
	[tilespmem:$0x5400] =	vst v63  }
0x1d: {  	_ =	swait.ge [sflag:s5], $0x2800  }
0x1e: {  	s25 =	sadd.s32 $0x2400, s28;
	[sflag:s5] =	ssyncset.done $0x0  }
0x1f: {  	s14 =	sadd.s32 s25, s24;
	[sflag:s5] =	ssyncadd.s32 $0xFFFFD800  }
0x20: {  	[tilespmem:s12], [sflag:$0x1] =	stream.linear.gather [hbm4b:s14+s3], $0x2800, $0x38;
	[tilespmem:$0x5400] =	vst v63  }
0x21: {  	_ =	swait.ge [sflag:s5], $0x2800  }
0x22: {  	[sflag:s5] =	ssyncset.done $0x0  }
0x23: {  	[sflag:s5] =	ssyncadd.s32 $0xFFFFD800  }
0x24: {  	[spmem:s1] =	stream.indirect.scatter.add.f32 [tilespmem:s12], [sflag:$0x1], $0x80, s10, s13, $0xb8;
	[tilespmem:$0x5400] =	vst v63  }
0x25: {  	_ =	swait.ge [sflag:s5], $0x2800  }
0x26: {  	s17 =	sadd.s32 $0x500, s24;
	[sflag:s5] =	ssyncset.done $0x0  }
0x27: {  	s15 =	sadd.s32 s23, s17;
	[sflag:s5] =	ssyncadd.s32 $0xFFFFD800  }
0x28: {  	[tilespmem:s12], [sflag:$0x1] =	stream.linear.gather [hbm4b:s15+s3], $0x2800, $0x38;
	[tilespmem:$0x5400] =	vst v63  }
0x29: {  	_ =	swait.ge [sflag:s5], $0x2800  }
0x2a: {  	[sflag:s5] =	ssyncset.done $0x0  }
0x2b: {  	s16 =	simm.s32 $0x80;
	[sflag:s5] =	ssyncadd.s32 $0xFFFFD800  }
0x2c: {  	[spmem:s1] =	stream.indirect.scatter.add.f32 [tilespmem:s12], [sflag:$0x1], $0x80, s16, s13, $0xb8;
	[tilespmem:$0x5400] =	vst v63  }
0x2d: {  	_ =	swait.ge [sflag:s5], $0x2800  }
0x2e: {  	[sflag:s5] =	ssyncset.done $0x0  }
0x2f: {  	s17 =	sadd.s32 s25, s17;
	[sflag:s5] =	ssyncadd.s32 $0xFFFFD800  }
0x30: {  	[tilespmem:s12], [sflag:$0x1] =	stream.linear.gather [hbm4b:s17+s3], $0x2800, $0x38;
	[tilespmem:$0x5400] =	vst v63  }
0x31: {  	_ =	swait.ge [sflag:s5], $0x2800  }
0x32: {  	[sflag:s5] =	ssyncset.done $0x0  }
0x33: {  	s18 =	simm.s32 $0x280;
	[sflag:s5] =	ssyncadd.s32 $0xFFFFD800  }
0x34: {  	[spmem:s1] =	stream.indirect.scatter.add.f32 [tilespmem:s12], [sflag:$0x1], $0x80, s18, s13, $0xb8;
	[tilespmem:$0x5400] =	vst v63  }
0x35: {  	_ =	swait.ge [sflag:s5], $0x2800  }
0x36: {  	s21 =	sadd.s32 $0xA00, s24;
	[sflag:s5] =	ssyncset.done $0x0  }
0x37: {  	s19 =	sadd.s32 s23, s21;
	[sflag:s5] =	ssyncadd.s32 $0xFFFFD800  }
0x38: {  	[tilespmem:s12], [sflag:$0x1] =	stream.linear.gather [hbm4b:s19+s3], $0x2800, $0x38;
	[tilespmem:$0x5400] =	vst v63  }
0x39: {  	_ =	swait.ge [sflag:s5], $0x2800  }
0x3a: {  	[sflag:s5] =	ssyncset.done $0x0  }
0x3b: {  	s20 =	simm.s32 $0x100;
	[sflag:s5] =	ssyncadd.s32 $0xFFFFD800  }
0x3c: {  	[spmem:s1] =	stream.indirect.scatter.add.f32 [tilespmem:s12], [sflag:$0x1], $0x80, s20, s13, $0xb8;
	[tilespmem:$0x5400] =	vst v63  }
0x3d: {  	_ =	swait.ge [sflag:s5], $0x2800  }
0x3e: {  	[sflag:s5] =	ssyncset.done $0x0  }
0x3f: {  	s21 =	sadd.s32 s25, s21;
	[sflag:s5] =	ssyncadd.s32 $0xFFFFD800  }
0x40: {  	[tilespmem:s12], [sflag:$0x1] =	stream.linear.gather [hbm4b:s21+s3], $0x2800, $0x38;
	[tilespmem:$0x5400] =	vst v63  }
0x41: {  	_ =	swait.ge [sflag:s5], $0x2800  }
0x42: {  	[sflag:s5] =	ssyncset.done $0x0  }
0x43: {  	s22 =	simm.s32 $0x300;
	[sflag:s5] =	ssyncadd.s32 $0xFFFFD800  }
0x44: {  	[spmem:s1] =	stream.indirect.scatter.add.f32 [tilespmem:s12], [sflag:$0x1], $0x80, s22, s13, $0xb8;
	[tilespmem:$0x5400] =	vst v63  }
0x45: {  	_ =	swait.ge [sflag:s5], $0x2800  }
0x46: {  	s26 =	sadd.s32 $0xF00, s24;
	[sflag:s5] =	ssyncset.done $0x0  }
0x47: {  	s23 =	sadd.s32 s23, s26;
	[sflag:s5] =	ssyncadd.s32 $0xFFFFD800  }
0x48: {  	[tilespmem:s12], [sflag:$0x1] =	stream.linear.gather [hbm4b:s23+s3], $0x2800, $0x38;
	[tilespmem:$0x5400] =	vst v63  }
0x49: {  	_ =	swait.ge [sflag:s5], $0x2800  }
0x4a: {  	[sflag:s5] =	ssyncset.done $0x0  }
0x4b: {  	s24 =	simm.s32 $0x180;
	[sflag:s5] =	ssyncadd.s32 $0xFFFFD800  }
0x4c: {  	[spmem:s1] =	stream.indirect.scatter.add.f32 [tilespmem:s12], [sflag:$0x1], $0x80, s24, s13, $0xb8;
	[tilespmem:$0x5400] =	vst v63  }
0x4d: {  	_ =	swait.ge [sflag:s5], $0x2800  }
0x4e: {  	[sflag:s5] =	ssyncset.done $0x0  }
0x4f: {  	s25 =	sadd.s32 s25, s26;
	[sflag:s5] =	ssyncadd.s32 $0xFFFFD800  }
0x50: {  	[tilespmem:s12], [sflag:$0x1] =	stream.linear.gather [hbm4b:s25+s3], $0x2800, $0x38;
	[tilespmem:$0x5400] =	vst v63  }
0x51: {  	_ =	swait.ge [sflag:s5], $0x2800  }
0x52: {  	s30 =	smul.u32 $0x14000, s29;
	[sflag:s5] =	ssyncset.done $0x0  }
0x53: {  	s31 =	smul.u32 $0x1400, s2;
	s26 =	simm.s32 $0x380;
	[sflag:s5] =	ssyncadd.s32 $0xFFFFD800  }
0x54: {  	[spmem:s1] =	stream.indirect.scatter.add.f32 [tilespmem:s12], [sflag:$0x1], $0x80, s26, s13, $0xb8;
	[tilespmem:$0x5400] =	vst v63  }
0x55: {  	s29 =	ssub.s32 $0x2, s29;
	_ =	swait.ge [sflag:s5], $0x2800  }
0x56: {  	s30 =	sadd.s32 s31, s30;
	s31 =	sshrl.u32 s29, $0x1;
	[sflag:s5] =	ssyncset.done $0x0  }
0x57: {  	s29 =	ssub.s32 s29, s31;
	[sflag:s5] =	ssyncadd.s32 $0xFFFFD800  }
0x58: {  	s29 =	smax.u32 s29, $0x1;
	[bflag:$0x0] =	sbarrier.arrive $0xFFFF  }
0x59: {  	[tilespmem:s6], [sflag:$0x1] =	stream.linear.gather [spmem:s7], $0x1400, $0x38;
	[tilespmem:$0x5400] =	vst v63  }
0x5a: {  	s30 =	sshrl.u32 s30, $0x3;
	p0 =	sne.s32 s29, $0x1;
	_ =	swait.ge [sflag:s5], $0x1400  }
.Ltmp0:
0x5b: {  	s28 =	sadd.s32 s30, s28;
	[sflag:s5] =	ssyncset.done $0x0;
	(pc) =	sbr.rel @!p0 .LBB2_2-.Ltmp0, $4  }
0x5c: {  	s28 =	sadd.s32 $0x53800, s28;
	[sflag:s5] =	ssyncadd.s32 $0xFFFFEC00  }
0x5d: {  	[hbm4b:s28+s3] =	stream.linear.scatter [tilespmem:s6], [sflag:$0x1], $0x1400, $0x38;
	[tilespmem:$0x5400] =	vst v63  }
0x5e: {  	_ =	swait.ge [sflag:s5], $0x1400  }
0x5f: {  	s29 =	sadd.s32 $0xFFFFFFFF, s29;
	[sflag:s5] =	ssyncset.done $0x0  }
.LBB2_1:
0x60: {  	p0 =	sne.s32 s29, $0x1;
	s29 =	sadd.s32 $0xFFFFFFFF, s29;
	[sflag:s5] =	ssyncadd.s32 $0xFFFFEC00  }
0x61: {  	[tilespmem:s6], [sflag:$0x1] =	stream.linear.gather [hbm4b:s4+s3], $0x1400, $0x38;
	[tilespmem:$0x5400] =	vst v63  }
0x62: {  	_ =	swait.ge [sflag:s5], $0x1400  }
0x63: {  	[sflag:s5] =	ssyncset.done $0x0  }
0x64: {  	[sflag:s5] =	ssyncadd.s32 $0xFFFFEC00  }
0x65: {  	[spmem:s7] =	stream.linear.scatter [tilespmem:s6], [sflag:$0x1], $0x1400, $0x38;
	[tilespmem:$0x5400] =	vst v63  }
0x66: {  	_ =	swait.ge [sflag:s5], $0x1400  }
0x67: {  	[sflag:s5] =	ssyncset.done $0x0  }
0x68: {  	[sflag:s5] =	ssyncadd.s32 $0xFFFFEC00  }
0x69: {  	[tilespmem:s3], [sflag:$0x1] =	stream.linear.gather [hbm4b:s8+s3], $0x200, $0x38;
	[tilespmem:$0x5400] =	vst v63  }
0x6a: {  	_ =	swait.ge [sflag:s5], $0x200  }
0x6b: {  	[sflag:s5] =	ssyncset.done $0x0  }
0x6c: {  	[sflag:s5] =	ssyncadd.s32 $0xFFFFFE00  }
0x6d: {  	[tilespmem:s10], [sflag:$0x1] =	stream.linear.gather [hbm4b:s9+s3], $0x200, $0x38;
	[tilespmem:$0x5400] =	vst v63  }
0x6e: {  	_ =	swait.ge [sflag:s5], $0x200  }
0x6f: {  	[sflag:s5] =	ssyncset.done $0x0  }
0x70: {  	[sflag:s5] =	ssyncadd.s32 $0xFFFFFE00  }
0x71: {  	[bflag:$0x0] =	sbarrier.arrive $0xFFFF  }
0x72: {  	[tilespmem:s12], [sflag:$0x1] =	stream.linear.gather [hbm4b:s11+s3], $0x2800, $0x38;
	[tilespmem:$0x5400] =	vst v63  }
0x73: {  	_ =	swait.ge [sflag:s5], $0x2800  }
0x74: {  	[sflag:s5] =	ssyncset.done $0x0  }
0x75: {  	[sflag:s5] =	ssyncadd.s32 $0xFFFFD800  }
0x76: {  	[spmem:s1] =	stream.indirect.scatter.add.f32 [tilespmem:s12], [sflag:$0x1], $0x80, s3, s13, $0xb8;
	[tilespmem:$0x5400] =	vst v63  }
0x77: {  	_ =	swait.ge [sflag:s5], $0x2800  }
0x78: {  	[sflag:s5] =	ssyncset.done $0x0  }
0x79: {  	[sflag:s5] =	ssyncadd.s32 $0xFFFFD800  }
0x7a: {  	[tilespmem:s12], [sflag:$0x1] =	stream.linear.gather [hbm4b:s14+s3], $0x2800, $0x38;
	[tilespmem:$0x5400] =	vst v63  }
0x7b: {  	_ =	swait.ge [sflag:s5], $0x2800  }
0x7c: {  	[sflag:s5] =	ssyncset.done $0x0  }
0x7d: {  	[sflag:s5] =	ssyncadd.s32 $0xFFFFD800  }
0x7e: {  	[spmem:s1] =	stream.indirect.scatter.add.f32 [tilespmem:s12], [sflag:$0x1], $0x80, s10, s13, $0xb8;
	[tilespmem:$0x5400] =	vst v63  }
0x7f: {  	_ =	swait.ge [sflag:s5], $0x2800  }
0x80: {  	[sflag:s5] =	ssyncset.done $0x0  }
0x81: {  	[sflag:s5] =	ssyncadd.s32 $0xFFFFD800  }
0x82: {  	[tilespmem:s12], [sflag:$0x1] =	stream.linear.gather [hbm4b:s15+s3], $0x2800, $0x38;
	[tilespmem:$0x5400] =	vst v63  }
0x83: {  	_ =	swait.ge [sflag:s5], $0x2800  }
0x84: {  	[sflag:s5] =	ssyncset.done $0x0  }
0x85: {  	[sflag:s5] =	ssyncadd.s32 $0xFFFFD800  }
0x86: {  	[spmem:s1] =	stream.indirect.scatter.add.f32 [tilespmem:s12], [sflag:$0x1], $0x80, s16, s13, $0xb8;
	[tilespmem:$0x5400] =	vst v63  }
0x87: {  	_ =	swait.ge [sflag:s5], $0x2800  }
0x88: {  	[sflag:s5] =	ssyncset.done $0x0  }
0x89: {  	[sflag:s5] =	ssyncadd.s32 $0xFFFFD800  }
0x8a: {  	[tilespmem:s12], [sflag:$0x1] =	stream.linear.gather [hbm4b:s17+s3], $0x2800, $0x38;
	[tilespmem:$0x5400] =	vst v63  }
0x8b: {  	_ =	swait.ge [sflag:s5], $0x2800  }
0x8c: {  	[sflag:s5] =	ssyncset.done $0x0  }
0x8d: {  	[sflag:s5] =	ssyncadd.s32 $0xFFFFD800  }
0x8e: {  	[spmem:s1] =	stream.indirect.scatter.add.f32 [tilespmem:s12], [sflag:$0x1], $0x80, s18, s13, $0xb8;
	[tilespmem:$0x5400] =	vst v63  }
0x8f: {  	_ =	swait.ge [sflag:s5], $0x2800  }
0x90: {  	[sflag:s5] =	ssyncset.done $0x0  }
0x91: {  	[sflag:s5] =	ssyncadd.s32 $0xFFFFD800  }
0x92: {  	[tilespmem:s12], [sflag:$0x1] =	stream.linear.gather [hbm4b:s19+s3], $0x2800, $0x38;
	[tilespmem:$0x5400] =	vst v63  }
0x93: {  	_ =	swait.ge [sflag:s5], $0x2800  }
0x94: {  	[sflag:s5] =	ssyncset.done $0x0  }
0x95: {  	[sflag:s5] =	ssyncadd.s32 $0xFFFFD800  }
0x96: {  	[spmem:s1] =	stream.indirect.scatter.add.f32 [tilespmem:s12], [sflag:$0x1], $0x80, s20, s13, $0xb8;
	[tilespmem:$0x5400] =	vst v63  }
0x97: {  	_ =	swait.ge [sflag:s5], $0x2800  }
0x98: {  	[sflag:s5] =	ssyncset.done $0x0  }
0x99: {  	[sflag:s5] =	ssyncadd.s32 $0xFFFFD800  }
0x9a: {  	[tilespmem:s12], [sflag:$0x1] =	stream.linear.gather [hbm4b:s21+s3], $0x2800, $0x38;
	[tilespmem:$0x5400] =	vst v63  }
0x9b: {  	_ =	swait.ge [sflag:s5], $0x2800  }
0x9c: {  	[sflag:s5] =	ssyncset.done $0x0  }
0x9d: {  	[sflag:s5] =	ssyncadd.s32 $0xFFFFD800  }
0x9e: {  	[spmem:s1] =	stream.indirect.scatter.add.f32 [tilespmem:s12], [sflag:$0x1], $0x80, s22, s13, $0xb8;
	[tilespmem:$0x5400] =	vst v63  }
0x9f: {  	_ =	swait.ge [sflag:s5], $0x2800  }
0xa0: {  	[sflag:s5] =	ssyncset.done $0x0  }
0xa1: {  	[sflag:s5] =	ssyncadd.s32 $0xFFFFD800  }
0xa2: {  	[tilespmem:s12], [sflag:$0x1] =	stream.linear.gather [hbm4b:s23+s3], $0x2800, $0x38;
	[tilespmem:$0x5400] =	vst v63  }
0xa3: {  	_ =	swait.ge [sflag:s5], $0x2800  }
0xa4: {  	[sflag:s5] =	ssyncset.done $0x0  }
0xa5: {  	[sflag:s5] =	ssyncadd.s32 $0xFFFFD800  }
0xa6: {  	[spmem:s1] =	stream.indirect.scatter.add.f32 [tilespmem:s12], [sflag:$0x1], $0x80, s24, s13, $0xb8;
	[tilespmem:$0x5400] =	vst v63  }
0xa7: {  	_ =	swait.ge [sflag:s5], $0x2800  }
0xa8: {  	[sflag:s5] =	ssyncset.done $0x0  }
0xa9: {  	[sflag:s5] =	ssyncadd.s32 $0xFFFFD800  }
0xaa: {  	[tilespmem:s12], [sflag:$0x1] =	stream.linear.gather [hbm4b:s25+s3], $0x2800, $0x38;
	[tilespmem:$0x5400] =	vst v63  }
0xab: {  	_ =	swait.ge [sflag:s5], $0x2800  }
0xac: {  	[sflag:s5] =	ssyncset.done $0x0  }
0xad: {  	[sflag:s5] =	ssyncadd.s32 $0xFFFFD800  }
0xae: {  	[spmem:s1] =	stream.indirect.scatter.add.f32 [tilespmem:s12], [sflag:$0x1], $0x80, s26, s13, $0xb8;
	[tilespmem:$0x5400] =	vst v63  }
0xaf: {  	_ =	swait.ge [sflag:s5], $0x2800  }
0xb0: {  	[sflag:s5] =	ssyncset.done $0x0  }
0xb1: {  	[sflag:s5] =	ssyncadd.s32 $0xFFFFD800  }
0xb2: {  	[bflag:$0x0] =	sbarrier.arrive $0xFFFF  }
0xb3: {  	[tilespmem:s6], [sflag:$0x1] =	stream.linear.gather [spmem:s7], $0x1400, $0x38;
	[tilespmem:$0x5400] =	vst v63  }
0xb4: {  	_ =	swait.ge [sflag:s5], $0x1400  }
.Ltmp1:
0xb5: {  	[sflag:s5] =	ssyncset.done $0x0;
	(pc) =	sbr.rel @p0 .LBB2_1-.Ltmp1, $4  }
0xb6: {  	[sflag:s5] =	ssyncadd.s32 $0xFFFFEC00  }
0xb7: {  	[hbm4b:s28+s3] =	stream.linear.scatter [tilespmem:s6], [sflag:$0x1], $0x1400, $0x38;
	[tilespmem:$0x5400] =	vst v63  }
0xb8: {  	_ =	swait.ge [sflag:s5], $0x1400  }
0xb9: {  	[sflag:s5] =	ssyncset.done $0x0  }
.LBB2_2:
0xba: {  	[sflag:s5] =	ssyncadd.s32 $0xFFFFEC00  }
0xbb: {  	_ =	sfence.sel $0x180000  }
0xbc: {  	[bflag:$0x0] =	sbarrier.arrive $0xFFFF  }
0xbd: {  	p0 =	sne.s32 s2, $0x0;
	_ =	strace $0x90000050  }
0xbe: {  	s0 =	sadd.s32 @!p0 $0x100000, s0;
	[bflag:$0x2] =	sbarrier.arrive $0xFFFF  }
0xbf: {  	[sflag:s0] =	ssyncadd.tile.s32 @!p0 $0x1;
	_ =	shalt  }
.Lfunc_end2:
_tile_overlayer_lowered:
.L_overlay_start_2:
0xc0: {  	(tag) =	ssettag $0x2  }
0xc1: {  	s0 =	rddreg [dreg:$0x0];
	s2 =	stileid.u32  }
0xc2: {  	s1 =	rddreg [dreg:$0x1];
	p0 =	sne.s32 s2, $0x0  }
0xc3: {  	s3 =	rddreg [dreg:$0x2];
	[bflag:$0x3] =	sbarrier.arrive $0xFFFF;
	s2 =	simm.s32 @!p0 $0x1C01  }
0xc4: {  	[timem:s3], [sflag:s2] =	dma.local @!p0 [hbm:s0], s1  }
0xc5: {  	s0 =	simm.s32 @!p0 $0x1  }
0xc6: {  	_ =	swait.ge @!p0 [sflag:s0], s1  }
0xc7: {  	s1 =	ssub.s32 @!p0 $0x0, s1;
	[sflag:s0] =	ssyncset.done @!p0 $0x0  }
0xc8: {  	[sflag:s0] =	ssyncadd.s32 @!p0 s1  }
0xc9: {  	[bflag:$0x3] =	sbarrier.arrive $0xFFFF  }
0xca: {  	_ =	shalt  }

</sc_bundles>
